<compile_context>
chip_gen: v7x
topology: tpu7x:2x2x1
jax: 0.10.2.dev20260603
libtpu: 0.0.44.dev20260713+nightly
codegen_flags: <defaults>
</compile_context>

<pallas_src>
import functools

import jax
import jax.numpy as jnp
from jax import lax
from jax.experimental import pallas as pl
from jax.experimental.pallas import tpu as pltpu
from jax.experimental.pallas import tpu_sc as plsc

_L = 16
_ACC_ROWS = 8
_CNT_ROW = 5
_SUPER = 32
_ALIGN = 128


def _sc_scan_body(chunk, win, nsuper, n_rel, num_cores, e_total,
                  x_hbm, edge_hbm, typ_hbm, part_hbm,
                  edge_v, typ_v, idx_v, rows_v, acc_v, cnt_v, sem):
    sid = lax.axis_index("s")
    wid = sid * num_cores + lax.axis_index("c")
    start = wid * chunk
    astart = jnp.minimum((start // _ALIGN) * _ALIGN, e_total - win)
    delta = start - astart

    cp_edge = pltpu.async_copy(edge_hbm.at[:, pl.ds(astart, win)],
                               edge_v.at[:, pl.ds(0, win)], sem)
    cp_typ = pltpu.async_copy(typ_hbm.at[pl.ds(start, chunk)],
                              typ_v.at[pl.ds(0, chunk)], sem)

    zf = jnp.zeros((_L,), jnp.float32)
    nchunks_all = _ACC_ROWS * rows_v.shape[1] // _L

    ncol = rows_v.shape[1] // _L

    def zinit(j, carry):
        acc_v[j // ncol, pl.ds((j % ncol) * _L, _L)] = zf
        return carry

    lax.fori_loop(0, nchunks_all, zinit, 0)
    for row in range(_ACC_ROWS):
        cnt_v[row, :] = zf

    cp_edge.wait()
    cp_typ.wait()

    ones_i = jnp.ones((_L,), jnp.int32)
    lanes = lax.iota(jnp.int32, _L)
    tail = (chunk // _L) * _L
    rem = chunk - tail
    if rem:
        blk = edge_v[1, pl.ds(delta + tail, _L)]
        edge_v[1, pl.ds(delta + tail, _L)] = jnp.where(lanes < rem, blk,
                                                       ones_i)
    for b in range((chunk + _L - 1) // _L, nsuper * _SUPER):
        edge_v[1, pl.ds(delta + b * _L, _L)] = ones_i

    def fine_step(b, carry):
        off = delta + b * _L
        dstv = edge_v[1, pl.ds(off, _L)]
        mask = dstv == 0
        nhit = jnp.sum(mask.astype(jnp.int32))

        @pl.when(nhit > 0)
        def _hit():
            dstv2 = edge_v[1, pl.ds(off, _L)]
            mask2 = dstv2 == 0
            srcv = edge_v[0, pl.ds(off, _L)]
            typv = typ_v[pl.ds(b * _L, _L)]
            idx_v[...] = jnp.where(mask2, srcv, 0)
            tdx = jnp.where(mask2, typv, _ACC_ROWS - 1)
            hit_i = jnp.where(mask2, 1, 0)
            cp = pltpu.async_copy(x_hbm.at[idx_v], rows_v, sem)
            ones_f = jnp.where(mask2, 1.0, 0.0).astype(jnp.float32)
            zero_f = jnp.zeros((_L,), jnp.float32)
            for r in range(n_rel):
                cnt_v[r, :] = cnt_v[r, :] + jnp.where(typv == r, ones_f,
                                                      zero_f)
            cp.wait()
            nchunks = rows_v.shape[1] // _L
            for lane in range(_L):
                @pl.when(hit_i[lane] > 0)
                def _add(lane=lane):
                    t_l = tdx[lane]

                    def addj(j, carry):
                        sl = pl.ds(j * _L, _L)
                        plsc.addupdate(acc_v.at[t_l, sl],
                                       rows_v[lane, sl])
                        return carry

                    lax.fori_loop(0, nchunks, addj, 0)

        return carry

    def super_step(s, carry):
        soff = delta + s * _SUPER * _L
        mv = edge_v[1, pl.ds(soff, _L)]
        for b in range(1, _SUPER):
            mv = jnp.minimum(mv, edge_v[1, pl.ds(soff + b * _L, _L)])
        nz = jnp.sum(jnp.where(mv == 0, 1, 0))

        @pl.when(nz > 0)
        def _scan_fine():
            lax.fori_loop(s * _SUPER, (s + 1) * _SUPER, fine_step, 0)

        return carry

    lax.fori_loop(0, nsuper, super_step, 0)

    for r in range(n_rel):
        acc_v[_CNT_ROW, pl.ds(r * _L, _L)] = cnt_v[r, :]
    pltpu.sync_copy(acc_v, part_hbm.at[wid])


def _tc_tail_body(n_rel, part_ref, comp_ref, bases_ref, root_ref,
                  bias_ref, x0_ref, wg_ref, bg_ref, ws_ref, bs_ref,
                  outg_ref, outs_ref):
    s = jnp.sum(part_ref[...], axis=0)
    rows = []
    for r in range(n_rel):
        cnt_r = jnp.sum(s[_CNT_ROW, r * _L:(r + 1) * _L])
        rows.append(s[r:r + 1, :] / jnp.maximum(cnt_r, 1.0))
    m = jnp.concatenate(rows, axis=0)
    v = lax.dot_general(comp_ref[...], m,
                        (((0,), (0,)), ((), ())),
                        preferred_element_type=jnp.float32)
    out0 = jnp.dot(x0_ref[...], root_ref[...],
                   preferred_element_type=jnp.float32) + bias_ref[...]
    for r in range(n_rel):
        out0 = out0 + jnp.dot(v[r:r + 1, :], bases_ref[r],
                              preferred_element_type=jnp.float32)
    h = jnp.maximum(out0, 0.0)

    def head(w_ref, b_ref, o_ref):
        lg = lax.dot_general(h, w_ref[...], (((1,), (1,)), ((), ())),
                             preferred_element_type=jnp.float32) + b_ref[...]
        mx = jnp.max(lg, axis=1, keepdims=True)
        lse = jnp.log(jnp.sum(jnp.exp(lg - mx), axis=1, keepdims=True))
        o_ref[...] = lg - mx - lse

    head(wg_ref, bg_ref, outg_ref)
    head(ws_ref, bs_ref, outs_ref)


def kernel(batch_x, batch_edge_index, batch_edge_type, comp, bases, root,
           bias, W_global, b_global, W_sense, b_sense):
    n, d = batch_x.shape
    e = batch_edge_type.shape[0]
    n_rel = comp.shape[0]
    g = W_global.shape[0]
    s_cnt = W_sense.shape[0]

    info = plsc.get_sparse_core_info()
    nw = info.num_cores * info.num_subcores
    chunk = e // nw
    nblk = (chunk + _L - 1) // _L
    nsuper = (nblk + _SUPER - 1) // _SUPER
    win = ((chunk + 2 * _ALIGN + _ALIGN - 1) // _ALIGN) * _ALIGN
    buf_minor = (win - chunk) + nsuper * _SUPER * _L

    sc_fn = pl.kernel(
        functools.partial(_sc_scan_body, chunk, win, nsuper, n_rel,
                          info.num_cores, e),
        out_type=jax.ShapeDtypeStruct((nw, _ACC_ROWS, d), jnp.float32),
        mesh=plsc.VectorSubcoreMesh(core_axis_name="c", subcore_axis_name="s"),
        compiler_params=pltpu.CompilerParams(needs_layout_passes=False),
        scratch_types=[
            pltpu.VMEM((2, buf_minor), jnp.int32),
            pltpu.VMEM((nblk * _L,), jnp.int32),
            pltpu.VMEM((_L,), jnp.int32),
            pltpu.VMEM((_L, d), jnp.float32),
            pltpu.VMEM((_ACC_ROWS, d), jnp.float32),
            pltpu.VMEM((_ACC_ROWS, _L), jnp.float32),
            pltpu.SemaphoreType.DMA,
        ],
    )
    part = sc_fn(batch_x, batch_edge_index, batch_edge_type)

    x0 = lax.slice(batch_x, (0, 0), (1, d))
    outg, outs = pl.pallas_call(
        functools.partial(_tc_tail_body, n_rel),
        out_shape=(jax.ShapeDtypeStruct((1, g), jnp.float32),
                   jax.ShapeDtypeStruct((1, s_cnt), jnp.float32)),
    )(part, comp, bases, root, bias.reshape(1, d), x0,
      W_global, b_global.reshape(1, g), W_sense, b_sense.reshape(1, s_cnt))

    return (outg.reshape(g), outs.reshape(s_cnt))

# --- scband reference (transcript-rebuilt; emitter-appended) ---
"""Pipeline reference for scband-net-rgcn-34883724378522 (READ-ONLY COPY).

The authoritative reference and input builder live on the scoring server;
editing this copy changes nothing except your own understanding.
"""

import jax, jax.numpy as jnp
import numpy as np

N = 10000
E = 160000
D = 256
R = 5
LAST_SENSES = 2000
LAST_GLOBALS = 7000
G = LAST_GLOBALS - LAST_SENSES  # 5000


def setup_inputs(seed: int = 0) -> dict:
    key = jax.random.key(seed)
    ks = jax.random.split(key, 12)
    batch_x = jax.random.normal(ks[0], (N, D), dtype=jnp.float32)
    batch_edge_index = jax.random.randint(ks[1], (2, E), 0, N, dtype=jnp.int32)
    batch_edge_type = jax.random.randint(ks[2], (E,), 0, R, dtype=jnp.int32)
    # RGCNConv params (basis decomposition, num_bases = num_relations)
    comp = jax.random.normal(ks[3], (R, R), dtype=jnp.float32) * 0.1
    bases = jax.random.normal(ks[4], (R, D, D), dtype=jnp.float32) * (1.0 / np.sqrt(D))
    root = jax.random.normal(ks[5], (D, D), dtype=jnp.float32) * (1.0 / np.sqrt(D))
    bias = jnp.zeros((D,), dtype=jnp.float32)
    # output heads
    W_global = jax.random.normal(ks[6], (G, D), dtype=jnp.float32) * 0.02
    b_global = jnp.zeros((G,), dtype=jnp.float32)
    W_sense = jax.random.normal(ks[7], (S := LAST_SENSES, D), dtype=jnp.float32) * 0.02
    b_sense = jnp.zeros((S,), dtype=jnp.float32)
    return {
        "batch_x": batch_x,
        "batch_edge_index": batch_edge_index,
        "batch_edge_type": batch_edge_type,
        "comp": comp,
        "bases": bases,
        "root": root,
        "bias": bias,
        "W_global": W_global,
        "b_global": b_global,
        "W_sense": W_sense,
        "b_sense": b_sense,
    }


def _rgcn_conv(x, edge_index, edge_type, comp, bases, root, bias):
    # W_r = sum_b comp[r, b] * bases[b]  -> [R, D, D]
    weight = jnp.einsum("rb,bio->rio", comp, bases)
    src = edge_index[0]
    dst = edge_index[1]
    out = jnp.zeros_like(x)
    for r in range(R):
        mask = (edge_type == r).astype(x.dtype)
        xr = x @ weight[r]                      # dense transform [N, D]
        msg = xr[src] * mask[:, None]           # gather + mask  [E, D]
        summed = jnp.zeros_like(x).at[dst].add(msg)            # scatter-add
        cnt = jnp.zeros((x.shape[0],), x.dtype).at[dst].add(mask)
        out = out + summed / jnp.clip(cnt, 1.0)[:, None]       # mean aggr per relation
    out = out + x @ root + bias
    return out


def reference(batch_x, batch_edge_index, batch_edge_type, comp, bases, root, bias, W_global, b_global, W_sense, b_sense):
    x1 = jax.nn.relu(_rgcn_conv(batch_x, batch_edge_index, batch_edge_type, comp, bases, root, bias))
    h = x1[0]
    logits_global = h @ W_global.T + b_global
    logits_sense = h @ W_sense.T + b_sense
    return (jax.nn.log_softmax(logits_global, axis=0), jax.nn.log_softmax(logits_sense, axis=0))

if __name__ == "__main__":
    import jax
    _d = setup_inputs()
    print(jax.jit(kernel)(*tuple(_d.values())))

</pallas_src>

<mosaic_0001>
#map = affine_map<(d0, d1) -> (0, 0)>
#map1 = affine_map<(d0, d1) -> (0)>
#map2 = affine_map<(d0, d1) -> (0, 0, 0)>
module attributes {stable_mosaic.version = 14 : i64} {
  func.func @_sc_scan_body(%arg0: i32, %arg1: i32, %arg2: memref<10000x256xf32, #tpu.memory_space<hbm>>, %arg3: memref<2x160000xi32, #tpu.memory_space<hbm>>, %arg4: memref<160000xi32, #tpu.memory_space<hbm>>, %arg5: memref<32x8x256xf32, #tpu.memory_space<hbm>>, %arg6: memref<2x5496xi32, #tpu.memory_space<vmem>>, %arg7: memref<5008xi32, #tpu.memory_space<vmem>>, %arg8: memref<16xi32, #tpu.memory_space<vmem>>, %arg9: memref<16x256xf32, #tpu.memory_space<vmem>>, %arg10: memref<8x256xf32, #tpu.memory_space<vmem>>, %arg11: memref<8x16xf32, #tpu.memory_space<vmem>>, %arg12: memref<!tpu.dma_semaphore, #tpu.memory_space<semaphore_mem>>) attributes {dimension_semantics = [#tpu.dimension_semantics<core_parallel>, #tpu.dimension_semantics<subcore_parallel>], iteration_bounds = array<i64: 2, 16>, scalar_prefetch = 0 : i64, scratch_operands = 7 : i64, tpu.core_type = #tpu.core_type<sc_vector_subcore>, window_params = [{transform_indices = #map}, {transform_indices = #map}, {transform_indices = #map1}, {transform_indices = #map2}]} {
    %mul3A = arith.constant 2 : i32
    %mul3A_0 = arith.muli %arg1, %mul3A : i32
    %add3A = arith.addi %mul3A_0, %arg0 : i32
    %mul3A_1 = arith.constant 5000 : i32
    %mul3A_2 = arith.muli %add3A, %mul3A_1 : i32
    %jit3A = arith.constant 128 : i32
    %div3A = arith.divsi %mul3A_2, %jit3A : i32
    %sign3A = arith.constant 0 : i32
    %sign3A_3 = arith.cmpi sgt, %mul3A_2, %sign3A : i32
    %sign3A_4 = arith.extui %sign3A_3 : i1 to i32
    %sign3A_5 = arith.constant 0 : i32
    %sign3A_6 = arith.cmpi slt, %mul3A_2, %sign3A_5 : i32
    %sign3A_7 = arith.extui %sign3A_6 : i1 to i32
    %sign3A_8 = arith.subi %sign3A_4, %sign3A_7 : i32
    %sign3A_9 = arith.constant 0 : i32
    %sign3A_10 = arith.cmpi sgt, %jit3A, %sign3A_9 : i32
    %sign3A_11 = arith.extui %sign3A_10 : i1 to i32
    %sign3A_12 = arith.constant 0 : i32
    %sign3A_13 = arith.cmpi slt, %jit3A, %sign3A_12 : i32
    %sign3A_14 = arith.extui %sign3A_13 : i1 to i32
    %sign3A_15 = arith.subi %sign3A_11, %sign3A_14 : i32
    %ne3A = arith.cmpi ne, %sign3A_8, %sign3A_15 : i32
    %rem3A = arith.remsi %mul3A_2, %jit3A : i32
    %ne3A_16 = arith.constant 0 : i32
    %ne3A_17 = arith.cmpi ne, %rem3A, %ne3A_16 : i32
    %and3A = arith.andi %ne3A, %ne3A_17 : i1
    %sub3A = arith.constant 1 : i32
    %sub3A_18 = arith.subi %div3A, %sub3A : i32
    %select_n3A = arith.select %and3A, %sub3A_18, %div3A : i32
    %mul3A_19 = arith.constant 128 : i32
    %mul3A_20 = arith.muli %select_n3A, %mul3A_19 : i32
    %min3A = arith.constant 154624 : i32
    %min3A_21 = arith.minsi %mul3A_20, %min3A : i32
    %sub3A_22 = arith.subi %mul3A_2, %min3A_21 : i32
    %dma_start3A = arith.constant 0 : i32
    %dma_start3A_23 = arith.constant 0 : i32
    %dma_start3A_24 = tpu.memref_slice %arg6[%dma_start3A, %dma_start3A_23] : memref<2x5496xi32, #tpu.memory_space<vmem>> -> memref<2x5376xi32, #tpu.memory_space<vmem>>
    %dma_start3A_25 = arith.constant 0 : i32
    %dma_start3A_26 = tpu.memref_slice %arg3[%dma_start3A_25, %min3A_21] : memref<2x160000xi32, #tpu.memory_space<hbm>> -> memref<2x5376xi32, #tpu.memory_space<hbm>>
    %dma_start3A_27 = arith.constant 0 : i32
    %dma_start3A_28 = arith.constant 0 : i32
    %dma_start3A_29 = tpu.memref_slice %arg6[%dma_start3A_27, %dma_start3A_28] : memref<2x5496xi32, #tpu.memory_space<vmem>> -> memref<2x5376xi32, #tpu.memory_space<vmem>>
    %dma_start3A_30 = arith.constant 0 : i32
    %dma_start3A_31 = tpu.memref_slice %arg3[%dma_start3A_30, %min3A_21] : memref<2x160000xi32, #tpu.memory_space<hbm>> -> memref<2x5376xi32, #tpu.memory_space<hbm>>
    tpu.enqueue_dma source(%dma_start3A_31 : memref<2x5376xi32, #tpu.memory_space<hbm>>) target(%dma_start3A_29 : memref<2x5376xi32, #tpu.memory_space<vmem>>) target_semaphore(%arg12 : memref<!tpu.dma_semaphore, #tpu.memory_space<semaphore_mem>>)
    %dma_start3A_32 = arith.constant 0 : i32
    %dma_start3A_33 = tpu.memref_slice %arg7[%dma_start3A_32] : memref<5008xi32, #tpu.memory_space<vmem>> -> memref<5000xi32, #tpu.memory_space<vmem>>
    %dma_start3A_34 = tpu.memref_slice %arg4[%mul3A_2] : memref<160000xi32, #tpu.memory_space<hbm>> -> memref<5000xi32, #tpu.memory_space<hbm>>
    %dma_start3A_35 = arith.constant 0 : i32
    %dma_start3A_36 = tpu.memref_slice %arg7[%dma_start3A_35] : memref<5008xi32, #tpu.memory_space<vmem>> -> memref<5000xi32, #tpu.memory_space<vmem>>
    %dma_start3A_37 = tpu.memref_slice %arg4[%mul3A_2] : memref<160000xi32, #tpu.memory_space<hbm>> -> memref<5000xi32, #tpu.memory_space<hbm>>
    tpu.enqueue_dma source(%dma_start3A_37 : memref<5000xi32, #tpu.memory_space<hbm>>) target(%dma_start3A_36 : memref<5000xi32, #tpu.memory_space<vmem>>) target_semaphore(%arg12 : memref<!tpu.dma_semaphore, #tpu.memory_space<semaphore_mem>>)
    %broadcast_in_dim3A = arith.constant 0.000000e+00 : f32
    %broadcast_in_dim3A_38 = vector.broadcast %broadcast_in_dim3A : f32 to vector<16xf32>
    %scan3A = arith.constant 0 : i32
    %scan3A_39 = arith.constant 0 : i32
    %scan3A_40 = arith.constant 128 : i32
    %scan3A_41 = arith.addi %scan3A_39, %scan3A_40 : i32
    %scan3A_42 = arith.constant 1 : i32
    scf.for %scan3A_194 = %scan3A_39 to %scan3A_41 step %scan3A_42  : i32 {
      %jit3A_195 = arith.constant 16 : i32
      %div3A_196 = arith.divsi %scan3A_194, %jit3A_195 : i32
      %sign3A_197 = arith.constant 0 : i32
      %sign3A_198 = arith.cmpi sgt, %scan3A_194, %sign3A_197 : i32
      %sign3A_199 = arith.extui %sign3A_198 : i1 to i32
      %sign3A_200 = arith.constant 0 : i32
      %sign3A_201 = arith.cmpi slt, %scan3A_194, %sign3A_200 : i32
      %sign3A_202 = arith.extui %sign3A_201 : i1 to i32
      %sign3A_203 = arith.subi %sign3A_199, %sign3A_202 : i32
      %sign3A_204 = arith.constant 0 : i32
      %sign3A_205 = arith.cmpi sgt, %jit3A_195, %sign3A_204 : i32
      %sign3A_206 = arith.extui %sign3A_205 : i1 to i32
      %sign3A_207 = arith.constant 0 : i32
      %sign3A_208 = arith.cmpi slt, %jit3A_195, %sign3A_207 : i32
      %sign3A_209 = arith.extui %sign3A_208 : i1 to i32
      %sign3A_210 = arith.subi %sign3A_206, %sign3A_209 : i32
      %ne3A_211 = arith.cmpi ne, %sign3A_203, %sign3A_210 : i32
      %rem3A_212 = arith.remsi %scan3A_194, %jit3A_195 : i32
      %ne3A_213 = arith.constant 0 : i32
      %ne3A_214 = arith.cmpi ne, %rem3A_212, %ne3A_213 : i32
      %and3A_215 = arith.andi %ne3A_211, %ne3A_214 : i1
      %sub3A_216 = arith.constant 1 : i32
      %sub3A_217 = arith.subi %div3A_196, %sub3A_216 : i32
      %select_n3A_218 = arith.select %and3A_215, %sub3A_217, %div3A_196 : i32
      %jit3A_219 = arith.constant 16 : i32
      %eq3A = arith.constant 0 : i32
      %eq3A_220 = arith.cmpi eq, %jit3A_219, %eq3A : i32
      %jit3A_221 = arith.constant 1 : i32
      %select_n3A_222 = arith.select %eq3A_220, %jit3A_221, %jit3A_219 : i32
      %rem3A_223 = arith.remsi %scan3A_194, %select_n3A_222 : i32
      %ne3A_224 = arith.constant 0 : i32
      %ne3A_225 = arith.cmpi ne, %rem3A_223, %ne3A_224 : i32
      %lt3A_226 = arith.constant 0 : i32
      %lt3A_227 = arith.cmpi slt, %rem3A_223, %lt3A_226 : i32
      %lt3A_228 = arith.constant 0 : i32
      %lt3A_229 = arith.cmpi slt, %select_n3A_222, %lt3A_228 : i32
      %ne3A_230 = arith.xori %lt3A_227, %lt3A_229 : i1
      %and3A_231 = arith.andi %ne3A_230, %ne3A_225 : i1
      %add3A_232 = arith.addi %rem3A_223, %select_n3A_222 : i32
      %select_n3A_233 = arith.select %and3A_231, %add3A_232, %rem3A_223 : i32
      %mul3A_234 = arith.constant 16 : i32
      %mul3A_235 = arith.muli %select_n3A_233, %mul3A_234 : i32
      %swap3A_236 = arith.index_cast %select_n3A_218 : i32 to index
      %swap3A_237 = arith.index_cast %mul3A_235 : i32 to index
      %swap3A_238 = tpu.vector_load %arg10[%swap3A_236, %swap3A_237] {strides = array<i32>} : memref<8x256xf32, #tpu.memory_space<vmem>>, vector<16xf32>,
      tpu.vector_store %arg10[%swap3A_236, %swap3A_237], %broadcast_in_dim3A_38 {strides = array<i32>} : memref<8x256xf32, #tpu.memory_space<vmem>>, vector<16xf32>,
    }
    %scan3A_43 = arith.constant 128 : i32
    %swap3A = arith.constant 0 : i32
    %swap3A_44 = arith.index_cast %swap3A : i32 to index
    %swap3A_45 = arith.constant 0 : index
    %swap3A_46 = tpu.vector_load %arg11[%swap3A_44, %swap3A_45] {strides = array<i32>} : memref<8x16xf32, #tpu.memory_space<vmem>>, vector<16xf32>,
    tpu.vector_store %arg11[%swap3A_44, %swap3A_45], %broadcast_in_dim3A_38 {strides = array<i32>} : memref<8x16xf32, #tpu.memory_space<vmem>>, vector<16xf32>,
    %swap3A_47 = arith.constant 1 : i32
    %swap3A_48 = arith.index_cast %swap3A_47 : i32 to index
    %swap3A_49 = arith.constant 0 : index
    %swap3A_50 = tpu.vector_load %arg11[%swap3A_48, %swap3A_49] {strides = array<i32>} : memref<8x16xf32, #tpu.memory_space<vmem>>, vector<16xf32>,
    tpu.vector_store %arg11[%swap3A_48, %swap3A_49], %broadcast_in_dim3A_38 {strides = array<i32>} : memref<8x16xf32, #tpu.memory_space<vmem>>, vector<16xf32>,
    %swap3A_51 = arith.constant 2 : i32
    %swap3A_52 = arith.index_cast %swap3A_51 : i32 to index
    %swap3A_53 = arith.constant 0 : index
    %swap3A_54 = tpu.vector_load %arg11[%swap3A_52, %swap3A_53] {strides = array<i32>} : memref<8x16xf32, #tpu.memory_space<vmem>>, vector<16xf32>,
    tpu.vector_store %arg11[%swap3A_52, %swap3A_53], %broadcast_in_dim3A_38 {strides = array<i32>} : memref<8x16xf32, #tpu.memory_space<vmem>>, vector<16xf32>,
    %swap3A_55 = arith.constant 3 : i32
    %swap3A_56 = arith.index_cast %swap3A_55 : i32 to index
    %swap3A_57 = arith.constant 0 : index
    %swap3A_58 = tpu.vector_load %arg11[%swap3A_56, %swap3A_57] {strides = array<i32>} : memref<8x16xf32, #tpu.memory_space<vmem>>, vector<16xf32>,
    tpu.vector_store %arg11[%swap3A_56, %swap3A_57], %broadcast_in_dim3A_38 {strides = array<i32>} : memref<8x16xf32, #tpu.memory_space<vmem>>, vector<16xf32>,
    %swap3A_59 = arith.constant 4 : i32
    %swap3A_60 = arith.index_cast %swap3A_59 : i32 to index
    %swap3A_61 = arith.constant 0 : index
    %swap3A_62 = tpu.vector_load %arg11[%swap3A_60, %swap3A_61] {strides = array<i32>} : memref<8x16xf32, #tpu.memory_space<vmem>>, vector<16xf32>,
    tpu.vector_store %arg11[%swap3A_60, %swap3A_61], %broadcast_in_dim3A_38 {strides = array<i32>} : memref<8x16xf32, #tpu.memory_space<vmem>>, vector<16xf32>,
    %swap3A_63 = arith.constant 5 : i32
    %swap3A_64 = arith.index_cast %swap3A_63 : i32 to index
    %swap3A_65 = arith.constant 0 : index
    %swap3A_66 = tpu.vector_load %arg11[%swap3A_64, %swap3A_65] {strides = array<i32>} : memref<8x16xf32, #tpu.memory_space<vmem>>, vector<16xf32>,
    tpu.vector_store %arg11[%swap3A_64, %swap3A_65], %broadcast_in_dim3A_38 {strides = array<i32>} : memref<8x16xf32, #tpu.memory_space<vmem>>, vector<16xf32>,
    %swap3A_67 = arith.constant 6 : i32
    %swap3A_68 = arith.index_cast %swap3A_67 : i32 to index
    %swap3A_69 = arith.constant 0 : index
    %swap3A_70 = tpu.vector_load %arg11[%swap3A_68, %swap3A_69] {strides = array<i32>} : memref<8x16xf32, #tpu.memory_space<vmem>>, vector<16xf32>,
    tpu.vector_store %arg11[%swap3A_68, %swap3A_69], %broadcast_in_dim3A_38 {strides = array<i32>} : memref<8x16xf32, #tpu.memory_space<vmem>>, vector<16xf32>,
    %swap3A_71 = arith.constant 7 : i32
    %swap3A_72 = arith.index_cast %swap3A_71 : i32 to index
    %swap3A_73 = arith.constant 0 : index
    %swap3A_74 = tpu.vector_load %arg11[%swap3A_72, %swap3A_73] {strides = array<i32>} : memref<8x16xf32, #tpu.memory_space<vmem>>, vector<16xf32>,
    tpu.vector_store %arg11[%swap3A_72, %swap3A_73], %broadcast_in_dim3A_38 {strides = array<i32>} : memref<8x16xf32, #tpu.memory_space<vmem>>, vector<16xf32>,
    %dma_wait3A = arith.constant 0 : i32
    %dma_wait3A_75 = arith.constant 0 : i32
    %dma_wait3A_76 = tpu.memref_slice %arg6[%dma_wait3A, %dma_wait3A_75] : memref<2x5496xi32, #tpu.memory_space<vmem>> -> memref<2x5376xi32, #tpu.memory_space<vmem>>
    %dma_wait3A_77 = arith.constant 0 : i32
    %dma_wait3A_78 = tpu.memref_slice %arg3[%dma_wait3A_77, %min3A_21] : memref<2x160000xi32, #tpu.memory_space<hbm>> -> memref<2x5376xi32, #tpu.memory_space<hbm>>
    %dma_wait3A_79 = arith.constant 0 : i32
    %dma_wait3A_80 = arith.constant 0 : i32
    %dma_wait3A_81 = tpu.memref_slice %arg6[%dma_wait3A_79, %dma_wait3A_80] : memref<2x5496xi32, #tpu.memory_space<vmem>> -> memref<2x5376xi32, #tpu.memory_space<vmem>>
    %dma_wait3A_82 = arith.constant 0 : i32
    %dma_wait3A_83 = tpu.memref_slice %arg3[%dma_wait3A_82, %min3A_21] : memref<2x160000xi32, #tpu.memory_space<hbm>> -> memref<2x5376xi32, #tpu.memory_space<hbm>>
    tpu.wait_dma2 semaphore(%arg12 : memref<!tpu.dma_semaphore, #tpu.memory_space<semaphore_mem>>) src(%dma_wait3A_83 : memref<2x5376xi32, #tpu.memory_space<hbm>>) dst(%dma_wait3A_81 : memref<2x5376xi32, #tpu.memory_space<vmem>>)
    %dma_wait3A_84 = arith.constant 0 : i32
    %dma_wait3A_85 = tpu.memref_slice %arg7[%dma_wait3A_84] : memref<5008xi32, #tpu.memory_space<vmem>> -> memref<5000xi32, #tpu.memory_space<vmem>>
    %dma_wait3A_86 = tpu.memref_slice %arg4[%mul3A_2] : memref<160000xi32, #tpu.memory_space<hbm>> -> memref<5000xi32, #tpu.memory_space<hbm>>
    %dma_wait3A_87 = arith.constant 0 : i32
    %dma_wait3A_88 = tpu.memref_slice %arg7[%dma_wait3A_87] : memref<5008xi32, #tpu.memory_space<vmem>> -> memref<5000xi32, #tpu.memory_space<vmem>>
    %dma_wait3A_89 = tpu.memref_slice %arg4[%mul3A_2] : memref<160000xi32, #tpu.memory_space<hbm>> -> memref<5000xi32, #tpu.memory_space<hbm>>
    tpu.wait_dma2 semaphore(%arg12 : memref<!tpu.dma_semaphore, #tpu.memory_space<semaphore_mem>>) src(%dma_wait3A_89 : memref<5000xi32, #tpu.memory_space<hbm>>) dst(%dma_wait3A_88 : memref<5000xi32, #tpu.memory_space<vmem>>)
    %broadcast_in_dim3A_90 = arith.constant 1 : i32
    %broadcast_in_dim3A_91 = vector.broadcast %broadcast_in_dim3A_90 : i32 to vector<16xi32>
    %iota3A = tpu.iota {dimensions = array<i32: 0>} : vector<16xi32>
    %add3A_92 = arith.constant 4992 : i32
    %add3A_93 = arith.addi %sub3A_22, %add3A_92 : i32
    %get3A = arith.constant 1 : i32
    %get3A_94 = arith.index_cast %get3A : i32 to index
    %get3A_95 = arith.index_cast %add3A_93 : i32 to index
    %get3A_96 = tpu.vector_load %arg6[%get3A_94, %get3A_95] {strides = array<i32>} : memref<2x5496xi32, #tpu.memory_space<vmem>>, vector<16xi32>,
    %lt3A = arith.constant 8 : i32
    %lt3A_97 = vector.broadcast %lt3A : i32 to vector<16xi32>
    %lt3A_98 = arith.cmpi slt, %iota3A, %lt3A_97 : vector<16xi32>
    %select_n3A_99 = arith.select %lt3A_98, %get3A_96, %broadcast_in_dim3A_91 : vector<16xi1>, vector<16xi32>
    %add3A_100 = arith.constant 4992 : i32
    %add3A_101 = arith.addi %sub3A_22, %add3A_100 : i32
    %swap3A_102 = arith.constant 1 : i32
    %swap3A_103 = arith.index_cast %swap3A_102 : i32 to index
    %swap3A_104 = arith.index_cast %add3A_101 : i32 to index
    %swap3A_105 = tpu.vector_load %arg6[%swap3A_103, %swap3A_104] {strides = array<i32>} : memref<2x5496xi32, #tpu.memory_space<vmem>>, vector<16xi32>,
    tpu.vector_store %arg6[%swap3A_103, %swap3A_104], %select_n3A_99 {strides = array<i32>} : memref<2x5496xi32, #tpu.memory_space<vmem>>, vector<16xi32>,
    %add3A_106 = arith.constant 5008 : i32
    %add3A_107 = arith.addi %sub3A_22, %add3A_106 : i32
    %swap3A_108 = arith.constant 1 : i32
    %swap3A_109 = arith.index_cast %swap3A_108 : i32 to index
    %swap3A_110 = arith.index_cast %add3A_107 : i32 to index
    %swap3A_111 = tpu.vector_load %arg6[%swap3A_109, %swap3A_110] {strides = array<i32>} : memref<2x5496xi32, #tpu.memory_space<vmem>>, vector<16xi32>,
    tpu.vector_store %arg6[%swap3A_109, %swap3A_110], %broadcast_in_dim3A_91 {strides = array<i32>} : memref<2x5496xi32, #tpu.memory_space<vmem>>, vector<16xi32>,
    %add3A_112 = arith.constant 5024 : i32
    %add3A_113 = arith.addi %sub3A_22, %add3A_112 : i32
    %swap3A_114 = arith.constant 1 : i32
    %swap3A_115 = arith.index_cast %swap3A_114 : i32 to index
    %swap3A_116 = arith.index_cast %add3A_113 : i32 to index
    %swap3A_117 = tpu.vector_load %arg6[%swap3A_115, %swap3A_116] {strides = array<i32>} : memref<2x5496xi32, #tpu.memory_space<vmem>>, vector<16xi32>,
    tpu.vector_store %arg6[%swap3A_115, %swap3A_116], %broadcast_in_dim3A_91 {strides = array<i32>} : memref<2x5496xi32, #tpu.memory_space<vmem>>, vector<16xi32>,
    %add3A_118 = arith.constant 5040 : i32
    %add3A_119 = arith.addi %sub3A_22, %add3A_118 : i32
    %swap3A_120 = arith.constant 1 : i32
    %swap3A_121 = arith.index_cast %swap3A_120 : i32 to index
    %swap3A_122 = arith.index_cast %add3A_119 : i32 to index
    %swap3A_123 = tpu.vector_load %arg6[%swap3A_121, %swap3A_122] {strides = array<i32>} : memref<2x5496xi32, #tpu.memory_space<vmem>>, vector<16xi32>,
    tpu.vector_store %arg6[%swap3A_121, %swap3A_122], %broadcast_in_dim3A_91 {strides = array<i32>} : memref<2x5496xi32, #tpu.memory_space<vmem>>, vector<16xi32>,
    %add3A_124 = arith.constant 5056 : i32
    %add3A_125 = arith.addi %sub3A_22, %add3A_124 : i32
    %swap3A_126 = arith.constant 1 : i32
    %swap3A_127 = arith.index_cast %swap3A_126 : i32 to index
    %swap3A_128 = arith.index_cast %add3A_125 : i32 to index
    %swap3A_129 = tpu.vector_load %arg6[%swap3A_127, %swap3A_128] {strides = array<i32>} : memref<2x5496xi32, #tpu.memory_space<vmem>>, vector<16xi32>,
    tpu.vector_store %arg6[%swap3A_127, %swap3A_128], %broadcast_in_dim3A_91 {strides = array<i32>} : memref<2x5496xi32, #tpu.memory_space<vmem>>, vector<16xi32>,
    %add3A_130 = arith.constant 5072 : i32
    %add3A_131 = arith.addi %sub3A_22, %add3A_130 : i32
    %swap3A_132 = arith.constant 1 : i32
    %swap3A_133 = arith.index_cast %swap3A_132 : i32 to index
    %swap3A_134 = arith.index_cast %add3A_131 : i32 to index
    %swap3A_135 = tpu.vector_load %arg6[%swap3A_133, %swap3A_134] {strides = array<i32>} : memref<2x5496xi32, #tpu.memory_space<vmem>>, vector<16xi32>,
    tpu.vector_store %arg6[%swap3A_133, %swap3A_134], %broadcast_in_dim3A_91 {strides = array<i32>} : memref<2x5496xi32, #tpu.memory_space<vmem>>, vector<16xi32>,
    %add3A_136 = arith.constant 5088 : i32
    %add3A_137 = arith.addi %sub3A_22, %add3A_136 : i32
    %swap3A_138 = arith.constant 1 : i32
    %swap3A_139 = arith.index_cast %swap3A_138 : i32 to index
    %swap3A_140 = arith.index_cast %add3A_137 : i32 to index
    %swap3A_141 = tpu.vector_load %arg6[%swap3A_139, %swap3A_140] {strides = array<i32>} : memref<2x5496xi32, #tpu.memory_space<vmem>>, vector<16xi32>,
    tpu.vector_store %arg6[%swap3A_139, %swap3A_140], %broadcast_in_dim3A_91 {strides = array<i32>} : memref<2x5496xi32, #tpu.memory_space<vmem>>, vector<16xi32>,
    %add3A_142 = arith.constant 5104 : i32
    %add3A_143 = arith.addi %sub3A_22, %add3A_142 : i32
    %swap3A_144 = arith.constant 1 : i32
    %swap3A_145 = arith.index_cast %swap3A_144 : i32 to index
    %swap3A_146 = arith.index_cast %add3A_143 : i32 to index
    %swap3A_147 = tpu.vector_load %arg6[%swap3A_145, %swap3A_146] {strides = array<i32>} : memref<2x5496xi32, #tpu.memory_space<vmem>>, vector<16xi32>,
    tpu.vector_store %arg6[%swap3A_145, %swap3A_146], %broadcast_in_dim3A_91 {strides = array<i32>} : memref<2x5496xi32, #tpu.memory_space<vmem>>, vector<16xi32>,
    %scan3A_148 = arith.constant 0 : i32
    %scan3A_149 = arith.constant 0 : i32
    %scan3A_150 = arith.constant 10 : i32
    %scan3A_151 = arith.addi %scan3A_149, %scan3A_150 : i32
    %scan3A_152 = arith.constant 1 : i32
    scf.for %scan3A_194 = %scan3A_149 to %scan3A_151 step %scan3A_152  : i32 {
      %mul3A_195 = arith.constant 32 : i32
      %mul3A_196 = arith.muli %scan3A_194, %mul3A_195 : i32
      %mul3A_197 = arith.constant 16 : i32
      %mul3A_198 = arith.muli %mul3A_196, %mul3A_197 : i32
      %add3A_199 = arith.addi %sub3A_22, %mul3A_198 : i32
      %get3A_200 = arith.constant 1 : i32
      %get3A_201 = arith.index_cast %get3A_200 : i32 to index
      %get3A_202 = arith.index_cast %add3A_199 : i32 to index
      %get3A_203 = tpu.vector_load %arg6[%get3A_201, %get3A_202] {strides = array<i32>} : memref<2x5496xi32, #tpu.memory_space<vmem>>, vector<16xi32>,
      %add3A_204 = arith.constant 16 : i32
      %add3A_205 = arith.addi %add3A_199, %add3A_204 : i32
      %get3A_206 = arith.constant 1 : i32
      %get3A_207 = arith.index_cast %get3A_206 : i32 to index
      %get3A_208 = arith.index_cast %add3A_205 : i32 to index
      %get3A_209 = tpu.vector_load %arg6[%get3A_207, %get3A_208] {strides = array<i32>} : memref<2x5496xi32, #tpu.memory_space<vmem>>, vector<16xi32>,
      %min3A_210 = arith.minsi %get3A_203, %get3A_209 : vector<16xi32>
      %add3A_211 = arith.constant 32 : i32
      %add3A_212 = arith.addi %add3A_199, %add3A_211 : i32
      %get3A_213 = arith.constant 1 : i32
      %get3A_214 = arith.index_cast %get3A_213 : i32 to index
      %get3A_215 = arith.index_cast %add3A_212 : i32 to index
      %get3A_216 = tpu.vector_load %arg6[%get3A_214, %get3A_215] {strides = array<i32>} : memref<2x5496xi32, #tpu.memory_space<vmem>>, vector<16xi32>,
      %min3A_217 = arith.minsi %min3A_210, %get3A_216 : vector<16xi32>
      %add3A_218 = arith.constant 48 : i32
      %add3A_219 = arith.addi %add3A_199, %add3A_218 : i32
      %get3A_220 = arith.constant 1 : i32
      %get3A_221 = arith.index_cast %get3A_220 : i32 to index
      %get3A_222 = arith.index_cast %add3A_219 : i32 to index
      %get3A_223 = tpu.vector_load %arg6[%get3A_221, %get3A_222] {strides = array<i32>} : memref<2x5496xi32, #tpu.memory_space<vmem>>, vector<16xi32>,
      %min3A_224 = arith.minsi %min3A_217, %get3A_223 : vector<16xi32>
      %add3A_225 = arith.constant 64 : i32
      %add3A_226 = arith.addi %add3A_199, %add3A_225 : i32
      %get3A_227 = arith.constant 1 : i32
      %get3A_228 = arith.index_cast %get3A_227 : i32 to index
      %get3A_229 = arith.index_cast %add3A_226 : i32 to index
      %get3A_230 = tpu.vector_load %arg6[%get3A_228, %get3A_229] {strides = array<i32>} : memref<2x5496xi32, #tpu.memory_space<vmem>>, vector<16xi32>,
      %min3A_231 = arith.minsi %min3A_224, %get3A_230 : vector<16xi32>
      %add3A_232 = arith.constant 80 : i32
      %add3A_233 = arith.addi %add3A_199, %add3A_232 : i32
      %get3A_234 = arith.constant 1 : i32
      %get3A_235 = arith.index_cast %get3A_234 : i32 to index
      %get3A_236 = arith.index_cast %add3A_233 : i32 to index
      %get3A_237 = tpu.vector_load %arg6[%get3A_235, %get3A_236] {strides = array<i32>} : memref<2x5496xi32, #tpu.memory_space<vmem>>, vector<16xi32>,
      %min3A_238 = arith.minsi %min3A_231, %get3A_237 : vector<16xi32>
      %add3A_239 = arith.constant 96 : i32
      %add3A_240 = arith.addi %add3A_199, %add3A_239 : i32
      %get3A_241 = arith.constant 1 : i32
      %get3A_242 = arith.index_cast %get3A_241 : i32 to index
      %get3A_243 = arith.index_cast %add3A_240 : i32 to index
      %get3A_244 = tpu.vector_load %arg6[%get3A_242, %get3A_243] {strides = array<i32>} : memref<2x5496xi32, #tpu.memory_space<vmem>>, vector<16xi32>,
      %min3A_245 = arith.minsi %min3A_238, %get3A_244 : vector<16xi32>
      %add3A_246 = arith.constant 112 : i32
      %add3A_247 = arith.addi %add3A_199, %add3A_246 : i32
      %get3A_248 = arith.constant 1 : i32
      %get3A_249 = arith.index_cast %get3A_248 : i32 to index
      %get3A_250 = arith.index_cast %add3A_247 : i32 to index
      %get3A_251 = tpu.vector_load %arg6[%get3A_249, %get3A_250] {strides = array<i32>} : memref<2x5496xi32, #tpu.memory_space<vmem>>, vector<16xi32>,
      %min3A_252 = arith.minsi %min3A_245, %get3A_251 : vector<16xi32>
      %add3A_253 = arith.constant 128 : i32
      %add3A_254 = arith.addi %add3A_199, %add3A_253 : i32
      %get3A_255 = arith.constant 1 : i32
      %get3A_256 = arith.index_cast %get3A_255 : i32 to index
      %get3A_257 = arith.index_cast %add3A_254 : i32 to index
      %get3A_258 = tpu.vector_load %arg6[%get3A_256, %get3A_257] {strides = array<i32>} : memref<2x5496xi32, #tpu.memory_space<vmem>>, vector<16xi32>,
      %min3A_259 = arith.minsi %min3A_252, %get3A_258 : vector<16xi32>
      %add3A_260 = arith.constant 144 : i32
      %add3A_261 = arith.addi %add3A_199, %add3A_260 : i32
      %get3A_262 = arith.constant 1 : i32
      %get3A_263 = arith.index_cast %get3A_262 : i32 to index
      %get3A_264 = arith.index_cast %add3A_261 : i32 to index
      %get3A_265 = tpu.vector_load %arg6[%get3A_263, %get3A_264] {strides = array<i32>} : memref<2x5496xi32, #tpu.memory_space<vmem>>, vector<16xi32>,
      %min3A_266 = arith.minsi %min3A_259, %get3A_265 : vector<16xi32>
      %add3A_267 = arith.constant 160 : i32
      %add3A_268 = arith.addi %add3A_199, %add3A_267 : i32
      %get3A_269 = arith.constant 1 : i32
      %get3A_270 = arith.index_cast %get3A_269 : i32 to index
      %get3A_271 = arith.index_cast %add3A_268 : i32 to index
      %get3A_272 = tpu.vector_load %arg6[%get3A_270, %get3A_271] {strides = array<i32>} : memref<2x5496xi32, #tpu.memory_space<vmem>>, vector<16xi32>,
      %min3A_273 = arith.minsi %min3A_266, %get3A_272 : vector<16xi32>
      %add3A_274 = arith.constant 176 : i32
      %add3A_275 = arith.addi %add3A_199, %add3A_274 : i32
      %get3A_276 = arith.constant 1 : i32
      %get3A_277 = arith.index_cast %get3A_276 : i32 to index
      %get3A_278 = arith.index_cast %add3A_275 : i32 to index
      %get3A_279 = tpu.vector_load %arg6[%get3A_277, %get3A_278] {strides = array<i32>} : memref<2x5496xi32, #tpu.memory_space<vmem>>, vector<16xi32>,
      %min3A_280 = arith.minsi %min3A_273, %get3A_279 : vector<16xi32>
      %add3A_281 = arith.constant 192 : i32
      %add3A_282 = arith.addi %add3A_199, %add3A_281 : i32
      %get3A_283 = arith.constant 1 : i32
      %get3A_284 = arith.index_cast %get3A_283 : i32 to index
      %get3A_285 = arith.index_cast %add3A_282 : i32 to index
      %get3A_286 = tpu.vector_load %arg6[%get3A_284, %get3A_285] {strides = array<i32>} : memref<2x5496xi32, #tpu.memory_space<vmem>>, vector<16xi32>,
      %min3A_287 = arith.minsi %min3A_280, %get3A_286 : vector<16xi32>
      %add3A_288 = arith.constant 208 : i32
      %add3A_289 = arith.addi %add3A_199, %add3A_288 : i32
      %get3A_290 = arith.constant 1 : i32
      %get3A_291 = arith.index_cast %get3A_290 : i32 to index
      %get3A_292 = arith.index_cast %add3A_289 : i32 to index
      %get3A_293 = tpu.vector_load %arg6[%get3A_291, %get3A_292] {strides = array<i32>} : memref<2x5496xi32, #tpu.memory_space<vmem>>, vector<16xi32>,
      %min3A_294 = arith.minsi %min3A_287, %get3A_293 : vector<16xi32>
      %add3A_295 = arith.constant 224 : i32
      %add3A_296 = arith.addi %add3A_199, %add3A_295 : i32
      %get3A_297 = arith.constant 1 : i32
      %get3A_298 = arith.index_cast %get3A_297 : i32 to index
      %get3A_299 = arith.index_cast %add3A_296 : i32 to index
      %get3A_300 = tpu.vector_load %arg6[%get3A_298, %get3A_299] {strides = array<i32>} : memref<2x5496xi32, #tpu.memory_space<vmem>>, vector<16xi32>,
      %min3A_301 = arith.minsi %min3A_294, %get3A_300 : vector<16xi32>
      %add3A_302 = arith.constant 240 : i32
      %add3A_303 = arith.addi %add3A_199, %add3A_302 : i32
      %get3A_304 = arith.constant 1 : i32
      %get3A_305 = arith.index_cast %get3A_304 : i32 to index
      %get3A_306 = arith.index_cast %add3A_303 : i32 to index
      %get3A_307 = tpu.vector_load %arg6[%get3A_305, %get3A_306] {strides = array<i32>} : memref<2x5496xi32, #tpu.memory_space<vmem>>, vector<16xi32>,
      %min3A_308 = arith.minsi %min3A_301, %get3A_307 : vector<16xi32>
      %add3A_309 = arith.constant 256 : i32
      %add3A_310 = arith.addi %add3A_199, %add3A_309 : i32
      %get3A_311 = arith.constant 1 : i32
      %get3A_312 = arith.index_cast %get3A_311 : i32 to index
      %get3A_313 = arith.index_cast %add3A_310 : i32 to index
      %get3A_314 = tpu.vector_load %arg6[%get3A_312, %get3A_313] {strides = array<i32>} : memref<2x5496xi32, #tpu.memory_space<vmem>>, vector<16xi32>,
      %min3A_315 = arith.minsi %min3A_308, %get3A_314 : vector<16xi32>
      %add3A_316 = arith.constant 272 : i32
      %add3A_317 = arith.addi %add3A_199, %add3A_316 : i32
      %get3A_318 = arith.constant 1 : i32
      %get3A_319 = arith.index_cast %get3A_318 : i32 to index
      %get3A_320 = arith.index_cast %add3A_317 : i32 to index
      %get3A_321 = tpu.vector_load %arg6[%get3A_319, %get3A_320] {strides = array<i32>} : memref<2x5496xi32, #tpu.memory_space<vmem>>, vector<16xi32>,
      %min3A_322 = arith.minsi %min3A_315, %get3A_321 : vector<16xi32>
      %add3A_323 = arith.constant 288 : i32
      %add3A_324 = arith.addi %add3A_199, %add3A_323 : i32
      %get3A_325 = arith.constant 1 : i32
      %get3A_326 = arith.index_cast %get3A_325 : i32 to index
      %get3A_327 = arith.index_cast %add3A_324 : i32 to index
      %get3A_328 = tpu.vector_load %arg6[%get3A_326, %get3A_327] {strides = array<i32>} : memref<2x5496xi32, #tpu.memory_space<vmem>>, vector<16xi32>,
      %min3A_329 = arith.minsi %min3A_322, %get3A_328 : vector<16xi32>
      %add3A_330 = arith.constant 304 : i32
      %add3A_331 = arith.addi %add3A_199, %add3A_330 : i32
      %get3A_332 = arith.constant 1 : i32
      %get3A_333 = arith.index_cast %get3A_332 : i32 to index
      %get3A_334 = arith.index_cast %add3A_331 : i32 to index
      %get3A_335 = tpu.vector_load %arg6[%get3A_333, %get3A_334] {strides = array<i32>} : memref<2x5496xi32, #tpu.memory_space<vmem>>, vector<16xi32>,
      %min3A_336 = arith.minsi %min3A_329, %get3A_335 : vector<16xi32>
      %add3A_337 = arith.constant 320 : i32
      %add3A_338 = arith.addi %add3A_199, %add3A_337 : i32
      %get3A_339 = arith.constant 1 : i32
      %get3A_340 = arith.index_cast %get3A_339 : i32 to index
      %get3A_341 = arith.index_cast %add3A_338 : i32 to index
      %get3A_342 = tpu.vector_load %arg6[%get3A_340, %get3A_341] {strides = array<i32>} : memref<2x5496xi32, #tpu.memory_space<vmem>>, vector<16xi32>,
      %min3A_343 = arith.minsi %min3A_336, %get3A_342 : vector<16xi32>
      %add3A_344 = arith.constant 336 : i32
      %add3A_345 = arith.addi %add3A_199, %add3A_344 : i32
      %get3A_346 = arith.constant 1 : i32
      %get3A_347 = arith.index_cast %get3A_346 : i32 to index
      %get3A_348 = arith.index_cast %add3A_345 : i32 to index
      %get3A_349 = tpu.vector_load %arg6[%get3A_347, %get3A_348] {strides = array<i32>} : memref<2x5496xi32, #tpu.memory_space<vmem>>, vector<16xi32>,
      %min3A_350 = arith.minsi %min3A_343, %get3A_349 : vector<16xi32>
      %add3A_351 = arith.constant 352 : i32
      %add3A_352 = arith.addi %add3A_199, %add3A_351 : i32
      %get3A_353 = arith.constant 1 : i32
      %get3A_354 = arith.index_cast %get3A_353 : i32 to index
      %get3A_355 = arith.index_cast %add3A_352 : i32 to index
      %get3A_356 = tpu.vector_load %arg6[%get3A_354, %get3A_355] {strides = array<i32>} : memref<2x5496xi32, #tpu.memory_space<vmem>>, vector<16xi32>,
      %min3A_357 = arith.minsi %min3A_350, %get3A_356 : vector<16xi32>
      %add3A_358 = arith.constant 368 : i32
      %add3A_359 = arith.addi %add3A_199, %add3A_358 : i32
      %get3A_360 = arith.constant 1 : i32
      %get3A_361 = arith.index_cast %get3A_360 : i32 to index
      %get3A_362 = arith.index_cast %add3A_359 : i32 to index
      %get3A_363 = tpu.vector_load %arg6[%get3A_361, %get3A_362] {strides = array<i32>} : memref<2x5496xi32, #tpu.memory_space<vmem>>, vector<16xi32>,
      %min3A_364 = arith.minsi %min3A_357, %get3A_363 : vector<16xi32>
      %add3A_365 = arith.constant 384 : i32
      %add3A_366 = arith.addi %add3A_199, %add3A_365 : i32
      %get3A_367 = arith.constant 1 : i32
      %get3A_368 = arith.index_cast %get3A_367 : i32 to index
      %get3A_369 = arith.index_cast %add3A_366 : i32 to index
      %get3A_370 = tpu.vector_load %arg6[%get3A_368, %get3A_369] {strides = array<i32>} : memref<2x5496xi32, #tpu.memory_space<vmem>>, vector<16xi32>,
      %min3A_371 = arith.minsi %min3A_364, %get3A_370 : vector<16xi32>
      %add3A_372 = arith.constant 400 : i32
      %add3A_373 = arith.addi %add3A_199, %add3A_372 : i32
      %get3A_374 = arith.constant 1 : i32
      %get3A_375 = arith.index_cast %get3A_374 : i32 to index
      %get3A_376 = arith.index_cast %add3A_373 : i32 to index
      %get3A_377 = tpu.vector_load %arg6[%get3A_375, %get3A_376] {strides = array<i32>} : memref<2x5496xi32, #tpu.memory_space<vmem>>, vector<16xi32>,
      %min3A_378 = arith.minsi %min3A_371, %get3A_377 : vector<16xi32>
      %add3A_379 = arith.constant 416 : i32
      %add3A_380 = arith.addi %add3A_199, %add3A_379 : i32
      %get3A_381 = arith.constant 1 : i32
      %get3A_382 = arith.index_cast %get3A_381 : i32 to index
      %get3A_383 = arith.index_cast %add3A_380 : i32 to index
      %get3A_384 = tpu.vector_load %arg6[%get3A_382, %get3A_383] {strides = array<i32>} : memref<2x5496xi32, #tpu.memory_space<vmem>>, vector<16xi32>,
      %min3A_385 = arith.minsi %min3A_378, %get3A_384 : vector<16xi32>
      %add3A_386 = arith.constant 432 : i32
      %add3A_387 = arith.addi %add3A_199, %add3A_386 : i32
      %get3A_388 = arith.constant 1 : i32
      %get3A_389 = arith.index_cast %get3A_388 : i32 to index
      %get3A_390 = arith.index_cast %add3A_387 : i32 to index
      %get3A_391 = tpu.vector_load %arg6[%get3A_389, %get3A_390] {strides = array<i32>} : memref<2x5496xi32, #tpu.memory_space<vmem>>, vector<16xi32>,
      %min3A_392 = arith.minsi %min3A_385, %get3A_391 : vector<16xi32>
      %add3A_393 = arith.constant 448 : i32
      %add3A_394 = arith.addi %add3A_199, %add3A_393 : i32
      %get3A_395 = arith.constant 1 : i32
      %get3A_396 = arith.index_cast %get3A_395 : i32 to index
      %get3A_397 = arith.index_cast %add3A_394 : i32 to index
      %get3A_398 = tpu.vector_load %arg6[%get3A_396, %get3A_397] {strides = array<i32>} : memref<2x5496xi32, #tpu.memory_space<vmem>>, vector<16xi32>,
      %min3A_399 = arith.minsi %min3A_392, %get3A_398 : vector<16xi32>
      %add3A_400 = arith.constant 464 : i32
      %add3A_401 = arith.addi %add3A_199, %add3A_400 : i32
      %get3A_402 = arith.constant 1 : i32
      %get3A_403 = arith.index_cast %get3A_402 : i32 to index
      %get3A_404 = arith.index_cast %add3A_401 : i32 to index
      %get3A_405 = tpu.vector_load %arg6[%get3A_403, %get3A_404] {strides = array<i32>} : memref<2x5496xi32, #tpu.memory_space<vmem>>, vector<16xi32>,
      %min3A_406 = arith.minsi %min3A_399, %get3A_405 : vector<16xi32>
      %add3A_407 = arith.constant 480 : i32
      %add3A_408 = arith.addi %add3A_199, %add3A_407 : i32
      %get3A_409 = arith.constant 1 : i32
      %get3A_410 = arith.index_cast %get3A_409 : i32 to index
      %get3A_411 = arith.index_cast %add3A_408 : i32 to index
      %get3A_412 = tpu.vector_load %arg6[%get3A_410, %get3A_411] {strides = array<i32>} : memref<2x5496xi32, #tpu.memory_space<vmem>>, vector<16xi32>,
      %min3A_413 = arith.minsi %min3A_406, %get3A_412 : vector<16xi32>
      %add3A_414 = arith.constant 496 : i32
      %add3A_415 = arith.addi %add3A_199, %add3A_414 : i32
      %get3A_416 = arith.constant 1 : i32
      %get3A_417 = arith.index_cast %get3A_416 : i32 to index
      %get3A_418 = arith.index_cast %add3A_415 : i32 to index
      %get3A_419 = tpu.vector_load %arg6[%get3A_417, %get3A_418] {strides = array<i32>} : memref<2x5496xi32, #tpu.memory_space<vmem>>, vector<16xi32>,
      %min3A_420 = arith.minsi %min3A_413, %get3A_419 : vector<16xi32>
      %eq3A = arith.constant 0 : i32
      %eq3A_421 = vector.broadcast %eq3A : i32 to vector<16xi32>
      %eq3A_422 = arith.cmpi eq, %min3A_420, %eq3A_421 : vector<16xi32>
      %jit3A_423 = arith.constant 1 : i32
      %jit3A_424 = arith.constant 0 : i32
      %broadcast_in_dim3A_425 = vector.broadcast %jit3A_423 : i32 to vector<16xi32>
      %broadcast_in_dim3A_426 = vector.broadcast %jit3A_424 : i32 to vector<16xi32>
      %select_n3A_427 = arith.select %eq3A_422, %broadcast_in_dim3A_425, %broadcast_in_dim3A_426 : vector<16xi1>, vector<16xi32>
      %reduce_sum3A = arith.constant true
      %reduce_sum3A_428 = vector.broadcast %reduce_sum3A : i1 to vector<16xi1>
      %reduce_sum3A_429 = tpu.scan <sum>, %select_n3A_427 masked %reduce_sum3A_428 : vector<16xi32>, vector<16xi1> -> vector<16xi32>
      %reduce_sum3A_430 = vector.extract %reduce_sum3A_429[15] : i32 from vector<16xi32>
      %gt3A = arith.constant 0 : i32
      %gt3A_431 = arith.cmpi sgt, %reduce_sum3A_430, %gt3A : i32
      %convert_element_type3A = arith.extui %gt3A_431 : i1 to i32
      %cond3A = arith.constant 0 : i32
      %cond3A_432 = arith.cmpi ne, %convert_element_type3A, %cond3A : i32
      scf.if %cond3A_432 {
        %mul3A_433 = arith.constant 32 : i32
        %mul3A_434 = arith.muli %scan3A_194, %mul3A_433 : i32
        %add3A_435 = arith.constant 1 : i32
        %add3A_436 = arith.addi %scan3A_194, %add3A_435 : i32
        %mul3A_437 = arith.constant 32 : i32
        %mul3A_438 = arith.muli %add3A_436, %mul3A_437 : i32
        %while3A = arith.constant 0 : i32
        %while3A_439 = arith.subi %mul3A_438, %mul3A_434 : i32
        %while3A_440 = arith.addi %mul3A_434, %while3A_439 : i32
        %while3A_441 = arith.constant 1 : i32
        %while3A_442 = arith.divsi %while3A_439, %while3A_441 : i32
        %while3A_443 = arith.muli %while3A_442, %while3A_441 : i32
        %while3A_444 = arith.addi %mul3A_434, %while3A_443 : i32
        %while3A_445 = arith.constant 1 : i32
        scf.for %while3A_447 = %mul3A_434 to %while3A_444 step %while3A_445  : i32 {
          %mul3A_448 = arith.constant 16 : i32
          %mul3A_449 = arith.muli %while3A_447, %mul3A_448 : i32
          %add3A_450 = arith.addi %sub3A_22, %mul3A_449 : i32
          %get3A_451 = arith.constant 1 : i32
          %get3A_452 = arith.index_cast %get3A_451 : i32 to index
          %get3A_453 = arith.index_cast %add3A_450 : i32 to index
          %get3A_454 = tpu.vector_load %arg6[%get3A_452, %get3A_453] {strides = array<i32>} : memref<2x5496xi32, #tpu.memory_space<vmem>>, vector<16xi32>,
          %eq3A_455 = arith.constant 0 : i32
          %eq3A_456 = vector.broadcast %eq3A_455 : i32 to vector<16xi32>
          %eq3A_457 = arith.cmpi eq, %get3A_454, %eq3A_456 : vector<16xi32>
          %convert_element_type3A_458 = arith.extui %eq3A_457 : vector<16xi1> to vector<16xi32>
          %reduce_sum3A_459 = arith.constant true
          %reduce_sum3A_460 = vector.broadcast %reduce_sum3A_459 : i1 to vector<16xi1>
          %reduce_sum3A_461 = tpu.scan <sum>, %convert_element_type3A_458 masked %reduce_sum3A_460 : vector<16xi32>, vector<16xi1> -> vector<16xi32>
          %reduce_sum3A_462 = vector.extract %reduce_sum3A_461[15] : i32 from vector<16xi32>
          %gt3A_463 = arith.constant 0 : i32
          %gt3A_464 = arith.cmpi sgt, %reduce_sum3A_462, %gt3A_463 : i32
          %convert_element_type3A_465 = arith.extui %gt3A_464 : i1 to i32
          %cond3A_466 = arith.constant 0 : i32
          %cond3A_467 = arith.cmpi ne, %convert_element_type3A_465, %cond3A_466 : i32
          scf.if %cond3A_467 {
            %get3A_468 = arith.constant 1 : i32
            %get3A_469 = arith.index_cast %get3A_468 : i32 to index
            %get3A_470 = arith.index_cast %add3A_450 : i32 to index
            %get3A_471 = tpu.vector_load %arg6[%get3A_469, %get3A_470] {strides = array<i32>} : memref<2x5496xi32, #tpu.memory_space<vmem>>, vector<16xi32>,
            %eq3A_472 = arith.constant 0 : i32
            %eq3A_473 = vector.broadcast %eq3A_472 : i32 to vector<16xi32>
            %eq3A_474 = arith.cmpi eq, %get3A_471, %eq3A_473 : vector<16xi32>
            %get3A_475 = arith.constant 0 : i32
            %get3A_476 = arith.index_cast %get3A_475 : i32 to index
            %get3A_477 = arith.index_cast %add3A_450 : i32 to index
            %get3A_478 = tpu.vector_load %arg6[%get3A_476, %get3A_477] {strides = array<i32>} : memref<2x5496xi32, #tpu.memory_space<vmem>>, vector<16xi32>,
            %mul3A_479 = arith.constant 16 : i32
            %mul3A_480 = arith.muli %while3A_447, %mul3A_479 : i32
            %get3A_481 = arith.index_cast %mul3A_480 : i32 to index
            %get3A_482 = tpu.vector_load %arg7[%get3A_481] {strides = array<i32>} : memref<5008xi32, #tpu.memory_space<vmem>>, vector<16xi32>,
            %jit3A_483 = arith.constant 0 : i32
            %broadcast_in_dim3A_484 = vector.broadcast %jit3A_483 : i32 to vector<16xi32>
            %select_n3A_485 = arith.select %eq3A_474, %get3A_478, %broadcast_in_dim3A_484 : vector<16xi1>, vector<16xi32>
            %swap3A_486 = arith.constant 0 : index
            %swap3A_487 = tpu.vector_load %arg8[%swap3A_486] {strides = array<i32>} : memref<16xi32, #tpu.memory_space<vmem>>, vector<16xi32>,
            tpu.vector_store %arg8[%swap3A_486], %select_n3A_485 {strides = array<i32>} : memref<16xi32, #tpu.memory_space<vmem>>, vector<16xi32>,
            %jit3A_488 = arith.constant 7 : i32
            %broadcast_in_dim3A_489 = vector.broadcast %jit3A_488 : i32 to vector<16xi32>
            %select_n3A_490 = arith.select %eq3A_474, %get3A_482, %broadcast_in_dim3A_489 : vector<16xi1>, vector<16xi32>
            %jit3A_491 = arith.constant 1 : i32
            %jit3A_492 = arith.constant 0 : i32
            %broadcast_in_dim3A_493 = vector.broadcast %jit3A_491 : i32 to vector<16xi32>
            %broadcast_in_dim3A_494 = vector.broadcast %jit3A_492 : i32 to vector<16xi32>
            %select_n3A_495 = arith.select %eq3A_474, %broadcast_in_dim3A_493, %broadcast_in_dim3A_494 : vector<16xi1>, vector<16xi32>
            %dma_start3A_496 = arith.constant 0 : i32
            %dma_start3A_497 = arith.constant 0 : i32
            %dma_start3A_498 = tpu.memref_slice %arg2[%dma_start3A_496, %dma_start3A_497] : memref<10000x256xf32, #tpu.memory_space<hbm>> -> memref<10000x256xf32, #tpu.memory_space<hbm>>
            tpu.enqueue_indirect_dma source(%dma_start3A_498 : memref<10000x256xf32, #tpu.memory_space<hbm>>) target(%arg9 : memref<16x256xf32, #tpu.memory_space<vmem>>) offsets(%arg8 : memref<16xi32, #tpu.memory_space<vmem>>) semaphore(%arg12 : memref<!tpu.dma_semaphore, #tpu.memory_space<semaphore_mem>>)
            %jit3A_499 = arith.constant 1.000000e+00 : f32
            %jit3A_500 = arith.constant 0.000000e+00 : f32
            %broadcast_in_dim3A_501 = vector.broadcast %jit3A_499 : f32 to vector<16xf32>
            %broadcast_in_dim3A_502 = vector.broadcast %jit3A_500 : f32 to vector<16xf32>
            %select_n3A_503 = arith.select %eq3A_474, %broadcast_in_dim3A_501, %broadcast_in_dim3A_502 : vector<16xi1>, vector<16xf32>
            %broadcast_in_dim3A_504 = arith.constant 0.000000e+00 : f32
            %broadcast_in_dim3A_505 = vector.broadcast %broadcast_in_dim3A_504 : f32 to vector<16xf32>
            %get3A_506 = arith.constant 0 : i32
            %get3A_507 = arith.index_cast %get3A_506 : i32 to index
            %get3A_508 = arith.constant 0 : index
            %get3A_509 = tpu.vector_load %arg11[%get3A_507, %get3A_508] {strides = array<i32>} : memref<8x16xf32, #tpu.memory_space<vmem>>, vector<16xf32>,
            %eq3A_510 = arith.constant 0 : i32
            %eq3A_511 = vector.broadcast %eq3A_510 : i32 to vector<16xi32>
            %eq3A_512 = arith.cmpi eq, %get3A_482, %eq3A_511 : vector<16xi32>
            %select_n3A_513 = arith.select %eq3A_512, %select_n3A_503, %broadcast_in_dim3A_505 : vector<16xi1>, vector<16xf32>
            %add3A_514 = arith.addf %get3A_509, %select_n3A_513 : vector<16xf32>
            %swap3A_515 = arith.constant 0 : i32
            %swap3A_516 = arith.index_cast %swap3A_515 : i32 to index
            %swap3A_517 = arith.constant 0 : index
            %swap3A_518 = tpu.vector_load %arg11[%swap3A_516, %swap3A_517] {strides = array<i32>} : memref<8x16xf32, #tpu.memory_space<vmem>>, vector<16xf32>,
            tpu.vector_store %arg11[%swap3A_516, %swap3A_517], %add3A_514 {strides = array<i32>} : memref<8x16xf32, #tpu.memory_space<vmem>>, vector<16xf32>,
            %get3A_519 = arith.constant 1 : i32
            %get3A_520 = arith.index_cast %get3A_519 : i32 to index
            %get3A_521 = arith.constant 0 : index
            %get3A_522 = tpu.vector_load %arg11[%get3A_520, %get3A_521] {strides = array<i32>} : memref<8x16xf32, #tpu.memory_space<vmem>>, vector<16xf32>,
            %eq3A_523 = arith.constant 1 : i32
            %eq3A_524 = vector.broadcast %eq3A_523 : i32 to vector<16xi32>
            %eq3A_525 = arith.cmpi eq, %get3A_482, %eq3A_524 : vector<16xi32>
            %select_n3A_526 = arith.select %eq3A_525, %select_n3A_503, %broadcast_in_dim3A_505 : vector<16xi1>, vector<16xf32>
            %add3A_527 = arith.addf %get3A_522, %select_n3A_526 : vector<16xf32>
            %swap3A_528 = arith.constant 1 : i32
            %swap3A_529 = arith.index_cast %swap3A_528 : i32 to index
            %swap3A_530 = arith.constant 0 : index
            %swap3A_531 = tpu.vector_load %arg11[%swap3A_529, %swap3A_530] {strides = array<i32>} : memref<8x16xf32, #tpu.memory_space<vmem>>, vector<16xf32>,
            tpu.vector_store %arg11[%swap3A_529, %swap3A_530], %add3A_527 {strides = array<i32>} : memref<8x16xf32, #tpu.memory_space<vmem>>, vector<16xf32>,
            %get3A_532 = arith.constant 2 : i32
            %get3A_533 = arith.index_cast %get3A_532 : i32 to index
            %get3A_534 = arith.constant 0 : index
            %get3A_535 = tpu.vector_load %arg11[%get3A_533, %get3A_534] {strides = array<i32>} : memref<8x16xf32, #tpu.memory_space<vmem>>, vector<16xf32>,
            %eq3A_536 = arith.constant 2 : i32
            %eq3A_537 = vector.broadcast %eq3A_536 : i32 to vector<16xi32>
            %eq3A_538 = arith.cmpi eq, %get3A_482, %eq3A_537 : vector<16xi32>
            %select_n3A_539 = arith.select %eq3A_538, %select_n3A_503, %broadcast_in_dim3A_505 : vector<16xi1>, vector<16xf32>
            %add3A_540 = arith.addf %get3A_535, %select_n3A_539 : vector<16xf32>
            %swap3A_541 = arith.constant 2 : i32
            %swap3A_542 = arith.index_cast %swap3A_541 : i32 to index
            %swap3A_543 = arith.constant 0 : index
            %swap3A_544 = tpu.vector_load %arg11[%swap3A_542, %swap3A_543] {strides = array<i32>} : memref<8x16xf32, #tpu.memory_space<vmem>>, vector<16xf32>,
            tpu.vector_store %arg11[%swap3A_542, %swap3A_543], %add3A_540 {strides = array<i32>} : memref<8x16xf32, #tpu.memory_space<vmem>>, vector<16xf32>,
            %get3A_545 = arith.constant 3 : i32
            %get3A_546 = arith.index_cast %get3A_545 : i32 to index
            %get3A_547 = arith.constant 0 : index
            %get3A_548 = tpu.vector_load %arg11[%get3A_546, %get3A_547] {strides = array<i32>} : memref<8x16xf32, #tpu.memory_space<vmem>>, vector<16xf32>,
            %eq3A_549 = arith.constant 3 : i32
            %eq3A_550 = vector.broadcast %eq3A_549 : i32 to vector<16xi32>
            %eq3A_551 = arith.cmpi eq, %get3A_482, %eq3A_550 : vector<16xi32>
            %select_n3A_552 = arith.select %eq3A_551, %select_n3A_503, %broadcast_in_dim3A_505 : vector<16xi1>, vector<16xf32>
            %add3A_553 = arith.addf %get3A_548, %select_n3A_552 : vector<16xf32>
            %swap3A_554 = arith.constant 3 : i32
            %swap3A_555 = arith.index_cast %swap3A_554 : i32 to index
            %swap3A_556 = arith.constant 0 : index
            %swap3A_557 = tpu.vector_load %arg11[%swap3A_555, %swap3A_556] {strides = array<i32>} : memref<8x16xf32, #tpu.memory_space<vmem>>, vector<16xf32>,
            tpu.vector_store %arg11[%swap3A_555, %swap3A_556], %add3A_553 {strides = array<i32>} : memref<8x16xf32, #tpu.memory_space<vmem>>, vector<16xf32>,
            %get3A_558 = arith.constant 4 : i32
            %get3A_559 = arith.index_cast %get3A_558 : i32 to index
            %get3A_560 = arith.constant 0 : index
            %get3A_561 = tpu.vector_load %arg11[%get3A_559, %get3A_560] {strides = array<i32>} : memref<8x16xf32, #tpu.memory_space<vmem>>, vector<16xf32>,
            %eq3A_562 = arith.constant 4 : i32
            %eq3A_563 = vector.broadcast %eq3A_562 : i32 to vector<16xi32>
            %eq3A_564 = arith.cmpi eq, %get3A_482, %eq3A_563 : vector<16xi32>
            %select_n3A_565 = arith.select %eq3A_564, %select_n3A_503, %broadcast_in_dim3A_505 : vector<16xi1>, vector<16xf32>
            %add3A_566 = arith.addf %get3A_561, %select_n3A_565 : vector<16xf32>
            %swap3A_567 = arith.constant 4 : i32
            %swap3A_568 = arith.index_cast %swap3A_567 : i32 to index
            %swap3A_569 = arith.constant 0 : index
            %swap3A_570 = tpu.vector_load %arg11[%swap3A_568, %swap3A_569] {strides = array<i32>} : memref<8x16xf32, #tpu.memory_space<vmem>>, vector<16xf32>,
            tpu.vector_store %arg11[%swap3A_568, %swap3A_569], %add3A_566 {strides = array<i32>} : memref<8x16xf32, #tpu.memory_space<vmem>>, vector<16xf32>,
            %dma_wait3A_571 = arith.constant 0 : i32
            %dma_wait3A_572 = arith.constant 0 : i32
            %dma_wait3A_573 = tpu.memref_slice %arg2[%dma_wait3A_571, %dma_wait3A_572] : memref<10000x256xf32, #tpu.memory_space<hbm>> -> memref<10000x256xf32, #tpu.memory_space<hbm>>
            tpu.wait_indirect_dma semaphore(%arg12 : memref<!tpu.dma_semaphore, #tpu.memory_space<semaphore_mem>>) src(%dma_wait3A_573 : memref<10000x256xf32, #tpu.memory_space<hbm>>) dst(%arg9 : memref<16x256xf32, #tpu.memory_space<vmem>>)
            %slice3A = vector.extract_strided_slice %select_n3A_495 {offsets = [0], sizes = [1], strides = [1]} : vector<16xi32> to vector<1xi32>
            %squeeze3A = vector.extract %slice3A[0] : i32 from vector<1xi32>
            %gt3A_574 = arith.constant 0 : i32
            %gt3A_575 = arith.cmpi sgt, %squeeze3A, %gt3A_574 : i32
            %convert_element_type3A_576 = arith.extui %gt3A_575 : i1 to i32
            %cond3A_577 = arith.constant 0 : i32
            %cond3A_578 = arith.cmpi ne, %convert_element_type3A_576, %cond3A_577 : i32
            scf.if %cond3A_578 {
              %slice3A_684 = vector.extract_strided_slice %select_n3A_490 {offsets = [0], sizes = [1], strides = [1]} : vector<16xi32> to vector<1xi32>
              %squeeze3A_685 = vector.extract %slice3A_684[0] : i32 from vector<1xi32>
              %scan3A_686 = arith.constant 0 : i32
              %scan3A_687 = arith.constant 0 : i32
              %scan3A_688 = arith.constant 16 : i32
              %scan3A_689 = arith.addi %scan3A_687, %scan3A_688 : i32
              %scan3A_690 = arith.constant 1 : i32
              scf.for %scan3A_692 = %scan3A_687 to %scan3A_689 step %scan3A_690  : i32 {
                %mul3A_693 = arith.constant 16 : i32
                %mul3A_694 = arith.muli %scan3A_692, %mul3A_693 : i32
                %get3A_695 = arith.constant 0 : i32
                %get3A_696 = arith.index_cast %get3A_695 : i32 to index
                %get3A_697 = arith.index_cast %mul3A_694 : i32 to index
                %get3A_698 = tpu.vector_load %arg9[%get3A_696, %get3A_697] {strides = array<i32>} : memref<16x256xf32, #tpu.memory_space<vmem>>, vector<16xf32>,
                %swap3A_699 = arith.index_cast %squeeze3A_685 : i32 to index
                %swap3A_700 = arith.index_cast %mul3A_694 : i32 to index
                %swap3A_701 = tpu.vector_load %arg10[%swap3A_699, %swap3A_700] {strides = array<i32>} : memref<8x256xf32, #tpu.memory_space<vmem>>, vector<16xf32>,
                tpu.vector_store %arg10[%swap3A_699, %swap3A_700], %get3A_698 {add = true, strides = array<i32>} : memref<8x256xf32, #tpu.memory_space<vmem>>, vector<16xf32>,
              }
              %scan3A_691 = arith.constant 16 : i32
            } else {
            }
            %slice3A_579 = vector.extract_strided_slice %select_n3A_495 {offsets = [1], sizes = [1], strides = [1]} : vector<16xi32> to vector<1xi32>
            %squeeze3A_580 = vector.extract %slice3A_579[0] : i32 from vector<1xi32>
            %gt3A_581 = arith.constant 0 : i32
            %gt3A_582 = arith.cmpi sgt, %squeeze3A_580, %gt3A_581 : i32
            %convert_element_type3A_583 = arith.extui %gt3A_582 : i1 to i32
            %cond3A_584 = arith.constant 0 : i32
            %cond3A_585 = arith.cmpi ne, %convert_element_type3A_583, %cond3A_584 : i32
            scf.if %cond3A_585 {
              %slice3A_684 = vector.extract_strided_slice %select_n3A_490 {offsets = [1], sizes = [1], strides = [1]} : vector<16xi32> to vector<1xi32>
              %squeeze3A_685 = vector.extract %slice3A_684[0] : i32 from vector<1xi32>
              %scan3A_686 = arith.constant 0 : i32
              %scan3A_687 = arith.constant 0 : i32
              %scan3A_688 = arith.constant 16 : i32
              %scan3A_689 = arith.addi %scan3A_687, %scan3A_688 : i32
              %scan3A_690 = arith.constant 1 : i32
              scf.for %scan3A_692 = %scan3A_687 to %scan3A_689 step %scan3A_690  : i32 {
                %mul3A_693 = arith.constant 16 : i32
                %mul3A_694 = arith.muli %scan3A_692, %mul3A_693 : i32
                %get3A_695 = arith.constant 1 : i32
                %get3A_696 = arith.index_cast %get3A_695 : i32 to index
                %get3A_697 = arith.index_cast %mul3A_694 : i32 to index
                %get3A_698 = tpu.vector_load %arg9[%get3A_696, %get3A_697] {strides = array<i32>} : memref<16x256xf32, #tpu.memory_space<vmem>>, vector<16xf32>,
                %swap3A_699 = arith.index_cast %squeeze3A_685 : i32 to index
                %swap3A_700 = arith.index_cast %mul3A_694 : i32 to index
                %swap3A_701 = tpu.vector_load %arg10[%swap3A_699, %swap3A_700] {strides = array<i32>} : memref<8x256xf32, #tpu.memory_space<vmem>>, vector<16xf32>,
                tpu.vector_store %arg10[%swap3A_699, %swap3A_700], %get3A_698 {add = true, strides = array<i32>} : memref<8x256xf32, #tpu.memory_space<vmem>>, vector<16xf32>,
              }
              %scan3A_691 = arith.constant 16 : i32
            } else {
            }
            %slice3A_586 = vector.extract_strided_slice %select_n3A_495 {offsets = [2], sizes = [1], strides = [1]} : vector<16xi32> to vector<1xi32>
            %squeeze3A_587 = vector.extract %slice3A_586[0] : i32 from vector<1xi32>
            %gt3A_588 = arith.constant 0 : i32
            %gt3A_589 = arith.cmpi sgt, %squeeze3A_587, %gt3A_588 : i32
            %convert_element_type3A_590 = arith.extui %gt3A_589 : i1 to i32
            %cond3A_591 = arith.constant 0 : i32
            %cond3A_592 = arith.cmpi ne, %convert_element_type3A_590, %cond3A_591 : i32
            scf.if %cond3A_592 {
              %slice3A_684 = vector.extract_strided_slice %select_n3A_490 {offsets = [2], sizes = [1], strides = [1]} : vector<16xi32> to vector<1xi32>
              %squeeze3A_685 = vector.extract %slice3A_684[0] : i32 from vector<1xi32>
              %scan3A_686 = arith.constant 0 : i32
              %scan3A_687 = arith.constant 0 : i32
              %scan3A_688 = arith.constant 16 : i32
              %scan3A_689 = arith.addi %scan3A_687, %scan3A_688 : i32
              %scan3A_690 = arith.constant 1 : i32
              scf.for %scan3A_692 = %scan3A_687 to %scan3A_689 step %scan3A_690  : i32 {
                %mul3A_693 = arith.constant 16 : i32
                %mul3A_694 = arith.muli %scan3A_692, %mul3A_693 : i32
                %get3A_695 = arith.constant 2 : i32
                %get3A_696 = arith.index_cast %get3A_695 : i32 to index
                %get3A_697 = arith.index_cast %mul3A_694 : i32 to index
                %get3A_698 = tpu.vector_load %arg9[%get3A_696, %get3A_697] {strides = array<i32>} : memref<16x256xf32, #tpu.memory_space<vmem>>, vector<16xf32>,
                %swap3A_699 = arith.index_cast %squeeze3A_685 : i32 to index
                %swap3A_700 = arith.index_cast %mul3A_694 : i32 to index
                %swap3A_701 = tpu.vector_load %arg10[%swap3A_699, %swap3A_700] {strides = array<i32>} : memref<8x256xf32, #tpu.memory_space<vmem>>, vector<16xf32>,
                tpu.vector_store %arg10[%swap3A_699, %swap3A_700], %get3A_698 {add = true, strides = array<i32>} : memref<8x256xf32, #tpu.memory_space<vmem>>, vector<16xf32>,
              }
              %scan3A_691 = arith.constant 16 : i32
            } else {
            }
            %slice3A_593 = vector.extract_strided_slice %select_n3A_495 {offsets = [3], sizes = [1], strides = [1]} : vector<16xi32> to vector<1xi32>
            %squeeze3A_594 = vector.extract %slice3A_593[0] : i32 from vector<1xi32>
            %gt3A_595 = arith.constant 0 : i32
            %gt3A_596 = arith.cmpi sgt, %squeeze3A_594, %gt3A_595 : i32
            %convert_element_type3A_597 = arith.extui %gt3A_596 : i1 to i32
            %cond3A_598 = arith.constant 0 : i32
            %cond3A_599 = arith.cmpi ne, %convert_element_type3A_597, %cond3A_598 : i32
            scf.if %cond3A_599 {
              %slice3A_684 = vector.extract_strided_slice %select_n3A_490 {offsets = [3], sizes = [1], strides = [1]} : vector<16xi32> to vector<1xi32>
              %squeeze3A_685 = vector.extract %slice3A_684[0] : i32 from vector<1xi32>
              %scan3A_686 = arith.constant 0 : i32
              %scan3A_687 = arith.constant 0 : i32
              %scan3A_688 = arith.constant 16 : i32
              %scan3A_689 = arith.addi %scan3A_687, %scan3A_688 : i32
              %scan3A_690 = arith.constant 1 : i32
              scf.for %scan3A_692 = %scan3A_687 to %scan3A_689 step %scan3A_690  : i32 {
                %mul3A_693 = arith.constant 16 : i32
                %mul3A_694 = arith.muli %scan3A_692, %mul3A_693 : i32
                %get3A_695 = arith.constant 3 : i32
                %get3A_696 = arith.index_cast %get3A_695 : i32 to index
                %get3A_697 = arith.index_cast %mul3A_694 : i32 to index
                %get3A_698 = tpu.vector_load %arg9[%get3A_696, %get3A_697] {strides = array<i32>} : memref<16x256xf32, #tpu.memory_space<vmem>>, vector<16xf32>,
                %swap3A_699 = arith.index_cast %squeeze3A_685 : i32 to index
                %swap3A_700 = arith.index_cast %mul3A_694 : i32 to index
                %swap3A_701 = tpu.vector_load %arg10[%swap3A_699, %swap3A_700] {strides = array<i32>} : memref<8x256xf32, #tpu.memory_space<vmem>>, vector<16xf32>,
                tpu.vector_store %arg10[%swap3A_699, %swap3A_700], %get3A_698 {add = true, strides = array<i32>} : memref<8x256xf32, #tpu.memory_space<vmem>>, vector<16xf32>,
              }
              %scan3A_691 = arith.constant 16 : i32
            } else {
            }
            %slice3A_600 = vector.extract_strided_slice %select_n3A_495 {offsets = [4], sizes = [1], strides = [1]} : vector<16xi32> to vector<1xi32>
            %squeeze3A_601 = vector.extract %slice3A_600[0] : i32 from vector<1xi32>
            %gt3A_602 = arith.constant 0 : i32
            %gt3A_603 = arith.cmpi sgt, %squeeze3A_601, %gt3A_602 : i32
            %convert_element_type3A_604 = arith.extui %gt3A_603 : i1 to i32
            %cond3A_605 = arith.constant 0 : i32
            %cond3A_606 = arith.cmpi ne, %convert_element_type3A_604, %cond3A_605 : i32
            scf.if %cond3A_606 {
              %slice3A_684 = vector.extract_strided_slice %select_n3A_490 {offsets = [4], sizes = [1], strides = [1]} : vector<16xi32> to vector<1xi32>
              %squeeze3A_685 = vector.extract %slice3A_684[0] : i32 from vector<1xi32>
              %scan3A_686 = arith.constant 0 : i32
              %scan3A_687 = arith.constant 0 : i32
              %scan3A_688 = arith.constant 16 : i32
              %scan3A_689 = arith.addi %scan3A_687, %scan3A_688 : i32
              %scan3A_690 = arith.constant 1 : i32
              scf.for %scan3A_692 = %scan3A_687 to %scan3A_689 step %scan3A_690  : i32 {
                %mul3A_693 = arith.constant 16 : i32
                %mul3A_694 = arith.muli %scan3A_692, %mul3A_693 : i32
                %get3A_695 = arith.constant 4 : i32
                %get3A_696 = arith.index_cast %get3A_695 : i32 to index
                %get3A_697 = arith.index_cast %mul3A_694 : i32 to index
                %get3A_698 = tpu.vector_load %arg9[%get3A_696, %get3A_697] {strides = array<i32>} : memref<16x256xf32, #tpu.memory_space<vmem>>, vector<16xf32>,
                %swap3A_699 = arith.index_cast %squeeze3A_685 : i32 to index
                %swap3A_700 = arith.index_cast %mul3A_694 : i32 to index
                %swap3A_701 = tpu.vector_load %arg10[%swap3A_699, %swap3A_700] {strides = array<i32>} : memref<8x256xf32, #tpu.memory_space<vmem>>, vector<16xf32>,
                tpu.vector_store %arg10[%swap3A_699, %swap3A_700], %get3A_698 {add = true, strides = array<i32>} : memref<8x256xf32, #tpu.memory_space<vmem>>, vector<16xf32>,
              }
              %scan3A_691 = arith.constant 16 : i32
            } else {
            }
            %slice3A_607 = vector.extract_strided_slice %select_n3A_495 {offsets = [5], sizes = [1], strides = [1]} : vector<16xi32> to vector<1xi32>
            %squeeze3A_608 = vector.extract %slice3A_607[0] : i32 from vector<1xi32>
            %gt3A_609 = arith.constant 0 : i32
            %gt3A_610 = arith.cmpi sgt, %squeeze3A_608, %gt3A_609 : i32
            %convert_element_type3A_611 = arith.extui %gt3A_610 : i1 to i32
            %cond3A_612 = arith.constant 0 : i32
            %cond3A_613 = arith.cmpi ne, %convert_element_type3A_611, %cond3A_612 : i32
            scf.if %cond3A_613 {
              %slice3A_684 = vector.extract_strided_slice %select_n3A_490 {offsets = [5], sizes = [1], strides = [1]} : vector<16xi32> to vector<1xi32>
              %squeeze3A_685 = vector.extract %slice3A_684[0] : i32 from vector<1xi32>
              %scan3A_686 = arith.constant 0 : i32
              %scan3A_687 = arith.constant 0 : i32
              %scan3A_688 = arith.constant 16 : i32
              %scan3A_689 = arith.addi %scan3A_687, %scan3A_688 : i32
              %scan3A_690 = arith.constant 1 : i32
              scf.for %scan3A_692 = %scan3A_687 to %scan3A_689 step %scan3A_690  : i32 {
                %mul3A_693 = arith.constant 16 : i32
                %mul3A_694 = arith.muli %scan3A_692, %mul3A_693 : i32
                %get3A_695 = arith.constant 5 : i32
                %get3A_696 = arith.index_cast %get3A_695 : i32 to index
                %get3A_697 = arith.index_cast %mul3A_694 : i32 to index
                %get3A_698 = tpu.vector_load %arg9[%get3A_696, %get3A_697] {strides = array<i32>} : memref<16x256xf32, #tpu.memory_space<vmem>>, vector<16xf32>,
                %swap3A_699 = arith.index_cast %squeeze3A_685 : i32 to index
                %swap3A_700 = arith.index_cast %mul3A_694 : i32 to index
                %swap3A_701 = tpu.vector_load %arg10[%swap3A_699, %swap3A_700] {strides = array<i32>} : memref<8x256xf32, #tpu.memory_space<vmem>>, vector<16xf32>,
                tpu.vector_store %arg10[%swap3A_699, %swap3A_700], %get3A_698 {add = true, strides = array<i32>} : memref<8x256xf32, #tpu.memory_space<vmem>>, vector<16xf32>,
              }
              %scan3A_691 = arith.constant 16 : i32
            } else {
            }
            %slice3A_614 = vector.extract_strided_slice %select_n3A_495 {offsets = [6], sizes = [1], strides = [1]} : vector<16xi32> to vector<1xi32>
            %squeeze3A_615 = vector.extract %slice3A_614[0] : i32 from vector<1xi32>
            %gt3A_616 = arith.constant 0 : i32
            %gt3A_617 = arith.cmpi sgt, %squeeze3A_615, %gt3A_616 : i32
            %convert_element_type3A_618 = arith.extui %gt3A_617 : i1 to i32
            %cond3A_619 = arith.constant 0 : i32
            %cond3A_620 = arith.cmpi ne, %convert_element_type3A_618, %cond3A_619 : i32
            scf.if %cond3A_620 {
              %slice3A_684 = vector.extract_strided_slice %select_n3A_490 {offsets = [6], sizes = [1], strides = [1]} : vector<16xi32> to vector<1xi32>
              %squeeze3A_685 = vector.extract %slice3A_684[0] : i32 from vector<1xi32>
              %scan3A_686 = arith.constant 0 : i32
              %scan3A_687 = arith.constant 0 : i32
              %scan3A_688 = arith.constant 16 : i32
              %scan3A_689 = arith.addi %scan3A_687, %scan3A_688 : i32
              %scan3A_690 = arith.constant 1 : i32
              scf.for %scan3A_692 = %scan3A_687 to %scan3A_689 step %scan3A_690  : i32 {
                %mul3A_693 = arith.constant 16 : i32
                %mul3A_694 = arith.muli %scan3A_692, %mul3A_693 : i32
                %get3A_695 = arith.constant 6 : i32
                %get3A_696 = arith.index_cast %get3A_695 : i32 to index
                %get3A_697 = arith.index_cast %mul3A_694 : i32 to index
                %get3A_698 = tpu.vector_load %arg9[%get3A_696, %get3A_697] {strides = array<i32>} : memref<16x256xf32, #tpu.memory_space<vmem>>, vector<16xf32>,
                %swap3A_699 = arith.index_cast %squeeze3A_685 : i32 to index
                %swap3A_700 = arith.index_cast %mul3A_694 : i32 to index
                %swap3A_701 = tpu.vector_load %arg10[%swap3A_699, %swap3A_700] {strides = array<i32>} : memref<8x256xf32, #tpu.memory_space<vmem>>, vector<16xf32>,
                tpu.vector_store %arg10[%swap3A_699, %swap3A_700], %get3A_698 {add = true, strides = array<i32>} : memref<8x256xf32, #tpu.memory_space<vmem>>, vector<16xf32>,
              }
              %scan3A_691 = arith.constant 16 : i32
            } else {
            }
            %slice3A_621 = vector.extract_strided_slice %select_n3A_495 {offsets = [7], sizes = [1], strides = [1]} : vector<16xi32> to vector<1xi32>
            %squeeze3A_622 = vector.extract %slice3A_621[0] : i32 from vector<1xi32>
            %gt3A_623 = arith.constant 0 : i32
            %gt3A_624 = arith.cmpi sgt, %squeeze3A_622, %gt3A_623 : i32
            %convert_element_type3A_625 = arith.extui %gt3A_624 : i1 to i32
            %cond3A_626 = arith.constant 0 : i32
            %cond3A_627 = arith.cmpi ne, %convert_element_type3A_625, %cond3A_626 : i32
            scf.if %cond3A_627 {
              %slice3A_684 = vector.extract_strided_slice %select_n3A_490 {offsets = [7], sizes = [1], strides = [1]} : vector<16xi32> to vector<1xi32>
              %squeeze3A_685 = vector.extract %slice3A_684[0] : i32 from vector<1xi32>
              %scan3A_686 = arith.constant 0 : i32
              %scan3A_687 = arith.constant 0 : i32
              %scan3A_688 = arith.constant 16 : i32
              %scan3A_689 = arith.addi %scan3A_687, %scan3A_688 : i32
              %scan3A_690 = arith.constant 1 : i32
              scf.for %scan3A_692 = %scan3A_687 to %scan3A_689 step %scan3A_690  : i32 {
                %mul3A_693 = arith.constant 16 : i32
                %mul3A_694 = arith.muli %scan3A_692, %mul3A_693 : i32
                %get3A_695 = arith.constant 7 : i32
                %get3A_696 = arith.index_cast %get3A_695 : i32 to index
                %get3A_697 = arith.index_cast %mul3A_694 : i32 to index
                %get3A_698 = tpu.vector_load %arg9[%get3A_696, %get3A_697] {strides = array<i32>} : memref<16x256xf32, #tpu.memory_space<vmem>>, vector<16xf32>,
                %swap3A_699 = arith.index_cast %squeeze3A_685 : i32 to index
                %swap3A_700 = arith.index_cast %mul3A_694 : i32 to index
                %swap3A_701 = tpu.vector_load %arg10[%swap3A_699, %swap3A_700] {strides = array<i32>} : memref<8x256xf32, #tpu.memory_space<vmem>>, vector<16xf32>,
                tpu.vector_store %arg10[%swap3A_699, %swap3A_700], %get3A_698 {add = true, strides = array<i32>} : memref<8x256xf32, #tpu.memory_space<vmem>>, vector<16xf32>,
              }
              %scan3A_691 = arith.constant 16 : i32
            } else {
            }
            %slice3A_628 = vector.extract_strided_slice %select_n3A_495 {offsets = [8], sizes = [1], strides = [1]} : vector<16xi32> to vector<1xi32>
            %squeeze3A_629 = vector.extract %slice3A_628[0] : i32 from vector<1xi32>
            %gt3A_630 = arith.constant 0 : i32
            %gt3A_631 = arith.cmpi sgt, %squeeze3A_629, %gt3A_630 : i32
            %convert_element_type3A_632 = arith.extui %gt3A_631 : i1 to i32
            %cond3A_633 = arith.constant 0 : i32
            %cond3A_634 = arith.cmpi ne, %convert_element_type3A_632, %cond3A_633 : i32
            scf.if %cond3A_634 {
              %slice3A_684 = vector.extract_strided_slice %select_n3A_490 {offsets = [8], sizes = [1], strides = [1]} : vector<16xi32> to vector<1xi32>
              %squeeze3A_685 = vector.extract %slice3A_684[0] : i32 from vector<1xi32>
              %scan3A_686 = arith.constant 0 : i32
              %scan3A_687 = arith.constant 0 : i32
              %scan3A_688 = arith.constant 16 : i32
              %scan3A_689 = arith.addi %scan3A_687, %scan3A_688 : i32
              %scan3A_690 = arith.constant 1 : i32
              scf.for %scan3A_692 = %scan3A_687 to %scan3A_689 step %scan3A_690  : i32 {
                %mul3A_693 = arith.constant 16 : i32
                %mul3A_694 = arith.muli %scan3A_692, %mul3A_693 : i32
                %get3A_695 = arith.constant 8 : i32
                %get3A_696 = arith.index_cast %get3A_695 : i32 to index
                %get3A_697 = arith.index_cast %mul3A_694 : i32 to index
                %get3A_698 = tpu.vector_load %arg9[%get3A_696, %get3A_697] {strides = array<i32>} : memref<16x256xf32, #tpu.memory_space<vmem>>, vector<16xf32>,
                %swap3A_699 = arith.index_cast %squeeze3A_685 : i32 to index
                %swap3A_700 = arith.index_cast %mul3A_694 : i32 to index
                %swap3A_701 = tpu.vector_load %arg10[%swap3A_699, %swap3A_700] {strides = array<i32>} : memref<8x256xf32, #tpu.memory_space<vmem>>, vector<16xf32>,
                tpu.vector_store %arg10[%swap3A_699, %swap3A_700], %get3A_698 {add = true, strides = array<i32>} : memref<8x256xf32, #tpu.memory_space<vmem>>, vector<16xf32>,
              }
              %scan3A_691 = arith.constant 16 : i32
            } else {
            }
            %slice3A_635 = vector.extract_strided_slice %select_n3A_495 {offsets = [9], sizes = [1], strides = [1]} : vector<16xi32> to vector<1xi32>
            %squeeze3A_636 = vector.extract %slice3A_635[0] : i32 from vector<1xi32>
            %gt3A_637 = arith.constant 0 : i32
            %gt3A_638 = arith.cmpi sgt, %squeeze3A_636, %gt3A_637 : i32
            %convert_element_type3A_639 = arith.extui %gt3A_638 : i1 to i32
            %cond3A_640 = arith.constant 0 : i32
            %cond3A_641 = arith.cmpi ne, %convert_element_type3A_639, %cond3A_640 : i32
            scf.if %cond3A_641 {
              %slice3A_684 = vector.extract_strided_slice %select_n3A_490 {offsets = [9], sizes = [1], strides = [1]} : vector<16xi32> to vector<1xi32>
              %squeeze3A_685 = vector.extract %slice3A_684[0] : i32 from vector<1xi32>
              %scan3A_686 = arith.constant 0 : i32
              %scan3A_687 = arith.constant 0 : i32
              %scan3A_688 = arith.constant 16 : i32
              %scan3A_689 = arith.addi %scan3A_687, %scan3A_688 : i32
              %scan3A_690 = arith.constant 1 : i32
              scf.for %scan3A_692 = %scan3A_687 to %scan3A_689 step %scan3A_690  : i32 {
                %mul3A_693 = arith.constant 16 : i32
                %mul3A_694 = arith.muli %scan3A_692, %mul3A_693 : i32
                %get3A_695 = arith.constant 9 : i32
                %get3A_696 = arith.index_cast %get3A_695 : i32 to index
                %get3A_697 = arith.index_cast %mul3A_694 : i32 to index
                %get3A_698 = tpu.vector_load %arg9[%get3A_696, %get3A_697] {strides = array<i32>} : memref<16x256xf32, #tpu.memory_space<vmem>>, vector<16xf32>,
                %swap3A_699 = arith.index_cast %squeeze3A_685 : i32 to index
                %swap3A_700 = arith.index_cast %mul3A_694 : i32 to index
                %swap3A_701 = tpu.vector_load %arg10[%swap3A_699, %swap3A_700] {strides = array<i32>} : memref<8x256xf32, #tpu.memory_space<vmem>>, vector<16xf32>,
                tpu.vector_store %arg10[%swap3A_699, %swap3A_700], %get3A_698 {add = true, strides = array<i32>} : memref<8x256xf32, #tpu.memory_space<vmem>>, vector<16xf32>,
              }
              %scan3A_691 = arith.constant 16 : i32
            } else {
            }
            %slice3A_642 = vector.extract_strided_slice %select_n3A_495 {offsets = [10], sizes = [1], strides = [1]} : vector<16xi32> to vector<1xi32>
            %squeeze3A_643 = vector.extract %slice3A_642[0] : i32 from vector<1xi32>
            %gt3A_644 = arith.constant 0 : i32
            %gt3A_645 = arith.cmpi sgt, %squeeze3A_643, %gt3A_644 : i32
            %convert_element_type3A_646 = arith.extui %gt3A_645 : i1 to i32
            %cond3A_647 = arith.constant 0 : i32
            %cond3A_648 = arith.cmpi ne, %convert_element_type3A_646, %cond3A_647 : i32
            scf.if %cond3A_648 {
              %slice3A_684 = vector.extract_strided_slice %select_n3A_490 {offsets = [10], sizes = [1], strides = [1]} : vector<16xi32> to vector<1xi32>
              %squeeze3A_685 = vector.extract %slice3A_684[0] : i32 from vector<1xi32>
              %scan3A_686 = arith.constant 0 : i32
              %scan3A_687 = arith.constant 0 : i32
              %scan3A_688 = arith.constant 16 : i32
              %scan3A_689 = arith.addi %scan3A_687, %scan3A_688 : i32
              %scan3A_690 = arith.constant 1 : i32
              scf.for %scan3A_692 = %scan3A_687 to %scan3A_689 step %scan3A_690  : i32 {
                %mul3A_693 = arith.constant 16 : i32
                %mul3A_694 = arith.muli %scan3A_692, %mul3A_693 : i32
                %get3A_695 = arith.constant 10 : i32
                %get3A_696 = arith.index_cast %get3A_695 : i32 to index
                %get3A_697 = arith.index_cast %mul3A_694 : i32 to index
                %get3A_698 = tpu.vector_load %arg9[%get3A_696, %get3A_697] {strides = array<i32>} : memref<16x256xf32, #tpu.memory_space<vmem>>, vector<16xf32>,
                %swap3A_699 = arith.index_cast %squeeze3A_685 : i32 to index
                %swap3A_700 = arith.index_cast %mul3A_694 : i32 to index
                %swap3A_701 = tpu.vector_load %arg10[%swap3A_699, %swap3A_700] {strides = array<i32>} : memref<8x256xf32, #tpu.memory_space<vmem>>, vector<16xf32>,
                tpu.vector_store %arg10[%swap3A_699, %swap3A_700], %get3A_698 {add = true, strides = array<i32>} : memref<8x256xf32, #tpu.memory_space<vmem>>, vector<16xf32>,
              }
              %scan3A_691 = arith.constant 16 : i32
            } else {
            }
            %slice3A_649 = vector.extract_strided_slice %select_n3A_495 {offsets = [11], sizes = [1], strides = [1]} : vector<16xi32> to vector<1xi32>
            %squeeze3A_650 = vector.extract %slice3A_649[0] : i32 from vector<1xi32>
            %gt3A_651 = arith.constant 0 : i32
            %gt3A_652 = arith.cmpi sgt, %squeeze3A_650, %gt3A_651 : i32
            %convert_element_type3A_653 = arith.extui %gt3A_652 : i1 to i32
            %cond3A_654 = arith.constant 0 : i32
            %cond3A_655 = arith.cmpi ne, %convert_element_type3A_653, %cond3A_654 : i32
            scf.if %cond3A_655 {
              %slice3A_684 = vector.extract_strided_slice %select_n3A_490 {offsets = [11], sizes = [1], strides = [1]} : vector<16xi32> to vector<1xi32>
              %squeeze3A_685 = vector.extract %slice3A_684[0] : i32 from vector<1xi32>
              %scan3A_686 = arith.constant 0 : i32
              %scan3A_687 = arith.constant 0 : i32
              %scan3A_688 = arith.constant 16 : i32
              %scan3A_689 = arith.addi %scan3A_687, %scan3A_688 : i32
              %scan3A_690 = arith.constant 1 : i32
              scf.for %scan3A_692 = %scan3A_687 to %scan3A_689 step %scan3A_690  : i32 {
                %mul3A_693 = arith.constant 16 : i32
                %mul3A_694 = arith.muli %scan3A_692, %mul3A_693 : i32
                %get3A_695 = arith.constant 11 : i32
                %get3A_696 = arith.index_cast %get3A_695 : i32 to index
                %get3A_697 = arith.index_cast %mul3A_694 : i32 to index
                %get3A_698 = tpu.vector_load %arg9[%get3A_696, %get3A_697] {strides = array<i32>} : memref<16x256xf32, #tpu.memory_space<vmem>>, vector<16xf32>,
                %swap3A_699 = arith.index_cast %squeeze3A_685 : i32 to index
                %swap3A_700 = arith.index_cast %mul3A_694 : i32 to index
                %swap3A_701 = tpu.vector_load %arg10[%swap3A_699, %swap3A_700] {strides = array<i32>} : memref<8x256xf32, #tpu.memory_space<vmem>>, vector<16xf32>,
                tpu.vector_store %arg10[%swap3A_699, %swap3A_700], %get3A_698 {add = true, strides = array<i32>} : memref<8x256xf32, #tpu.memory_space<vmem>>, vector<16xf32>,
              }
              %scan3A_691 = arith.constant 16 : i32
            } else {
            }
            %slice3A_656 = vector.extract_strided_slice %select_n3A_495 {offsets = [12], sizes = [1], strides = [1]} : vector<16xi32> to vector<1xi32>
            %squeeze3A_657 = vector.extract %slice3A_656[0] : i32 from vector<1xi32>
            %gt3A_658 = arith.constant 0 : i32
            %gt3A_659 = arith.cmpi sgt, %squeeze3A_657, %gt3A_658 : i32
            %convert_element_type3A_660 = arith.extui %gt3A_659 : i1 to i32
            %cond3A_661 = arith.constant 0 : i32
            %cond3A_662 = arith.cmpi ne, %convert_element_type3A_660, %cond3A_661 : i32
            scf.if %cond3A_662 {
              %slice3A_684 = vector.extract_strided_slice %select_n3A_490 {offsets = [12], sizes = [1], strides = [1]} : vector<16xi32> to vector<1xi32>
              %squeeze3A_685 = vector.extract %slice3A_684[0] : i32 from vector<1xi32>
              %scan3A_686 = arith.constant 0 : i32
              %scan3A_687 = arith.constant 0 : i32
              %scan3A_688 = arith.constant 16 : i32
              %scan3A_689 = arith.addi %scan3A_687, %scan3A_688 : i32
              %scan3A_690 = arith.constant 1 : i32
              scf.for %scan3A_692 = %scan3A_687 to %scan3A_689 step %scan3A_690  : i32 {
                %mul3A_693 = arith.constant 16 : i32
                %mul3A_694 = arith.muli %scan3A_692, %mul3A_693 : i32
                %get3A_695 = arith.constant 12 : i32
                %get3A_696 = arith.index_cast %get3A_695 : i32 to index
                %get3A_697 = arith.index_cast %mul3A_694 : i32 to index
                %get3A_698 = tpu.vector_load %arg9[%get3A_696, %get3A_697] {strides = array<i32>} : memref<16x256xf32, #tpu.memory_space<vmem>>, vector<16xf32>,
                %swap3A_699 = arith.index_cast %squeeze3A_685 : i32 to index
                %swap3A_700 = arith.index_cast %mul3A_694 : i32 to index
                %swap3A_701 = tpu.vector_load %arg10[%swap3A_699, %swap3A_700] {strides = array<i32>} : memref<8x256xf32, #tpu.memory_space<vmem>>, vector<16xf32>,
                tpu.vector_store %arg10[%swap3A_699, %swap3A_700], %get3A_698 {add = true, strides = array<i32>} : memref<8x256xf32, #tpu.memory_space<vmem>>, vector<16xf32>,
              }
              %scan3A_691 = arith.constant 16 : i32
            } else {
            }
            %slice3A_663 = vector.extract_strided_slice %select_n3A_495 {offsets = [13], sizes = [1], strides = [1]} : vector<16xi32> to vector<1xi32>
            %squeeze3A_664 = vector.extract %slice3A_663[0] : i32 from vector<1xi32>
            %gt3A_665 = arith.constant 0 : i32
            %gt3A_666 = arith.cmpi sgt, %squeeze3A_664, %gt3A_665 : i32
            %convert_element_type3A_667 = arith.extui %gt3A_666 : i1 to i32
            %cond3A_668 = arith.constant 0 : i32
            %cond3A_669 = arith.cmpi ne, %convert_element_type3A_667, %cond3A_668 : i32
            scf.if %cond3A_669 {
              %slice3A_684 = vector.extract_strided_slice %select_n3A_490 {offsets = [13], sizes = [1], strides = [1]} : vector<16xi32> to vector<1xi32>
              %squeeze3A_685 = vector.extract %slice3A_684[0] : i32 from vector<1xi32>
              %scan3A_686 = arith.constant 0 : i32
              %scan3A_687 = arith.constant 0 : i32
              %scan3A_688 = arith.constant 16 : i32
              %scan3A_689 = arith.addi %scan3A_687, %scan3A_688 : i32
              %scan3A_690 = arith.constant 1 : i32
              scf.for %scan3A_692 = %scan3A_687 to %scan3A_689 step %scan3A_690  : i32 {
                %mul3A_693 = arith.constant 16 : i32
                %mul3A_694 = arith.muli %scan3A_692, %mul3A_693 : i32
                %get3A_695 = arith.constant 13 : i32
                %get3A_696 = arith.index_cast %get3A_695 : i32 to index
                %get3A_697 = arith.index_cast %mul3A_694 : i32 to index
                %get3A_698 = tpu.vector_load %arg9[%get3A_696, %get3A_697] {strides = array<i32>} : memref<16x256xf32, #tpu.memory_space<vmem>>, vector<16xf32>,
                %swap3A_699 = arith.index_cast %squeeze3A_685 : i32 to index
                %swap3A_700 = arith.index_cast %mul3A_694 : i32 to index
                %swap3A_701 = tpu.vector_load %arg10[%swap3A_699, %swap3A_700] {strides = array<i32>} : memref<8x256xf32, #tpu.memory_space<vmem>>, vector<16xf32>,
                tpu.vector_store %arg10[%swap3A_699, %swap3A_700], %get3A_698 {add = true, strides = array<i32>} : memref<8x256xf32, #tpu.memory_space<vmem>>, vector<16xf32>,
              }
              %scan3A_691 = arith.constant 16 : i32
            } else {
            }
            %slice3A_670 = vector.extract_strided_slice %select_n3A_495 {offsets = [14], sizes = [1], strides = [1]} : vector<16xi32> to vector<1xi32>
            %squeeze3A_671 = vector.extract %slice3A_670[0] : i32 from vector<1xi32>
            %gt3A_672 = arith.constant 0 : i32
            %gt3A_673 = arith.cmpi sgt, %squeeze3A_671, %gt3A_672 : i32
            %convert_element_type3A_674 = arith.extui %gt3A_673 : i1 to i32
            %cond3A_675 = arith.constant 0 : i32
            %cond3A_676 = arith.cmpi ne, %convert_element_type3A_674, %cond3A_675 : i32
            scf.if %cond3A_676 {
              %slice3A_684 = vector.extract_strided_slice %select_n3A_490 {offsets = [14], sizes = [1], strides = [1]} : vector<16xi32> to vector<1xi32>
              %squeeze3A_685 = vector.extract %slice3A_684[0] : i32 from vector<1xi32>
              %scan3A_686 = arith.constant 0 : i32
              %scan3A_687 = arith.constant 0 : i32
              %scan3A_688 = arith.constant 16 : i32
              %scan3A_689 = arith.addi %scan3A_687, %scan3A_688 : i32
              %scan3A_690 = arith.constant 1 : i32
              scf.for %scan3A_692 = %scan3A_687 to %scan3A_689 step %scan3A_690  : i32 {
                %mul3A_693 = arith.constant 16 : i32
                %mul3A_694 = arith.muli %scan3A_692, %mul3A_693 : i32
                %get3A_695 = arith.constant 14 : i32
                %get3A_696 = arith.index_cast %get3A_695 : i32 to index
                %get3A_697 = arith.index_cast %mul3A_694 : i32 to index
                %get3A_698 = tpu.vector_load %arg9[%get3A_696, %get3A_697] {strides = array<i32>} : memref<16x256xf32, #tpu.memory_space<vmem>>, vector<16xf32>,
                %swap3A_699 = arith.index_cast %squeeze3A_685 : i32 to index
                %swap3A_700 = arith.index_cast %mul3A_694 : i32 to index
                %swap3A_701 = tpu.vector_load %arg10[%swap3A_699, %swap3A_700] {strides = array<i32>} : memref<8x256xf32, #tpu.memory_space<vmem>>, vector<16xf32>,
                tpu.vector_store %arg10[%swap3A_699, %swap3A_700], %get3A_698 {add = true, strides = array<i32>} : memref<8x256xf32, #tpu.memory_space<vmem>>, vector<16xf32>,
              }
              %scan3A_691 = arith.constant 16 : i32
            } else {
            }
            %slice3A_677 = vector.extract_strided_slice %select_n3A_495 {offsets = [15], sizes = [1], strides = [1]} : vector<16xi32> to vector<1xi32>
            %squeeze3A_678 = vector.extract %slice3A_677[0] : i32 from vector<1xi32>
            %gt3A_679 = arith.constant 0 : i32
            %gt3A_680 = arith.cmpi sgt, %squeeze3A_678, %gt3A_679 : i32
            %convert_element_type3A_681 = arith.extui %gt3A_680 : i1 to i32
            %cond3A_682 = arith.constant 0 : i32
            %cond3A_683 = arith.cmpi ne, %convert_element_type3A_681, %cond3A_682 : i32
            scf.if %cond3A_683 {
              %slice3A_684 = vector.extract_strided_slice %select_n3A_490 {offsets = [15], sizes = [1], strides = [1]} : vector<16xi32> to vector<1xi32>
              %squeeze3A_685 = vector.extract %slice3A_684[0] : i32 from vector<1xi32>
              %scan3A_686 = arith.constant 0 : i32
              %scan3A_687 = arith.constant 0 : i32
              %scan3A_688 = arith.constant 16 : i32
              %scan3A_689 = arith.addi %scan3A_687, %scan3A_688 : i32
              %scan3A_690 = arith.constant 1 : i32
              scf.for %scan3A_692 = %scan3A_687 to %scan3A_689 step %scan3A_690  : i32 {
                %mul3A_693 = arith.constant 16 : i32
                %mul3A_694 = arith.muli %scan3A_692, %mul3A_693 : i32
                %get3A_695 = arith.constant 15 : i32
                %get3A_696 = arith.index_cast %get3A_695 : i32 to index
                %get3A_697 = arith.index_cast %mul3A_694 : i32 to index
                %get3A_698 = tpu.vector_load %arg9[%get3A_696, %get3A_697] {strides = array<i32>} : memref<16x256xf32, #tpu.memory_space<vmem>>, vector<16xf32>,
                %swap3A_699 = arith.index_cast %squeeze3A_685 : i32 to index
                %swap3A_700 = arith.index_cast %mul3A_694 : i32 to index
                %swap3A_701 = tpu.vector_load %arg10[%swap3A_699, %swap3A_700] {strides = array<i32>} : memref<8x256xf32, #tpu.memory_space<vmem>>, vector<16xf32>,
                tpu.vector_store %arg10[%swap3A_699, %swap3A_700], %get3A_698 {add = true, strides = array<i32>} : memref<8x256xf32, #tpu.memory_space<vmem>>, vector<16xf32>,
              }
              %scan3A_691 = arith.constant 16 : i32
            } else {
            }
          } else {
          }
        }
        %while3A_446 = arith.constant 1 : i32
        scf.for %while3A_447 = %while3A_444 to %while3A_440 step %while3A_446  : i32 {
          %mul3A_448 = arith.constant 16 : i32
          %mul3A_449 = arith.muli %while3A_447, %mul3A_448 : i32
          %add3A_450 = arith.addi %sub3A_22, %mul3A_449 : i32
          %get3A_451 = arith.constant 1 : i32
          %get3A_452 = arith.index_cast %get3A_451 : i32 to index
          %get3A_453 = arith.index_cast %add3A_450 : i32 to index
          %get3A_454 = tpu.vector_load %arg6[%get3A_452, %get3A_453] {strides = array<i32>} : memref<2x5496xi32, #tpu.memory_space<vmem>>, vector<16xi32>,
          %eq3A_455 = arith.constant 0 : i32
          %eq3A_456 = vector.broadcast %eq3A_455 : i32 to vector<16xi32>
          %eq3A_457 = arith.cmpi eq, %get3A_454, %eq3A_456 : vector<16xi32>
          %convert_element_type3A_458 = arith.extui %eq3A_457 : vector<16xi1> to vector<16xi32>
          %reduce_sum3A_459 = arith.constant true
          %reduce_sum3A_460 = vector.broadcast %reduce_sum3A_459 : i1 to vector<16xi1>
          %reduce_sum3A_461 = tpu.scan <sum>, %convert_element_type3A_458 masked %reduce_sum3A_460 : vector<16xi32>, vector<16xi1> -> vector<16xi32>
          %reduce_sum3A_462 = vector.extract %reduce_sum3A_461[15] : i32 from vector<16xi32>
          %gt3A_463 = arith.constant 0 : i32
          %gt3A_464 = arith.cmpi sgt, %reduce_sum3A_462, %gt3A_463 : i32
          %convert_element_type3A_465 = arith.extui %gt3A_464 : i1 to i32
          %cond3A_466 = arith.constant 0 : i32
          %cond3A_467 = arith.cmpi ne, %convert_element_type3A_465, %cond3A_466 : i32
          scf.if %cond3A_467 {
            %get3A_468 = arith.constant 1 : i32
            %get3A_469 = arith.index_cast %get3A_468 : i32 to index
            %get3A_470 = arith.index_cast %add3A_450 : i32 to index
            %get3A_471 = tpu.vector_load %arg6[%get3A_469, %get3A_470] {strides = array<i32>} : memref<2x5496xi32, #tpu.memory_space<vmem>>, vector<16xi32>,
            %eq3A_472 = arith.constant 0 : i32
            %eq3A_473 = vector.broadcast %eq3A_472 : i32 to vector<16xi32>
            %eq3A_474 = arith.cmpi eq, %get3A_471, %eq3A_473 : vector<16xi32>
            %get3A_475 = arith.constant 0 : i32
            %get3A_476 = arith.index_cast %get3A_475 : i32 to index
            %get3A_477 = arith.index_cast %add3A_450 : i32 to index
            %get3A_478 = tpu.vector_load %arg6[%get3A_476, %get3A_477] {strides = array<i32>} : memref<2x5496xi32, #tpu.memory_space<vmem>>, vector<16xi32>,
            %mul3A_479 = arith.constant 16 : i32
            %mul3A_480 = arith.muli %while3A_447, %mul3A_479 : i32
            %get3A_481 = arith.index_cast %mul3A_480 : i32 to index
            %get3A_482 = tpu.vector_load %arg7[%get3A_481] {strides = array<i32>} : memref<5008xi32, #tpu.memory_space<vmem>>, vector<16xi32>,
            %jit3A_483 = arith.constant 0 : i32
            %broadcast_in_dim3A_484 = vector.broadcast %jit3A_483 : i32 to vector<16xi32>
            %select_n3A_485 = arith.select %eq3A_474, %get3A_478, %broadcast_in_dim3A_484 : vector<16xi1>, vector<16xi32>
            %swap3A_486 = arith.constant 0 : index
            %swap3A_487 = tpu.vector_load %arg8[%swap3A_486] {strides = array<i32>} : memref<16xi32, #tpu.memory_space<vmem>>, vector<16xi32>,
            tpu.vector_store %arg8[%swap3A_486], %select_n3A_485 {strides = array<i32>} : memref<16xi32, #tpu.memory_space<vmem>>, vector<16xi32>,
            %jit3A_488 = arith.constant 7 : i32
            %broadcast_in_dim3A_489 = vector.broadcast %jit3A_488 : i32 to vector<16xi32>
            %select_n3A_490 = arith.select %eq3A_474, %get3A_482, %broadcast_in_dim3A_489 : vector<16xi1>, vector<16xi32>
            %jit3A_491 = arith.constant 1 : i32
            %jit3A_492 = arith.constant 0 : i32
            %broadcast_in_dim3A_493 = vector.broadcast %jit3A_491 : i32 to vector<16xi32>
            %broadcast_in_dim3A_494 = vector.broadcast %jit3A_492 : i32 to vector<16xi32>
            %select_n3A_495 = arith.select %eq3A_474, %broadcast_in_dim3A_493, %broadcast_in_dim3A_494 : vector<16xi1>, vector<16xi32>
            %dma_start3A_496 = arith.constant 0 : i32
            %dma_start3A_497 = arith.constant 0 : i32
            %dma_start3A_498 = tpu.memref_slice %arg2[%dma_start3A_496, %dma_start3A_497] : memref<10000x256xf32, #tpu.memory_space<hbm>> -> memref<10000x256xf32, #tpu.memory_space<hbm>>
            tpu.enqueue_indirect_dma source(%dma_start3A_498 : memref<10000x256xf32, #tpu.memory_space<hbm>>) target(%arg9 : memref<16x256xf32, #tpu.memory_space<vmem>>) offsets(%arg8 : memref<16xi32, #tpu.memory_space<vmem>>) semaphore(%arg12 : memref<!tpu.dma_semaphore, #tpu.memory_space<semaphore_mem>>)
            %jit3A_499 = arith.constant 1.000000e+00 : f32
            %jit3A_500 = arith.constant 0.000000e+00 : f32
            %broadcast_in_dim3A_501 = vector.broadcast %jit3A_499 : f32 to vector<16xf32>
            %broadcast_in_dim3A_502 = vector.broadcast %jit3A_500 : f32 to vector<16xf32>
            %select_n3A_503 = arith.select %eq3A_474, %broadcast_in_dim3A_501, %broadcast_in_dim3A_502 : vector<16xi1>, vector<16xf32>
            %broadcast_in_dim3A_504 = arith.constant 0.000000e+00 : f32
            %broadcast_in_dim3A_505 = vector.broadcast %broadcast_in_dim3A_504 : f32 to vector<16xf32>
            %get3A_506 = arith.constant 0 : i32
            %get3A_507 = arith.index_cast %get3A_506 : i32 to index
            %get3A_508 = arith.constant 0 : index
            %get3A_509 = tpu.vector_load %arg11[%get3A_507, %get3A_508] {strides = array<i32>} : memref<8x16xf32, #tpu.memory_space<vmem>>, vector<16xf32>,
            %eq3A_510 = arith.constant 0 : i32
            %eq3A_511 = vector.broadcast %eq3A_510 : i32 to vector<16xi32>
            %eq3A_512 = arith.cmpi eq, %get3A_482, %eq3A_511 : vector<16xi32>
            %select_n3A_513 = arith.select %eq3A_512, %select_n3A_503, %broadcast_in_dim3A_505 : vector<16xi1>, vector<16xf32>
            %add3A_514 = arith.addf %get3A_509, %select_n3A_513 : vector<16xf32>
            %swap3A_515 = arith.constant 0 : i32
            %swap3A_516 = arith.index_cast %swap3A_515 : i32 to index
            %swap3A_517 = arith.constant 0 : index
            %swap3A_518 = tpu.vector_load %arg11[%swap3A_516, %swap3A_517] {strides = array<i32>} : memref<8x16xf32, #tpu.memory_space<vmem>>, vector<16xf32>,
            tpu.vector_store %arg11[%swap3A_516, %swap3A_517], %add3A_514 {strides = array<i32>} : memref<8x16xf32, #tpu.memory_space<vmem>>, vector<16xf32>,
            %get3A_519 = arith.constant 1 : i32
            %get3A_520 = arith.index_cast %get3A_519 : i32 to index
            %get3A_521 = arith.constant 0 : index
            %get3A_522 = tpu.vector_load %arg11[%get3A_520, %get3A_521] {strides = array<i32>} : memref<8x16xf32, #tpu.memory_space<vmem>>, vector<16xf32>,
            %eq3A_523 = arith.constant 1 : i32
            %eq3A_524 = vector.broadcast %eq3A_523 : i32 to vector<16xi32>
            %eq3A_525 = arith.cmpi eq, %get3A_482, %eq3A_524 : vector<16xi32>
            %select_n3A_526 = arith.select %eq3A_525, %select_n3A_503, %broadcast_in_dim3A_505 : vector<16xi1>, vector<16xf32>
            %add3A_527 = arith.addf %get3A_522, %select_n3A_526 : vector<16xf32>
            %swap3A_528 = arith.constant 1 : i32
            %swap3A_529 = arith.index_cast %swap3A_528 : i32 to index
            %swap3A_530 = arith.constant 0 : index
            %swap3A_531 = tpu.vector_load %arg11[%swap3A_529, %swap3A_530] {strides = array<i32>} : memref<8x16xf32, #tpu.memory_space<vmem>>, vector<16xf32>,
            tpu.vector_store %arg11[%swap3A_529, %swap3A_530], %add3A_527 {strides = array<i32>} : memref<8x16xf32, #tpu.memory_space<vmem>>, vector<16xf32>,
            %get3A_532 = arith.constant 2 : i32
            %get3A_533 = arith.index_cast %get3A_532 : i32 to index
            %get3A_534 = arith.constant 0 : index
            %get3A_535 = tpu.vector_load %arg11[%get3A_533, %get3A_534] {strides = array<i32>} : memref<8x16xf32, #tpu.memory_space<vmem>>, vector<16xf32>,
            %eq3A_536 = arith.constant 2 : i32
            %eq3A_537 = vector.broadcast %eq3A_536 : i32 to vector<16xi32>
            %eq3A_538 = arith.cmpi eq, %get3A_482, %eq3A_537 : vector<16xi32>
            %select_n3A_539 = arith.select %eq3A_538, %select_n3A_503, %broadcast_in_dim3A_505 : vector<16xi1>, vector<16xf32>
            %add3A_540 = arith.addf %get3A_535, %select_n3A_539 : vector<16xf32>
            %swap3A_541 = arith.constant 2 : i32
            %swap3A_542 = arith.index_cast %swap3A_541 : i32 to index
            %swap3A_543 = arith.constant 0 : index
            %swap3A_544 = tpu.vector_load %arg11[%swap3A_542, %swap3A_543] {strides = array<i32>} : memref<8x16xf32, #tpu.memory_space<vmem>>, vector<16xf32>,
            tpu.vector_store %arg11[%swap3A_542, %swap3A_543], %add3A_540 {strides = array<i32>} : memref<8x16xf32, #tpu.memory_space<vmem>>, vector<16xf32>,
            %get3A_545 = arith.constant 3 : i32
            %get3A_546 = arith.index_cast %get3A_545 : i32 to index
            %get3A_547 = arith.constant 0 : index
            %get3A_548 = tpu.vector_load %arg11[%get3A_546, %get3A_547] {strides = array<i32>} : memref<8x16xf32, #tpu.memory_space<vmem>>, vector<16xf32>,
            %eq3A_549 = arith.constant 3 : i32
            %eq3A_550 = vector.broadcast %eq3A_549 : i32 to vector<16xi32>
            %eq3A_551 = arith.cmpi eq, %get3A_482, %eq3A_550 : vector<16xi32>
            %select_n3A_552 = arith.select %eq3A_551, %select_n3A_503, %broadcast_in_dim3A_505 : vector<16xi1>, vector<16xf32>
            %add3A_553 = arith.addf %get3A_548, %select_n3A_552 : vector<16xf32>
            %swap3A_554 = arith.constant 3 : i32
            %swap3A_555 = arith.index_cast %swap3A_554 : i32 to index
            %swap3A_556 = arith.constant 0 : index
            %swap3A_557 = tpu.vector_load %arg11[%swap3A_555, %swap3A_556] {strides = array<i32>} : memref<8x16xf32, #tpu.memory_space<vmem>>, vector<16xf32>,
            tpu.vector_store %arg11[%swap3A_555, %swap3A_556], %add3A_553 {strides = array<i32>} : memref<8x16xf32, #tpu.memory_space<vmem>>, vector<16xf32>,
            %get3A_558 = arith.constant 4 : i32
            %get3A_559 = arith.index_cast %get3A_558 : i32 to index
            %get3A_560 = arith.constant 0 : index
            %get3A_561 = tpu.vector_load %arg11[%get3A_559, %get3A_560] {strides = array<i32>} : memref<8x16xf32, #tpu.memory_space<vmem>>, vector<16xf32>,
            %eq3A_562 = arith.constant 4 : i32
            %eq3A_563 = vector.broadcast %eq3A_562 : i32 to vector<16xi32>
            %eq3A_564 = arith.cmpi eq, %get3A_482, %eq3A_563 : vector<16xi32>
            %select_n3A_565 = arith.select %eq3A_564, %select_n3A_503, %broadcast_in_dim3A_505 : vector<16xi1>, vector<16xf32>
            %add3A_566 = arith.addf %get3A_561, %select_n3A_565 : vector<16xf32>
            %swap3A_567 = arith.constant 4 : i32
            %swap3A_568 = arith.index_cast %swap3A_567 : i32 to index
            %swap3A_569 = arith.constant 0 : index
            %swap3A_570 = tpu.vector_load %arg11[%swap3A_568, %swap3A_569] {strides = array<i32>} : memref<8x16xf32, #tpu.memory_space<vmem>>, vector<16xf32>,
            tpu.vector_store %arg11[%swap3A_568, %swap3A_569], %add3A_566 {strides = array<i32>} : memref<8x16xf32, #tpu.memory_space<vmem>>, vector<16xf32>,
            %dma_wait3A_571 = arith.constant 0 : i32
            %dma_wait3A_572 = arith.constant 0 : i32
            %dma_wait3A_573 = tpu.memref_slice %arg2[%dma_wait3A_571, %dma_wait3A_572] : memref<10000x256xf32, #tpu.memory_space<hbm>> -> memref<10000x256xf32, #tpu.memory_space<hbm>>
            tpu.wait_indirect_dma semaphore(%arg12 : memref<!tpu.dma_semaphore, #tpu.memory_space<semaphore_mem>>) src(%dma_wait3A_573 : memref<10000x256xf32, #tpu.memory_space<hbm>>) dst(%arg9 : memref<16x256xf32, #tpu.memory_space<vmem>>)
            %slice3A = vector.extract_strided_slice %select_n3A_495 {offsets = [0], sizes = [1], strides = [1]} : vector<16xi32> to vector<1xi32>
            %squeeze3A = vector.extract %slice3A[0] : i32 from vector<1xi32>
            %gt3A_574 = arith.constant 0 : i32
            %gt3A_575 = arith.cmpi sgt, %squeeze3A, %gt3A_574 : i32
            %convert_element_type3A_576 = arith.extui %gt3A_575 : i1 to i32
            %cond3A_577 = arith.constant 0 : i32
            %cond3A_578 = arith.cmpi ne, %convert_element_type3A_576, %cond3A_577 : i32
            scf.if %cond3A_578 {
              %slice3A_684 = vector.extract_strided_slice %select_n3A_490 {offsets = [0], sizes = [1], strides = [1]} : vector<16xi32> to vector<1xi32>
              %squeeze3A_685 = vector.extract %slice3A_684[0] : i32 from vector<1xi32>
              %scan3A_686 = arith.constant 0 : i32
              %scan3A_687 = arith.constant 0 : i32
              %scan3A_688 = arith.constant 16 : i32
              %scan3A_689 = arith.addi %scan3A_687, %scan3A_688 : i32
              %scan3A_690 = arith.constant 1 : i32
              scf.for %scan3A_692 = %scan3A_687 to %scan3A_689 step %scan3A_690  : i32 {
                %mul3A_693 = arith.constant 16 : i32
                %mul3A_694 = arith.muli %scan3A_692, %mul3A_693 : i32
                %get3A_695 = arith.constant 0 : i32
                %get3A_696 = arith.index_cast %get3A_695 : i32 to index
                %get3A_697 = arith.index_cast %mul3A_694 : i32 to index
                %get3A_698 = tpu.vector_load %arg9[%get3A_696, %get3A_697] {strides = array<i32>} : memref<16x256xf32, #tpu.memory_space<vmem>>, vector<16xf32>,
                %swap3A_699 = arith.index_cast %squeeze3A_685 : i32 to index
                %swap3A_700 = arith.index_cast %mul3A_694 : i32 to index
                %swap3A_701 = tpu.vector_load %arg10[%swap3A_699, %swap3A_700] {strides = array<i32>} : memref<8x256xf32, #tpu.memory_space<vmem>>, vector<16xf32>,
                tpu.vector_store %arg10[%swap3A_699, %swap3A_700], %get3A_698 {add = true, strides = array<i32>} : memref<8x256xf32, #tpu.memory_space<vmem>>, vector<16xf32>,
              }
              %scan3A_691 = arith.constant 16 : i32
            } else {
            }
            %slice3A_579 = vector.extract_strided_slice %select_n3A_495 {offsets = [1], sizes = [1], strides = [1]} : vector<16xi32> to vector<1xi32>
            %squeeze3A_580 = vector.extract %slice3A_579[0] : i32 from vector<1xi32>
            %gt3A_581 = arith.constant 0 : i32
            %gt3A_582 = arith.cmpi sgt, %squeeze3A_580, %gt3A_581 : i32
            %convert_element_type3A_583 = arith.extui %gt3A_582 : i1 to i32
            %cond3A_584 = arith.constant 0 : i32
            %cond3A_585 = arith.cmpi ne, %convert_element_type3A_583, %cond3A_584 : i32
            scf.if %cond3A_585 {
              %slice3A_684 = vector.extract_strided_slice %select_n3A_490 {offsets = [1], sizes = [1], strides = [1]} : vector<16xi32> to vector<1xi32>
              %squeeze3A_685 = vector.extract %slice3A_684[0] : i32 from vector<1xi32>
              %scan3A_686 = arith.constant 0 : i32
              %scan3A_687 = arith.constant 0 : i32
              %scan3A_688 = arith.constant 16 : i32
              %scan3A_689 = arith.addi %scan3A_687, %scan3A_688 : i32
              %scan3A_690 = arith.constant 1 : i32
              scf.for %scan3A_692 = %scan3A_687 to %scan3A_689 step %scan3A_690  : i32 {
                %mul3A_693 = arith.constant 16 : i32
                %mul3A_694 = arith.muli %scan3A_692, %mul3A_693 : i32
                %get3A_695 = arith.constant 1 : i32
                %get3A_696 = arith.index_cast %get3A_695 : i32 to index
                %get3A_697 = arith.index_cast %mul3A_694 : i32 to index
                %get3A_698 = tpu.vector_load %arg9[%get3A_696, %get3A_697] {strides = array<i32>} : memref<16x256xf32, #tpu.memory_space<vmem>>, vector<16xf32>,
                %swap3A_699 = arith.index_cast %squeeze3A_685 : i32 to index
                %swap3A_700 = arith.index_cast %mul3A_694 : i32 to index
                %swap3A_701 = tpu.vector_load %arg10[%swap3A_699, %swap3A_700] {strides = array<i32>} : memref<8x256xf32, #tpu.memory_space<vmem>>, vector<16xf32>,
                tpu.vector_store %arg10[%swap3A_699, %swap3A_700], %get3A_698 {add = true, strides = array<i32>} : memref<8x256xf32, #tpu.memory_space<vmem>>, vector<16xf32>,
              }
              %scan3A_691 = arith.constant 16 : i32
            } else {
            }
            %slice3A_586 = vector.extract_strided_slice %select_n3A_495 {offsets = [2], sizes = [1], strides = [1]} : vector<16xi32> to vector<1xi32>
            %squeeze3A_587 = vector.extract %slice3A_586[0] : i32 from vector<1xi32>
            %gt3A_588 = arith.constant 0 : i32
            %gt3A_589 = arith.cmpi sgt, %squeeze3A_587, %gt3A_588 : i32
            %convert_element_type3A_590 = arith.extui %gt3A_589 : i1 to i32
            %cond3A_591 = arith.constant 0 : i32
            %cond3A_592 = arith.cmpi ne, %convert_element_type3A_590, %cond3A_591 : i32
            scf.if %cond3A_592 {
              %slice3A_684 = vector.extract_strided_slice %select_n3A_490 {offsets = [2], sizes = [1], strides = [1]} : vector<16xi32> to vector<1xi32>
              %squeeze3A_685 = vector.extract %slice3A_684[0] : i32 from vector<1xi32>
              %scan3A_686 = arith.constant 0 : i32
              %scan3A_687 = arith.constant 0 : i32
              %scan3A_688 = arith.constant 16 : i32
              %scan3A_689 = arith.addi %scan3A_687, %scan3A_688 : i32
              %scan3A_690 = arith.constant 1 : i32
              scf.for %scan3A_692 = %scan3A_687 to %scan3A_689 step %scan3A_690  : i32 {
                %mul3A_693 = arith.constant 16 : i32
                %mul3A_694 = arith.muli %scan3A_692, %mul3A_693 : i32
                %get3A_695 = arith.constant 2 : i32
                %get3A_696 = arith.index_cast %get3A_695 : i32 to index
                %get3A_697 = arith.index_cast %mul3A_694 : i32 to index
                %get3A_698 = tpu.vector_load %arg9[%get3A_696, %get3A_697] {strides = array<i32>} : memref<16x256xf32, #tpu.memory_space<vmem>>, vector<16xf32>,
                %swap3A_699 = arith.index_cast %squeeze3A_685 : i32 to index
                %swap3A_700 = arith.index_cast %mul3A_694 : i32 to index
                %swap3A_701 = tpu.vector_load %arg10[%swap3A_699, %swap3A_700] {strides = array<i32>} : memref<8x256xf32, #tpu.memory_space<vmem>>, vector<16xf32>,
                tpu.vector_store %arg10[%swap3A_699, %swap3A_700], %get3A_698 {add = true, strides = array<i32>} : memref<8x256xf32, #tpu.memory_space<vmem>>, vector<16xf32>,
              }
              %scan3A_691 = arith.constant 16 : i32
            } else {
            }
            %slice3A_593 = vector.extract_strided_slice %select_n3A_495 {offsets = [3], sizes = [1], strides = [1]} : vector<16xi32> to vector<1xi32>
            %squeeze3A_594 = vector.extract %slice3A_593[0] : i32 from vector<1xi32>
            %gt3A_595 = arith.constant 0 : i32
            %gt3A_596 = arith.cmpi sgt, %squeeze3A_594, %gt3A_595 : i32
            %convert_element_type3A_597 = arith.extui %gt3A_596 : i1 to i32
            %cond3A_598 = arith.constant 0 : i32
            %cond3A_599 = arith.cmpi ne, %convert_element_type3A_597, %cond3A_598 : i32
            scf.if %cond3A_599 {
              %slice3A_684 = vector.extract_strided_slice %select_n3A_490 {offsets = [3], sizes = [1], strides = [1]} : vector<16xi32> to vector<1xi32>
              %squeeze3A_685 = vector.extract %slice3A_684[0] : i32 from vector<1xi32>
              %scan3A_686 = arith.constant 0 : i32
              %scan3A_687 = arith.constant 0 : i32
              %scan3A_688 = arith.constant 16 : i32
              %scan3A_689 = arith.addi %scan3A_687, %scan3A_688 : i32
              %scan3A_690 = arith.constant 1 : i32
              scf.for %scan3A_692 = %scan3A_687 to %scan3A_689 step %scan3A_690  : i32 {
                %mul3A_693 = arith.constant 16 : i32
                %mul3A_694 = arith.muli %scan3A_692, %mul3A_693 : i32
                %get3A_695 = arith.constant 3 : i32
                %get3A_696 = arith.index_cast %get3A_695 : i32 to index
                %get3A_697 = arith.index_cast %mul3A_694 : i32 to index
                %get3A_698 = tpu.vector_load %arg9[%get3A_696, %get3A_697] {strides = array<i32>} : memref<16x256xf32, #tpu.memory_space<vmem>>, vector<16xf32>,
                %swap3A_699 = arith.index_cast %squeeze3A_685 : i32 to index
                %swap3A_700 = arith.index_cast %mul3A_694 : i32 to index
                %swap3A_701 = tpu.vector_load %arg10[%swap3A_699, %swap3A_700] {strides = array<i32>} : memref<8x256xf32, #tpu.memory_space<vmem>>, vector<16xf32>,
                tpu.vector_store %arg10[%swap3A_699, %swap3A_700], %get3A_698 {add = true, strides = array<i32>} : memref<8x256xf32, #tpu.memory_space<vmem>>, vector<16xf32>,
              }
              %scan3A_691 = arith.constant 16 : i32
            } else {
            }
            %slice3A_600 = vector.extract_strided_slice %select_n3A_495 {offsets = [4], sizes = [1], strides = [1]} : vector<16xi32> to vector<1xi32>
            %squeeze3A_601 = vector.extract %slice3A_600[0] : i32 from vector<1xi32>
            %gt3A_602 = arith.constant 0 : i32
            %gt3A_603 = arith.cmpi sgt, %squeeze3A_601, %gt3A_602 : i32
            %convert_element_type3A_604 = arith.extui %gt3A_603 : i1 to i32
            %cond3A_605 = arith.constant 0 : i32
            %cond3A_606 = arith.cmpi ne, %convert_element_type3A_604, %cond3A_605 : i32
            scf.if %cond3A_606 {
              %slice3A_684 = vector.extract_strided_slice %select_n3A_490 {offsets = [4], sizes = [1], strides = [1]} : vector<16xi32> to vector<1xi32>
              %squeeze3A_685 = vector.extract %slice3A_684[0] : i32 from vector<1xi32>
              %scan3A_686 = arith.constant 0 : i32
              %scan3A_687 = arith.constant 0 : i32
              %scan3A_688 = arith.constant 16 : i32
              %scan3A_689 = arith.addi %scan3A_687, %scan3A_688 : i32
              %scan3A_690 = arith.constant 1 : i32
              scf.for %scan3A_692 = %scan3A_687 to %scan3A_689 step %scan3A_690  : i32 {
                %mul3A_693 = arith.constant 16 : i32
                %mul3A_694 = arith.muli %scan3A_692, %mul3A_693 : i32
                %get3A_695 = arith.constant 4 : i32
                %get3A_696 = arith.index_cast %get3A_695 : i32 to index
                %get3A_697 = arith.index_cast %mul3A_694 : i32 to index
                %get3A_698 = tpu.vector_load %arg9[%get3A_696, %get3A_697] {strides = array<i32>} : memref<16x256xf32, #tpu.memory_space<vmem>>, vector<16xf32>,
                %swap3A_699 = arith.index_cast %squeeze3A_685 : i32 to index
                %swap3A_700 = arith.index_cast %mul3A_694 : i32 to index
                %swap3A_701 = tpu.vector_load %arg10[%swap3A_699, %swap3A_700] {strides = array<i32>} : memref<8x256xf32, #tpu.memory_space<vmem>>, vector<16xf32>,
                tpu.vector_store %arg10[%swap3A_699, %swap3A_700], %get3A_698 {add = true, strides = array<i32>} : memref<8x256xf32, #tpu.memory_space<vmem>>, vector<16xf32>,
              }
              %scan3A_691 = arith.constant 16 : i32
            } else {
            }
            %slice3A_607 = vector.extract_strided_slice %select_n3A_495 {offsets = [5], sizes = [1], strides = [1]} : vector<16xi32> to vector<1xi32>
            %squeeze3A_608 = vector.extract %slice3A_607[0] : i32 from vector<1xi32>
            %gt3A_609 = arith.constant 0 : i32
            %gt3A_610 = arith.cmpi sgt, %squeeze3A_608, %gt3A_609 : i32
            %convert_element_type3A_611 = arith.extui %gt3A_610 : i1 to i32
            %cond3A_612 = arith.constant 0 : i32
            %cond3A_613 = arith.cmpi ne, %convert_element_type3A_611, %cond3A_612 : i32
            scf.if %cond3A_613 {
              %slice3A_684 = vector.extract_strided_slice %select_n3A_490 {offsets = [5], sizes = [1], strides = [1]} : vector<16xi32> to vector<1xi32>
              %squeeze3A_685 = vector.extract %slice3A_684[0] : i32 from vector<1xi32>
              %scan3A_686 = arith.constant 0 : i32
              %scan3A_687 = arith.constant 0 : i32
              %scan3A_688 = arith.constant 16 : i32
              %scan3A_689 = arith.addi %scan3A_687, %scan3A_688 : i32
              %scan3A_690 = arith.constant 1 : i32
              scf.for %scan3A_692 = %scan3A_687 to %scan3A_689 step %scan3A_690  : i32 {
                %mul3A_693 = arith.constant 16 : i32
                %mul3A_694 = arith.muli %scan3A_692, %mul3A_693 : i32
                %get3A_695 = arith.constant 5 : i32
                %get3A_696 = arith.index_cast %get3A_695 : i32 to index
                %get3A_697 = arith.index_cast %mul3A_694 : i32 to index
                %get3A_698 = tpu.vector_load %arg9[%get3A_696, %get3A_697] {strides = array<i32>} : memref<16x256xf32, #tpu.memory_space<vmem>>, vector<16xf32>,
                %swap3A_699 = arith.index_cast %squeeze3A_685 : i32 to index
                %swap3A_700 = arith.index_cast %mul3A_694 : i32 to index
                %swap3A_701 = tpu.vector_load %arg10[%swap3A_699, %swap3A_700] {strides = array<i32>} : memref<8x256xf32, #tpu.memory_space<vmem>>, vector<16xf32>,
                tpu.vector_store %arg10[%swap3A_699, %swap3A_700], %get3A_698 {add = true, strides = array<i32>} : memref<8x256xf32, #tpu.memory_space<vmem>>, vector<16xf32>,
              }
              %scan3A_691 = arith.constant 16 : i32
            } else {
            }
            %slice3A_614 = vector.extract_strided_slice %select_n3A_495 {offsets = [6], sizes = [1], strides = [1]} : vector<16xi32> to vector<1xi32>
            %squeeze3A_615 = vector.extract %slice3A_614[0] : i32 from vector<1xi32>
            %gt3A_616 = arith.constant 0 : i32
            %gt3A_617 = arith.cmpi sgt, %squeeze3A_615, %gt3A_616 : i32
            %convert_element_type3A_618 = arith.extui %gt3A_617 : i1 to i32
            %cond3A_619 = arith.constant 0 : i32
            %cond3A_620 = arith.cmpi ne, %convert_element_type3A_618, %cond3A_619 : i32
            scf.if %cond3A_620 {
              %slice3A_684 = vector.extract_strided_slice %select_n3A_490 {offsets = [6], sizes = [1], strides = [1]} : vector<16xi32> to vector<1xi32>
              %squeeze3A_685 = vector.extract %slice3A_684[0] : i32 from vector<1xi32>
              %scan3A_686 = arith.constant 0 : i32
              %scan3A_687 = arith.constant 0 : i32
              %scan3A_688 = arith.constant 16 : i32
              %scan3A_689 = arith.addi %scan3A_687, %scan3A_688 : i32
              %scan3A_690 = arith.constant 1 : i32
              scf.for %scan3A_692 = %scan3A_687 to %scan3A_689 step %scan3A_690  : i32 {
                %mul3A_693 = arith.constant 16 : i32
                %mul3A_694 = arith.muli %scan3A_692, %mul3A_693 : i32
                %get3A_695 = arith.constant 6 : i32
                %get3A_696 = arith.index_cast %get3A_695 : i32 to index
                %get3A_697 = arith.index_cast %mul3A_694 : i32 to index
                %get3A_698 = tpu.vector_load %arg9[%get3A_696, %get3A_697] {strides = array<i32>} : memref<16x256xf32, #tpu.memory_space<vmem>>, vector<16xf32>,
                %swap3A_699 = arith.index_cast %squeeze3A_685 : i32 to index
                %swap3A_700 = arith.index_cast %mul3A_694 : i32 to index
                %swap3A_701 = tpu.vector_load %arg10[%swap3A_699, %swap3A_700] {strides = array<i32>} : memref<8x256xf32, #tpu.memory_space<vmem>>, vector<16xf32>,
                tpu.vector_store %arg10[%swap3A_699, %swap3A_700], %get3A_698 {add = true, strides = array<i32>} : memref<8x256xf32, #tpu.memory_space<vmem>>, vector<16xf32>,
              }
              %scan3A_691 = arith.constant 16 : i32
            } else {
            }
            %slice3A_621 = vector.extract_strided_slice %select_n3A_495 {offsets = [7], sizes = [1], strides = [1]} : vector<16xi32> to vector<1xi32>
            %squeeze3A_622 = vector.extract %slice3A_621[0] : i32 from vector<1xi32>
            %gt3A_623 = arith.constant 0 : i32
            %gt3A_624 = arith.cmpi sgt, %squeeze3A_622, %gt3A_623 : i32
            %convert_element_type3A_625 = arith.extui %gt3A_624 : i1 to i32
            %cond3A_626 = arith.constant 0 : i32
            %cond3A_627 = arith.cmpi ne, %convert_element_type3A_625, %cond3A_626 : i32
            scf.if %cond3A_627 {
              %slice3A_684 = vector.extract_strided_slice %select_n3A_490 {offsets = [7], sizes = [1], strides = [1]} : vector<16xi32> to vector<1xi32>
              %squeeze3A_685 = vector.extract %slice3A_684[0] : i32 from vector<1xi32>
              %scan3A_686 = arith.constant 0 : i32
              %scan3A_687 = arith.constant 0 : i32
              %scan3A_688 = arith.constant 16 : i32
              %scan3A_689 = arith.addi %scan3A_687, %scan3A_688 : i32
              %scan3A_690 = arith.constant 1 : i32
              scf.for %scan3A_692 = %scan3A_687 to %scan3A_689 step %scan3A_690  : i32 {
                %mul3A_693 = arith.constant 16 : i32
                %mul3A_694 = arith.muli %scan3A_692, %mul3A_693 : i32
                %get3A_695 = arith.constant 7 : i32
                %get3A_696 = arith.index_cast %get3A_695 : i32 to index
                %get3A_697 = arith.index_cast %mul3A_694 : i32 to index
                %get3A_698 = tpu.vector_load %arg9[%get3A_696, %get3A_697] {strides = array<i32>} : memref<16x256xf32, #tpu.memory_space<vmem>>, vector<16xf32>,
                %swap3A_699 = arith.index_cast %squeeze3A_685 : i32 to index
                %swap3A_700 = arith.index_cast %mul3A_694 : i32 to index
                %swap3A_701 = tpu.vector_load %arg10[%swap3A_699, %swap3A_700] {strides = array<i32>} : memref<8x256xf32, #tpu.memory_space<vmem>>, vector<16xf32>,
                tpu.vector_store %arg10[%swap3A_699, %swap3A_700], %get3A_698 {add = true, strides = array<i32>} : memref<8x256xf32, #tpu.memory_space<vmem>>, vector<16xf32>,
              }
              %scan3A_691 = arith.constant 16 : i32
            } else {
            }
            %slice3A_628 = vector.extract_strided_slice %select_n3A_495 {offsets = [8], sizes = [1], strides = [1]} : vector<16xi32> to vector<1xi32>
            %squeeze3A_629 = vector.extract %slice3A_628[0] : i32 from vector<1xi32>
            %gt3A_630 = arith.constant 0 : i32
            %gt3A_631 = arith.cmpi sgt, %squeeze3A_629, %gt3A_630 : i32
            %convert_element_type3A_632 = arith.extui %gt3A_631 : i1 to i32
            %cond3A_633 = arith.constant 0 : i32
            %cond3A_634 = arith.cmpi ne, %convert_element_type3A_632, %cond3A_633 : i32
            scf.if %cond3A_634 {
              %slice3A_684 = vector.extract_strided_slice %select_n3A_490 {offsets = [8], sizes = [1], strides = [1]} : vector<16xi32> to vector<1xi32>
              %squeeze3A_685 = vector.extract %slice3A_684[0] : i32 from vector<1xi32>
              %scan3A_686 = arith.constant 0 : i32
              %scan3A_687 = arith.constant 0 : i32
              %scan3A_688 = arith.constant 16 : i32
              %scan3A_689 = arith.addi %scan3A_687, %scan3A_688 : i32
              %scan3A_690 = arith.constant 1 : i32
              scf.for %scan3A_692 = %scan3A_687 to %scan3A_689 step %scan3A_690  : i32 {
                %mul3A_693 = arith.constant 16 : i32
                %mul3A_694 = arith.muli %scan3A_692, %mul3A_693 : i32
                %get3A_695 = arith.constant 8 : i32
                %get3A_696 = arith.index_cast %get3A_695 : i32 to index
                %get3A_697 = arith.index_cast %mul3A_694 : i32 to index
                %get3A_698 = tpu.vector_load %arg9[%get3A_696, %get3A_697] {strides = array<i32>} : memref<16x256xf32, #tpu.memory_space<vmem>>, vector<16xf32>,
                %swap3A_699 = arith.index_cast %squeeze3A_685 : i32 to index
                %swap3A_700 = arith.index_cast %mul3A_694 : i32 to index
                %swap3A_701 = tpu.vector_load %arg10[%swap3A_699, %swap3A_700] {strides = array<i32>} : memref<8x256xf32, #tpu.memory_space<vmem>>, vector<16xf32>,
                tpu.vector_store %arg10[%swap3A_699, %swap3A_700], %get3A_698 {add = true, strides = array<i32>} : memref<8x256xf32, #tpu.memory_space<vmem>>, vector<16xf32>,
              }
              %scan3A_691 = arith.constant 16 : i32
            } else {
            }
            %slice3A_635 = vector.extract_strided_slice %select_n3A_495 {offsets = [9], sizes = [1], strides = [1]} : vector<16xi32> to vector<1xi32>
            %squeeze3A_636 = vector.extract %slice3A_635[0] : i32 from vector<1xi32>
            %gt3A_637 = arith.constant 0 : i32
            %gt3A_638 = arith.cmpi sgt, %squeeze3A_636, %gt3A_637 : i32
            %convert_element_type3A_639 = arith.extui %gt3A_638 : i1 to i32
            %cond3A_640 = arith.constant 0 : i32
            %cond3A_641 = arith.cmpi ne, %convert_element_type3A_639, %cond3A_640 : i32
            scf.if %cond3A_641 {
              %slice3A_684 = vector.extract_strided_slice %select_n3A_490 {offsets = [9], sizes = [1], strides = [1]} : vector<16xi32> to vector<1xi32>
              %squeeze3A_685 = vector.extract %slice3A_684[0] : i32 from vector<1xi32>
              %scan3A_686 = arith.constant 0 : i32
              %scan3A_687 = arith.constant 0 : i32
              %scan3A_688 = arith.constant 16 : i32
              %scan3A_689 = arith.addi %scan3A_687, %scan3A_688 : i32
              %scan3A_690 = arith.constant 1 : i32
              scf.for %scan3A_692 = %scan3A_687 to %scan3A_689 step %scan3A_690  : i32 {
                %mul3A_693 = arith.constant 16 : i32
                %mul3A_694 = arith.muli %scan3A_692, %mul3A_693 : i32
                %get3A_695 = arith.constant 9 : i32
                %get3A_696 = arith.index_cast %get3A_695 : i32 to index
                %get3A_697 = arith.index_cast %mul3A_694 : i32 to index
                %get3A_698 = tpu.vector_load %arg9[%get3A_696, %get3A_697] {strides = array<i32>} : memref<16x256xf32, #tpu.memory_space<vmem>>, vector<16xf32>,
                %swap3A_699 = arith.index_cast %squeeze3A_685 : i32 to index
                %swap3A_700 = arith.index_cast %mul3A_694 : i32 to index
                %swap3A_701 = tpu.vector_load %arg10[%swap3A_699, %swap3A_700] {strides = array<i32>} : memref<8x256xf32, #tpu.memory_space<vmem>>, vector<16xf32>,
                tpu.vector_store %arg10[%swap3A_699, %swap3A_700], %get3A_698 {add = true, strides = array<i32>} : memref<8x256xf32, #tpu.memory_space<vmem>>, vector<16xf32>,
              }
              %scan3A_691 = arith.constant 16 : i32
            } else {
            }
            %slice3A_642 = vector.extract_strided_slice %select_n3A_495 {offsets = [10], sizes = [1], strides = [1]} : vector<16xi32> to vector<1xi32>
            %squeeze3A_643 = vector.extract %slice3A_642[0] : i32 from vector<1xi32>
            %gt3A_644 = arith.constant 0 : i32
            %gt3A_645 = arith.cmpi sgt, %squeeze3A_643, %gt3A_644 : i32
            %convert_element_type3A_646 = arith.extui %gt3A_645 : i1 to i32
            %cond3A_647 = arith.constant 0 : i32
            %cond3A_648 = arith.cmpi ne, %convert_element_type3A_646, %cond3A_647 : i32
            scf.if %cond3A_648 {
              %slice3A_684 = vector.extract_strided_slice %select_n3A_490 {offsets = [10], sizes = [1], strides = [1]} : vector<16xi32> to vector<1xi32>
              %squeeze3A_685 = vector.extract %slice3A_684[0] : i32 from vector<1xi32>
              %scan3A_686 = arith.constant 0 : i32
              %scan3A_687 = arith.constant 0 : i32
              %scan3A_688 = arith.constant 16 : i32
              %scan3A_689 = arith.addi %scan3A_687, %scan3A_688 : i32
              %scan3A_690 = arith.constant 1 : i32
              scf.for %scan3A_692 = %scan3A_687 to %scan3A_689 step %scan3A_690  : i32 {
                %mul3A_693 = arith.constant 16 : i32
                %mul3A_694 = arith.muli %scan3A_692, %mul3A_693 : i32
                %get3A_695 = arith.constant 10 : i32
                %get3A_696 = arith.index_cast %get3A_695 : i32 to index
                %get3A_697 = arith.index_cast %mul3A_694 : i32 to index
                %get3A_698 = tpu.vector_load %arg9[%get3A_696, %get3A_697] {strides = array<i32>} : memref<16x256xf32, #tpu.memory_space<vmem>>, vector<16xf32>,
                %swap3A_699 = arith.index_cast %squeeze3A_685 : i32 to index
                %swap3A_700 = arith.index_cast %mul3A_694 : i32 to index
                %swap3A_701 = tpu.vector_load %arg10[%swap3A_699, %swap3A_700] {strides = array<i32>} : memref<8x256xf32, #tpu.memory_space<vmem>>, vector<16xf32>,
                tpu.vector_store %arg10[%swap3A_699, %swap3A_700], %get3A_698 {add = true, strides = array<i32>} : memref<8x256xf32, #tpu.memory_space<vmem>>, vector<16xf32>,
              }
              %scan3A_691 = arith.constant 16 : i32
            } else {
            }
            %slice3A_649 = vector.extract_strided_slice %select_n3A_495 {offsets = [11], sizes = [1], strides = [1]} : vector<16xi32> to vector<1xi32>
            %squeeze3A_650 = vector.extract %slice3A_649[0] : i32 from vector<1xi32>
            %gt3A_651 = arith.constant 0 : i32
            %gt3A_652 = arith.cmpi sgt, %squeeze3A_650, %gt3A_651 : i32
            %convert_element_type3A_653 = arith.extui %gt3A_652 : i1 to i32
            %cond3A_654 = arith.constant 0 : i32
            %cond3A_655 = arith.cmpi ne, %convert_element_type3A_653, %cond3A_654 : i32
            scf.if %cond3A_655 {
              %slice3A_684 = vector.extract_strided_slice %select_n3A_490 {offsets = [11], sizes = [1], strides = [1]} : vector<16xi32> to vector<1xi32>
              %squeeze3A_685 = vector.extract %slice3A_684[0] : i32 from vector<1xi32>
              %scan3A_686 = arith.constant 0 : i32
              %scan3A_687 = arith.constant 0 : i32
              %scan3A_688 = arith.constant 16 : i32
              %scan3A_689 = arith.addi %scan3A_687, %scan3A_688 : i32
              %scan3A_690 = arith.constant 1 : i32
              scf.for %scan3A_692 = %scan3A_687 to %scan3A_689 step %scan3A_690  : i32 {
                %mul3A_693 = arith.constant 16 : i32
                %mul3A_694 = arith.muli %scan3A_692, %mul3A_693 : i32
                %get3A_695 = arith.constant 11 : i32
                %get3A_696 = arith.index_cast %get3A_695 : i32 to index
                %get3A_697 = arith.index_cast %mul3A_694 : i32 to index
                %get3A_698 = tpu.vector_load %arg9[%get3A_696, %get3A_697] {strides = array<i32>} : memref<16x256xf32, #tpu.memory_space<vmem>>, vector<16xf32>,
                %swap3A_699 = arith.index_cast %squeeze3A_685 : i32 to index
                %swap3A_700 = arith.index_cast %mul3A_694 : i32 to index
                %swap3A_701 = tpu.vector_load %arg10[%swap3A_699, %swap3A_700] {strides = array<i32>} : memref<8x256xf32, #tpu.memory_space<vmem>>, vector<16xf32>,
                tpu.vector_store %arg10[%swap3A_699, %swap3A_700], %get3A_698 {add = true, strides = array<i32>} : memref<8x256xf32, #tpu.memory_space<vmem>>, vector<16xf32>,
              }
              %scan3A_691 = arith.constant 16 : i32
            } else {
            }
            %slice3A_656 = vector.extract_strided_slice %select_n3A_495 {offsets = [12], sizes = [1], strides = [1]} : vector<16xi32> to vector<1xi32>
            %squeeze3A_657 = vector.extract %slice3A_656[0] : i32 from vector<1xi32>
            %gt3A_658 = arith.constant 0 : i32
            %gt3A_659 = arith.cmpi sgt, %squeeze3A_657, %gt3A_658 : i32
            %convert_element_type3A_660 = arith.extui %gt3A_659 : i1 to i32
            %cond3A_661 = arith.constant 0 : i32
            %cond3A_662 = arith.cmpi ne, %convert_element_type3A_660, %cond3A_661 : i32
            scf.if %cond3A_662 {
              %slice3A_684 = vector.extract_strided_slice %select_n3A_490 {offsets = [12], sizes = [1], strides = [1]} : vector<16xi32> to vector<1xi32>
              %squeeze3A_685 = vector.extract %slice3A_684[0] : i32 from vector<1xi32>
              %scan3A_686 = arith.constant 0 : i32
              %scan3A_687 = arith.constant 0 : i32
              %scan3A_688 = arith.constant 16 : i32
              %scan3A_689 = arith.addi %scan3A_687, %scan3A_688 : i32
              %scan3A_690 = arith.constant 1 : i32
              scf.for %scan3A_692 = %scan3A_687 to %scan3A_689 step %scan3A_690  : i32 {
                %mul3A_693 = arith.constant 16 : i32
                %mul3A_694 = arith.muli %scan3A_692, %mul3A_693 : i32
                %get3A_695 = arith.constant 12 : i32
                %get3A_696 = arith.index_cast %get3A_695 : i32 to index
                %get3A_697 = arith.index_cast %mul3A_694 : i32 to index
                %get3A_698 = tpu.vector_load %arg9[%get3A_696, %get3A_697] {strides = array<i32>} : memref<16x256xf32, #tpu.memory_space<vmem>>, vector<16xf32>,
                %swap3A_699 = arith.index_cast %squeeze3A_685 : i32 to index
                %swap3A_700 = arith.index_cast %mul3A_694 : i32 to index
                %swap3A_701 = tpu.vector_load %arg10[%swap3A_699, %swap3A_700] {strides = array<i32>} : memref<8x256xf32, #tpu.memory_space<vmem>>, vector<16xf32>,
                tpu.vector_store %arg10[%swap3A_699, %swap3A_700], %get3A_698 {add = true, strides = array<i32>} : memref<8x256xf32, #tpu.memory_space<vmem>>, vector<16xf32>,
              }
              %scan3A_691 = arith.constant 16 : i32
            } else {
            }
            %slice3A_663 = vector.extract_strided_slice %select_n3A_495 {offsets = [13], sizes = [1], strides = [1]} : vector<16xi32> to vector<1xi32>
            %squeeze3A_664 = vector.extract %slice3A_663[0] : i32 from vector<1xi32>
            %gt3A_665 = arith.constant 0 : i32
            %gt3A_666 = arith.cmpi sgt, %squeeze3A_664, %gt3A_665 : i32
            %convert_element_type3A_667 = arith.extui %gt3A_666 : i1 to i32
            %cond3A_668 = arith.constant 0 : i32
            %cond3A_669 = arith.cmpi ne, %convert_element_type3A_667, %cond3A_668 : i32
            scf.if %cond3A_669 {
              %slice3A_684 = vector.extract_strided_slice %select_n3A_490 {offsets = [13], sizes = [1], strides = [1]} : vector<16xi32> to vector<1xi32>
              %squeeze3A_685 = vector.extract %slice3A_684[0] : i32 from vector<1xi32>
              %scan3A_686 = arith.constant 0 : i32
              %scan3A_687 = arith.constant 0 : i32
              %scan3A_688 = arith.constant 16 : i32
              %scan3A_689 = arith.addi %scan3A_687, %scan3A_688 : i32
              %scan3A_690 = arith.constant 1 : i32
              scf.for %scan3A_692 = %scan3A_687 to %scan3A_689 step %scan3A_690  : i32 {
                %mul3A_693 = arith.constant 16 : i32
                %mul3A_694 = arith.muli %scan3A_692, %mul3A_693 : i32
                %get3A_695 = arith.constant 13 : i32
                %get3A_696 = arith.index_cast %get3A_695 : i32 to index
                %get3A_697 = arith.index_cast %mul3A_694 : i32 to index
                %get3A_698 = tpu.vector_load %arg9[%get3A_696, %get3A_697] {strides = array<i32>} : memref<16x256xf32, #tpu.memory_space<vmem>>, vector<16xf32>,
                %swap3A_699 = arith.index_cast %squeeze3A_685 : i32 to index
                %swap3A_700 = arith.index_cast %mul3A_694 : i32 to index
                %swap3A_701 = tpu.vector_load %arg10[%swap3A_699, %swap3A_700] {strides = array<i32>} : memref<8x256xf32, #tpu.memory_space<vmem>>, vector<16xf32>,
                tpu.vector_store %arg10[%swap3A_699, %swap3A_700], %get3A_698 {add = true, strides = array<i32>} : memref<8x256xf32, #tpu.memory_space<vmem>>, vector<16xf32>,
              }
              %scan3A_691 = arith.constant 16 : i32
            } else {
            }
            %slice3A_670 = vector.extract_strided_slice %select_n3A_495 {offsets = [14], sizes = [1], strides = [1]} : vector<16xi32> to vector<1xi32>
            %squeeze3A_671 = vector.extract %slice3A_670[0] : i32 from vector<1xi32>
            %gt3A_672 = arith.constant 0 : i32
            %gt3A_673 = arith.cmpi sgt, %squeeze3A_671, %gt3A_672 : i32
            %convert_element_type3A_674 = arith.extui %gt3A_673 : i1 to i32
            %cond3A_675 = arith.constant 0 : i32
            %cond3A_676 = arith.cmpi ne, %convert_element_type3A_674, %cond3A_675 : i32
            scf.if %cond3A_676 {
              %slice3A_684 = vector.extract_strided_slice %select_n3A_490 {offsets = [14], sizes = [1], strides = [1]} : vector<16xi32> to vector<1xi32>
              %squeeze3A_685 = vector.extract %slice3A_684[0] : i32 from vector<1xi32>
              %scan3A_686 = arith.constant 0 : i32
              %scan3A_687 = arith.constant 0 : i32
              %scan3A_688 = arith.constant 16 : i32
              %scan3A_689 = arith.addi %scan3A_687, %scan3A_688 : i32
              %scan3A_690 = arith.constant 1 : i32
              scf.for %scan3A_692 = %scan3A_687 to %scan3A_689 step %scan3A_690  : i32 {
                %mul3A_693 = arith.constant 16 : i32
                %mul3A_694 = arith.muli %scan3A_692, %mul3A_693 : i32
                %get3A_695 = arith.constant 14 : i32
                %get3A_696 = arith.index_cast %get3A_695 : i32 to index
                %get3A_697 = arith.index_cast %mul3A_694 : i32 to index
                %get3A_698 = tpu.vector_load %arg9[%get3A_696, %get3A_697] {strides = array<i32>} : memref<16x256xf32, #tpu.memory_space<vmem>>, vector<16xf32>,
                %swap3A_699 = arith.index_cast %squeeze3A_685 : i32 to index
                %swap3A_700 = arith.index_cast %mul3A_694 : i32 to index
                %swap3A_701 = tpu.vector_load %arg10[%swap3A_699, %swap3A_700] {strides = array<i32>} : memref<8x256xf32, #tpu.memory_space<vmem>>, vector<16xf32>,
                tpu.vector_store %arg10[%swap3A_699, %swap3A_700], %get3A_698 {add = true, strides = array<i32>} : memref<8x256xf32, #tpu.memory_space<vmem>>, vector<16xf32>,
              }
              %scan3A_691 = arith.constant 16 : i32
            } else {
            }
            %slice3A_677 = vector.extract_strided_slice %select_n3A_495 {offsets = [15], sizes = [1], strides = [1]} : vector<16xi32> to vector<1xi32>
            %squeeze3A_678 = vector.extract %slice3A_677[0] : i32 from vector<1xi32>
            %gt3A_679 = arith.constant 0 : i32
            %gt3A_680 = arith.cmpi sgt, %squeeze3A_678, %gt3A_679 : i32
            %convert_element_type3A_681 = arith.extui %gt3A_680 : i1 to i32
            %cond3A_682 = arith.constant 0 : i32
            %cond3A_683 = arith.cmpi ne, %convert_element_type3A_681, %cond3A_682 : i32
            scf.if %cond3A_683 {
              %slice3A_684 = vector.extract_strided_slice %select_n3A_490 {offsets = [15], sizes = [1], strides = [1]} : vector<16xi32> to vector<1xi32>
              %squeeze3A_685 = vector.extract %slice3A_684[0] : i32 from vector<1xi32>
              %scan3A_686 = arith.constant 0 : i32
              %scan3A_687 = arith.constant 0 : i32
              %scan3A_688 = arith.constant 16 : i32
              %scan3A_689 = arith.addi %scan3A_687, %scan3A_688 : i32
              %scan3A_690 = arith.constant 1 : i32
              scf.for %scan3A_692 = %scan3A_687 to %scan3A_689 step %scan3A_690  : i32 {
                %mul3A_693 = arith.constant 16 : i32
                %mul3A_694 = arith.muli %scan3A_692, %mul3A_693 : i32
                %get3A_695 = arith.constant 15 : i32
                %get3A_696 = arith.index_cast %get3A_695 : i32 to index
                %get3A_697 = arith.index_cast %mul3A_694 : i32 to index
                %get3A_698 = tpu.vector_load %arg9[%get3A_696, %get3A_697] {strides = array<i32>} : memref<16x256xf32, #tpu.memory_space<vmem>>, vector<16xf32>,
                %swap3A_699 = arith.index_cast %squeeze3A_685 : i32 to index
                %swap3A_700 = arith.index_cast %mul3A_694 : i32 to index
                %swap3A_701 = tpu.vector_load %arg10[%swap3A_699, %swap3A_700] {strides = array<i32>} : memref<8x256xf32, #tpu.memory_space<vmem>>, vector<16xf32>,
                tpu.vector_store %arg10[%swap3A_699, %swap3A_700], %get3A_698 {add = true, strides = array<i32>} : memref<8x256xf32, #tpu.memory_space<vmem>>, vector<16xf32>,
              }
              %scan3A_691 = arith.constant 16 : i32
            } else {
            }
          } else {
          }
        }
      } else {
      }
    }
    %scan3A_153 = arith.constant 10 : i32
    %get3A_154 = arith.constant 0 : i32
    %get3A_155 = arith.index_cast %get3A_154 : i32 to index
    %get3A_156 = arith.constant 0 : index
    %get3A_157 = tpu.vector_load %arg11[%get3A_155, %get3A_156] {strides = array<i32>} : memref<8x16xf32, #tpu.memory_space<vmem>>, vector<16xf32>,
    %swap3A_158 = arith.constant 5 : i32
    %swap3A_159 = arith.index_cast %swap3A_158 : i32 to index
    %swap3A_160 = arith.constant 0 : index
    %swap3A_161 = tpu.vector_load %arg10[%swap3A_159, %swap3A_160] {strides = array<i32>} : memref<8x256xf32, #tpu.memory_space<vmem>>, vector<16xf32>,
    tpu.vector_store %arg10[%swap3A_159, %swap3A_160], %get3A_157 {strides = array<i32>} : memref<8x256xf32, #tpu.memory_space<vmem>>, vector<16xf32>,
    %get3A_162 = arith.constant 1 : i32
    %get3A_163 = arith.index_cast %get3A_162 : i32 to index
    %get3A_164 = arith.constant 0 : index
    %get3A_165 = tpu.vector_load %arg11[%get3A_163, %get3A_164] {strides = array<i32>} : memref<8x16xf32, #tpu.memory_space<vmem>>, vector<16xf32>,
    %swap3A_166 = arith.constant 5 : i32
    %swap3A_167 = arith.index_cast %swap3A_166 : i32 to index
    %swap3A_168 = arith.constant 16 : index
    %swap3A_169 = tpu.vector_load %arg10[%swap3A_167, %swap3A_168] {strides = array<i32>} : memref<8x256xf32, #tpu.memory_space<vmem>>, vector<16xf32>,
    tpu.vector_store %arg10[%swap3A_167, %swap3A_168], %get3A_165 {strides = array<i32>} : memref<8x256xf32, #tpu.memory_space<vmem>>, vector<16xf32>,
    %get3A_170 = arith.constant 2 : i32
    %get3A_171 = arith.index_cast %get3A_170 : i32 to index
    %get3A_172 = arith.constant 0 : index
    %get3A_173 = tpu.vector_load %arg11[%get3A_171, %get3A_172] {strides = array<i32>} : memref<8x16xf32, #tpu.memory_space<vmem>>, vector<16xf32>,
    %swap3A_174 = arith.constant 5 : i32
    %swap3A_175 = arith.index_cast %swap3A_174 : i32 to index
    %swap3A_176 = arith.constant 32 : index
    %swap3A_177 = tpu.vector_load %arg10[%swap3A_175, %swap3A_176] {strides = array<i32>} : memref<8x256xf32, #tpu.memory_space<vmem>>, vector<16xf32>,
    tpu.vector_store %arg10[%swap3A_175, %swap3A_176], %get3A_173 {strides = array<i32>} : memref<8x256xf32, #tpu.memory_space<vmem>>, vector<16xf32>,
    %get3A_178 = arith.constant 3 : i32
    %get3A_179 = arith.index_cast %get3A_178 : i32 to index
    %get3A_180 = arith.constant 0 : index
    %get3A_181 = tpu.vector_load %arg11[%get3A_179, %get3A_180] {strides = array<i32>} : memref<8x16xf32, #tpu.memory_space<vmem>>, vector<16xf32>,
    %swap3A_182 = arith.constant 5 : i32
    %swap3A_183 = arith.index_cast %swap3A_182 : i32 to index
    %swap3A_184 = arith.constant 48 : index
    %swap3A_185 = tpu.vector_load %arg10[%swap3A_183, %swap3A_184] {strides = array<i32>} : memref<8x256xf32, #tpu.memory_space<vmem>>, vector<16xf32>,
    tpu.vector_store %arg10[%swap3A_183, %swap3A_184], %get3A_181 {strides = array<i32>} : memref<8x256xf32, #tpu.memory_space<vmem>>, vector<16xf32>,
    %get3A_186 = arith.constant 4 : i32
    %get3A_187 = arith.index_cast %get3A_186 : i32 to index
    %get3A_188 = arith.constant 0 : index
    %get3A_189 = tpu.vector_load %arg11[%get3A_187, %get3A_188] {strides = array<i32>} : memref<8x16xf32, #tpu.memory_space<vmem>>, vector<16xf32>,
    %swap3A_190 = arith.constant 5 : i32
    %swap3A_191 = arith.index_cast %swap3A_190 : i32 to index
    %swap3A_192 = arith.constant 64 : index
    %swap3A_193 = tpu.vector_load %arg10[%swap3A_191, %swap3A_192] {strides = array<i32>} : memref<8x256xf32, #tpu.memory_space<vmem>>, vector<16xf32>,
    tpu.vector_store %arg10[%swap3A_191, %swap3A_192], %get3A_189 {strides = array<i32>} : memref<8x256xf32, #tpu.memory_space<vmem>>, vector<16xf32>,
    "tpu.region"() ({
      %run_scoped3A = tpu.sem_alloc : memref<!tpu.dma_semaphore, #tpu.memory_space<semaphore_mem>>
      %dma_start3A_194 = arith.constant 0 : i32
      %dma_start3A_195 = arith.constant 0 : i32
      %dma_start3A_196 = tpu.memref_slice %arg5[%add3A, %dma_start3A_194, %dma_start3A_195] : memref<32x8x256xf32, #tpu.memory_space<hbm>> -> memref<1x8x256xf32, #tpu.memory_space<hbm>>
      %dma_start3A_197 = tpu.memref_squeeze %dma_start3A_196 : memref<1x8x256xf32, #tpu.memory_space<hbm>> -> memref<8x256xf32, #tpu.memory_space<hbm>>
      %dma_start3A_198 = arith.constant 0 : i32
      %dma_start3A_199 = arith.constant 0 : i32
      %dma_start3A_200 = tpu.memref_slice %arg5[%add3A, %dma_start3A_198, %dma_start3A_199] : memref<32x8x256xf32, #tpu.memory_space<hbm>> -> memref<1x8x256xf32, #tpu.memory_space<hbm>>
      %dma_start3A_201 = tpu.memref_squeeze %dma_start3A_200 : memref<1x8x256xf32, #tpu.memory_space<hbm>> -> memref<8x256xf32, #tpu.memory_space<hbm>>
      tpu.enqueue_dma source(%arg10 : memref<8x256xf32, #tpu.memory_space<vmem>>) target(%dma_start3A_201 : memref<8x256xf32, #tpu.memory_space<hbm>>) target_semaphore(%run_scoped3A : memref<!tpu.dma_semaphore, #tpu.memory_space<semaphore_mem>>)
      %dma_wait3A_202 = arith.constant 0 : i32
      %dma_wait3A_203 = arith.constant 0 : i32
      %dma_wait3A_204 = tpu.memref_slice %arg5[%add3A, %dma_wait3A_202, %dma_wait3A_203] : memref<32x8x256xf32, #tpu.memory_space<hbm>> -> memref<1x8x256xf32, #tpu.memory_space<hbm>>
      %dma_wait3A_205 = tpu.memref_squeeze %dma_wait3A_204 : memref<1x8x256xf32, #tpu.memory_space<hbm>> -> memref<8x256xf32, #tpu.memory_space<hbm>>
      %dma_wait3A_206 = arith.constant 0 : i32
      %dma_wait3A_207 = arith.constant 0 : i32
      %dma_wait3A_208 = tpu.memref_slice %arg5[%add3A, %dma_wait3A_206, %dma_wait3A_207] : memref<32x8x256xf32, #tpu.memory_space<hbm>> -> memref<1x8x256xf32, #tpu.memory_space<hbm>>
      %dma_wait3A_209 = tpu.memref_squeeze %dma_wait3A_208 : memref<1x8x256xf32, #tpu.memory_space<hbm>> -> memref<8x256xf32, #tpu.memory_space<hbm>>
      tpu.wait_dma2 semaphore(%run_scoped3A : memref<!tpu.dma_semaphore, #tpu.memory_space<semaphore_mem>>) src(%arg10 : memref<8x256xf32, #tpu.memory_space<vmem>>) dst(%dma_wait3A_209 : memref<8x256xf32, #tpu.memory_space<hbm>>)
      tpu.yield
    }) : () -> ()
    return
  }
}

module attributes {stable_mosaic.version = 14 : i64} {
  func.func @_tc_tail_body(%arg0: memref<32x8x256xf32, #tpu.memory_space<vmem>>, %arg1: memref<5x5xf32, #tpu.memory_space<vmem>>, %arg2: memref<5x256x256xf32, #tpu.memory_space<vmem>>, %arg3: memref<256x256xf32, #tpu.memory_space<vmem>>, %arg4: memref<1x256xf32, #tpu.memory_space<vmem>>, %arg5: memref<1x256xf32, #tpu.memory_space<vmem>>, %arg6: memref<5000x256xf32, #tpu.memory_space<vmem>>, %arg7: memref<1x5000xf32, #tpu.memory_space<vmem>>, %arg8: memref<2000x256xf32, #tpu.memory_space<vmem>>, %arg9: memref<1x2000xf32, #tpu.memory_space<vmem>>, %arg10: memref<1x5000xf32, #tpu.memory_space<vmem>>, %arg11: memref<1x2000xf32, #tpu.memory_space<vmem>>) attributes {dimension_semantics = [], scalar_prefetch = 0 : i64, scratch_operands = 0 : i64, tpu.core_type = #tpu.core_type<tc>} {
    %get3A = arith.constant 0 : index
    %get3A_0 = arith.constant 0 : index
    %get3A_1 = arith.constant 0 : index
    %get3A_2 = vector.load %arg0[%get3A, %get3A_0, %get3A_1] : memref<32x8x256xf32, #tpu.memory_space<vmem>>, vector<32x8x256xf32>
    %reduce_sum3A = arith.constant dense<0.000000e+00> : vector<8x256xf32>
    %reduce_sum3A_3 = vector.multi_reduction <add>, %get3A_2, %reduce_sum3A [0] : vector<32x8x256xf32> to vector<8x256xf32>
    %slice3A = vector.extract_strided_slice %reduce_sum3A_3 {offsets = [5, 0], sizes = [1, 16], strides = [1, 1]} : vector<8x256xf32> to vector<1x16xf32>
    %squeeze3A = vector.shape_cast %slice3A : vector<1x16xf32> to vector<16xf32>
    %reduce_sum3A_4 = vector.shape_cast %squeeze3A : vector<16xf32> to vector<1x16xf32>
    %reduce_sum3A_5 = arith.constant dense<0.000000e+00> : vector<1xf32>
    %reduce_sum3A_6 = vector.multi_reduction <add>, %reduce_sum3A_4, %reduce_sum3A_5 [1] : vector<1x16xf32> to vector<1xf32>
    %reduce_sum3A_7 = vector.shape_cast %reduce_sum3A_6 : vector<1xf32> to vector<1x1xf32>
    %reduce_sum3A_8 = vector.extract %reduce_sum3A_7[0, 0] : f32 from vector<1x1xf32>
    %slice3A_9 = vector.extract_strided_slice %reduce_sum3A_3 {offsets = [0, 0], sizes = [1, 256], strides = [1, 1]} : vector<8x256xf32> to vector<1x256xf32>
    %max3A = arith.constant 1.000000e+00 : f32
    %max3A_10 = arith.maximumf %reduce_sum3A_8, %max3A : f32
    %div3A = vector.broadcast %max3A_10 : f32 to vector<1x256xf32>
    %div3A_11 = arith.divf %slice3A_9, %div3A : vector<1x256xf32>
    %slice3A_12 = vector.extract_strided_slice %reduce_sum3A_3 {offsets = [5, 16], sizes = [1, 16], strides = [1, 1]} : vector<8x256xf32> to vector<1x16xf32>
    %squeeze3A_13 = vector.shape_cast %slice3A_12 : vector<1x16xf32> to vector<16xf32>
    %reduce_sum3A_14 = vector.shape_cast %squeeze3A_13 : vector<16xf32> to vector<1x16xf32>
    %reduce_sum3A_15 = arith.constant dense<0.000000e+00> : vector<1xf32>
    %reduce_sum3A_16 = vector.multi_reduction <add>, %reduce_sum3A_14, %reduce_sum3A_15 [1] : vector<1x16xf32> to vector<1xf32>
    %reduce_sum3A_17 = vector.shape_cast %reduce_sum3A_16 : vector<1xf32> to vector<1x1xf32>
    %reduce_sum3A_18 = vector.extract %reduce_sum3A_17[0, 0] : f32 from vector<1x1xf32>
    %slice3A_19 = vector.extract_strided_slice %reduce_sum3A_3 {offsets = [1, 0], sizes = [1, 256], strides = [1, 1]} : vector<8x256xf32> to vector<1x256xf32>
    %max3A_20 = arith.constant 1.000000e+00 : f32
    %max3A_21 = arith.maximumf %reduce_sum3A_18, %max3A_20 : f32
    %div3A_22 = vector.broadcast %max3A_21 : f32 to vector<1x256xf32>
    %div3A_23 = arith.divf %slice3A_19, %div3A_22 : vector<1x256xf32>
    %slice3A_24 = vector.extract_strided_slice %reduce_sum3A_3 {offsets = [5, 32], sizes = [1, 16], strides = [1, 1]} : vector<8x256xf32> to vector<1x16xf32>
    %squeeze3A_25 = vector.shape_cast %slice3A_24 : vector<1x16xf32> to vector<16xf32>
    %reduce_sum3A_26 = vector.shape_cast %squeeze3A_25 : vector<16xf32> to vector<1x16xf32>
    %reduce_sum3A_27 = arith.constant dense<0.000000e+00> : vector<1xf32>
    %reduce_sum3A_28 = vector.multi_reduction <add>, %reduce_sum3A_26, %reduce_sum3A_27 [1] : vector<1x16xf32> to vector<1xf32>
    %reduce_sum3A_29 = vector.shape_cast %reduce_sum3A_28 : vector<1xf32> to vector<1x1xf32>
    %reduce_sum3A_30 = vector.extract %reduce_sum3A_29[0, 0] : f32 from vector<1x1xf32>
    %slice3A_31 = vector.extract_strided_slice %reduce_sum3A_3 {offsets = [2, 0], sizes = [1, 256], strides = [1, 1]} : vector<8x256xf32> to vector<1x256xf32>
    %max3A_32 = arith.constant 1.000000e+00 : f32
    %max3A_33 = arith.maximumf %reduce_sum3A_30, %max3A_32 : f32
    %div3A_34 = vector.broadcast %max3A_33 : f32 to vector<1x256xf32>
    %div3A_35 = arith.divf %slice3A_31, %div3A_34 : vector<1x256xf32>
    %slice3A_36 = vector.extract_strided_slice %reduce_sum3A_3 {offsets = [5, 48], sizes = [1, 16], strides = [1, 1]} : vector<8x256xf32> to vector<1x16xf32>
    %squeeze3A_37 = vector.shape_cast %slice3A_36 : vector<1x16xf32> to vector<16xf32>
    %reduce_sum3A_38 = vector.shape_cast %squeeze3A_37 : vector<16xf32> to vector<1x16xf32>
    %reduce_sum3A_39 = arith.constant dense<0.000000e+00> : vector<1xf32>
    %reduce_sum3A_40 = vector.multi_reduction <add>, %reduce_sum3A_38, %reduce_sum3A_39 [1] : vector<1x16xf32> to vector<1xf32>
    %reduce_sum3A_41 = vector.shape_cast %reduce_sum3A_40 : vector<1xf32> to vector<1x1xf32>
    %reduce_sum3A_42 = vector.extract %reduce_sum3A_41[0, 0] : f32 from vector<1x1xf32>
    %slice3A_43 = vector.extract_strided_slice %reduce_sum3A_3 {offsets = [3, 0], sizes = [1, 256], strides = [1, 1]} : vector<8x256xf32> to vector<1x256xf32>
    %max3A_44 = arith.constant 1.000000e+00 : f32
    %max3A_45 = arith.maximumf %reduce_sum3A_42, %max3A_44 : f32
    %div3A_46 = vector.broadcast %max3A_45 : f32 to vector<1x256xf32>
    %div3A_47 = arith.divf %slice3A_43, %div3A_46 : vector<1x256xf32>
    %slice3A_48 = vector.extract_strided_slice %reduce_sum3A_3 {offsets = [5, 64], sizes = [1, 16], strides = [1, 1]} : vector<8x256xf32> to vector<1x16xf32>
    %squeeze3A_49 = vector.shape_cast %slice3A_48 : vector<1x16xf32> to vector<16xf32>
    %reduce_sum3A_50 = vector.shape_cast %squeeze3A_49 : vector<16xf32> to vector<1x16xf32>
    %reduce_sum3A_51 = arith.constant dense<0.000000e+00> : vector<1xf32>
    %reduce_sum3A_52 = vector.multi_reduction <add>, %reduce_sum3A_50, %reduce_sum3A_51 [1] : vector<1x16xf32> to vector<1xf32>
    %reduce_sum3A_53 = vector.shape_cast %reduce_sum3A_52 : vector<1xf32> to vector<1x1xf32>
    %reduce_sum3A_54 = vector.extract %reduce_sum3A_53[0, 0] : f32 from vector<1x1xf32>
    %slice3A_55 = vector.extract_strided_slice %reduce_sum3A_3 {offsets = [4, 0], sizes = [1, 256], strides = [1, 1]} : vector<8x256xf32> to vector<1x256xf32>
    %max3A_56 = arith.constant 1.000000e+00 : f32
    %max3A_57 = arith.maximumf %reduce_sum3A_54, %max3A_56 : f32
    %div3A_58 = vector.broadcast %max3A_57 : f32 to vector<1x256xf32>
    %div3A_59 = arith.divf %slice3A_55, %div3A_58 : vector<1x256xf32>
    %concatenate3A = tpu.concatenate %div3A_11, %div3A_23, %div3A_35, %div3A_47, %div3A_59 in 0 : vector<1x256xf32>, vector<1x256xf32>, vector<1x256xf32>, vector<1x256xf32>, vector<1x256xf32> -> vector<5x256xf32>
    %get3A_60 = arith.constant 0 : index
    %get3A_61 = arith.constant 0 : index
    %get3A_62 = vector.load %arg1[%get3A_60, %get3A_61] : memref<5x5xf32, #tpu.memory_space<vmem>>, vector<5x5xf32>
    %dot_general3A = arith.constant dense<0.000000e+00> : vector<5x256xf32>
    %dot_general3A_63 = tpu.matmul %get3A_62, %concatenate3A, %dot_general3A {dimension_numbers = #tpu.dot_dimension_numbers<[0], [0], [1], [1], [0, 1, 1, 1], [], []>, transpose_lhs_hint = false} : vector<5x5xf32>, vector<5x256xf32>, vector<5x256xf32> -> vector<5x256xf32>
    %get3A_64 = arith.constant 0 : index
    %get3A_65 = arith.constant 0 : index
    %get3A_66 = vector.load %arg5[%get3A_64, %get3A_65] : memref<1x256xf32, #tpu.memory_space<vmem>>, vector<1x256xf32>
    %get3A_67 = arith.constant 0 : index
    %get3A_68 = arith.constant 0 : index
    %get3A_69 = vector.load %arg3[%get3A_67, %get3A_68] : memref<256x256xf32, #tpu.memory_space<vmem>>, vector<256x256xf32>
    %dot_general3A_70 = arith.constant dense<0.000000e+00> : vector<1x256xf32>
    %dot_general3A_71 = tpu.matmul %get3A_66, %get3A_69, %dot_general3A_70 {dimension_numbers = #tpu.dot_dimension_numbers<[1], [0], [0], [1], [0, 0, 1, 1], [], []>, transpose_lhs_hint = false} : vector<1x256xf32>, vector<256x256xf32>, vector<1x256xf32> -> vector<1x256xf32>
    %get3A_72 = arith.constant 0 : index
    %get3A_73 = arith.constant 0 : index
    %get3A_74 = vector.load %arg4[%get3A_72, %get3A_73] : memref<1x256xf32, #tpu.memory_space<vmem>>, vector<1x256xf32>
    %add3A = arith.addf %dot_general3A_71, %get3A_74 : vector<1x256xf32>
    %slice3A_75 = vector.extract_strided_slice %dot_general3A_63 {offsets = [0, 0], sizes = [1, 256], strides = [1, 1]} : vector<5x256xf32> to vector<1x256xf32>
    %get3A_76 = arith.constant 0 : index
    %get3A_77 = arith.constant 0 : index
    %get3A_78 = arith.constant 0 : index
    %get3A_79 = vector.load %arg2[%get3A_76, %get3A_77, %get3A_78] : memref<5x256x256xf32, #tpu.memory_space<vmem>>, vector<1x256x256xf32>
    %get3A_80 = vector.shape_cast %get3A_79 : vector<1x256x256xf32> to vector<256x256xf32>
    %dot_general3A_81 = arith.constant dense<0.000000e+00> : vector<1x256xf32>
    %dot_general3A_82 = tpu.matmul %slice3A_75, %get3A_80, %dot_general3A_81 {dimension_numbers = #tpu.dot_dimension_numbers<[1], [0], [0], [1], [0, 0, 1, 1], [], []>, transpose_lhs_hint = false} : vector<1x256xf32>, vector<256x256xf32>, vector<1x256xf32> -> vector<1x256xf32>
    %add3A_83 = arith.addf %add3A, %dot_general3A_82 : vector<1x256xf32>
    %slice3A_84 = vector.extract_strided_slice %dot_general3A_63 {offsets = [1, 0], sizes = [1, 256], strides = [1, 1]} : vector<5x256xf32> to vector<1x256xf32>
    %get3A_85 = arith.constant 1 : index
    %get3A_86 = arith.constant 0 : index
    %get3A_87 = arith.constant 0 : index
    %get3A_88 = vector.load %arg2[%get3A_85, %get3A_86, %get3A_87] : memref<5x256x256xf32, #tpu.memory_space<vmem>>, vector<1x256x256xf32>
    %get3A_89 = vector.shape_cast %get3A_88 : vector<1x256x256xf32> to vector<256x256xf32>
    %dot_general3A_90 = arith.constant dense<0.000000e+00> : vector<1x256xf32>
    %dot_general3A_91 = tpu.matmul %slice3A_84, %get3A_89, %dot_general3A_90 {dimension_numbers = #tpu.dot_dimension_numbers<[1], [0], [0], [1], [0, 0, 1, 1], [], []>, transpose_lhs_hint = false} : vector<1x256xf32>, vector<256x256xf32>, vector<1x256xf32> -> vector<1x256xf32>
    %add3A_92 = arith.addf %add3A_83, %dot_general3A_91 : vector<1x256xf32>
    %slice3A_93 = vector.extract_strided_slice %dot_general3A_63 {offsets = [2, 0], sizes = [1, 256], strides = [1, 1]} : vector<5x256xf32> to vector<1x256xf32>
    %get3A_94 = arith.constant 2 : index
    %get3A_95 = arith.constant 0 : index
    %get3A_96 = arith.constant 0 : index
    %get3A_97 = vector.load %arg2[%get3A_94, %get3A_95, %get3A_96] : memref<5x256x256xf32, #tpu.memory_space<vmem>>, vector<1x256x256xf32>
    %get3A_98 = vector.shape_cast %get3A_97 : vector<1x256x256xf32> to vector<256x256xf32>
    %dot_general3A_99 = arith.constant dense<0.000000e+00> : vector<1x256xf32>
    %dot_general3A_100 = tpu.matmul %slice3A_93, %get3A_98, %dot_general3A_99 {dimension_numbers = #tpu.dot_dimension_numbers<[1], [0], [0], [1], [0, 0, 1, 1], [], []>, transpose_lhs_hint = false} : vector<1x256xf32>, vector<256x256xf32>, vector<1x256xf32> -> vector<1x256xf32>
    %add3A_101 = arith.addf %add3A_92, %dot_general3A_100 : vector<1x256xf32>
    %slice3A_102 = vector.extract_strided_slice %dot_general3A_63 {offsets = [3, 0], sizes = [1, 256], strides = [1, 1]} : vector<5x256xf32> to vector<1x256xf32>
    %get3A_103 = arith.constant 3 : index
    %get3A_104 = arith.constant 0 : index
    %get3A_105 = arith.constant 0 : index
    %get3A_106 = vector.load %arg2[%get3A_103, %get3A_104, %get3A_105] : memref<5x256x256xf32, #tpu.memory_space<vmem>>, vector<1x256x256xf32>
    %get3A_107 = vector.shape_cast %get3A_106 : vector<1x256x256xf32> to vector<256x256xf32>
    %dot_general3A_108 = arith.constant dense<0.000000e+00> : vector<1x256xf32>
    %dot_general3A_109 = tpu.matmul %slice3A_102, %get3A_107, %dot_general3A_108 {dimension_numbers = #tpu.dot_dimension_numbers<[1], [0], [0], [1], [0, 0, 1, 1], [], []>, transpose_lhs_hint = false} : vector<1x256xf32>, vector<256x256xf32>, vector<1x256xf32> -> vector<1x256xf32>
    %add3A_110 = arith.addf %add3A_101, %dot_general3A_109 : vector<1x256xf32>
    %slice3A_111 = vector.extract_strided_slice %dot_general3A_63 {offsets = [4, 0], sizes = [1, 256], strides = [1, 1]} : vector<5x256xf32> to vector<1x256xf32>
    %get3A_112 = arith.constant 4 : index
    %get3A_113 = arith.constant 0 : index
    %get3A_114 = arith.constant 0 : index
    %get3A_115 = vector.load %arg2[%get3A_112, %get3A_113, %get3A_114] : memref<5x256x256xf32, #tpu.memory_space<vmem>>, vector<1x256x256xf32>
    %get3A_116 = vector.shape_cast %get3A_115 : vector<1x256x256xf32> to vector<256x256xf32>
    %dot_general3A_117 = arith.constant dense<0.000000e+00> : vector<1x256xf32>
    %dot_general3A_118 = tpu.matmul %slice3A_111, %get3A_116, %dot_general3A_117 {dimension_numbers = #tpu.dot_dimension_numbers<[1], [0], [0], [1], [0, 0, 1, 1], [], []>, transpose_lhs_hint = false} : vector<1x256xf32>, vector<256x256xf32>, vector<1x256xf32> -> vector<1x256xf32>
    %add3A_119 = arith.addf %add3A_110, %dot_general3A_118 : vector<1x256xf32>
    %max3A_120 = arith.constant 0.000000e+00 : f32
    %max3A_121 = vector.broadcast %max3A_120 : f32 to vector<1x256xf32>
    %max3A_122 = arith.maximumf %add3A_119, %max3A_121 : vector<1x256xf32>
    %get3A_123 = arith.constant 0 : index
    %get3A_124 = arith.constant 0 : index
    %get3A_125 = vector.load %arg6[%get3A_123, %get3A_124] : memref<5000x256xf32, #tpu.memory_space<vmem>>, vector<5000x256xf32>
    %dot_general3A_126 = arith.constant dense<0.000000e+00> : vector<1x5000xf32>
    %dot_general3A_127 = tpu.matmul %max3A_122, %get3A_125, %dot_general3A_126 {dimension_numbers = #tpu.dot_dimension_numbers<[1], [1], [0], [0], [0, 0, 1, 0], [], []>, transpose_lhs_hint = false} : vector<1x256xf32>, vector<5000x256xf32>, vector<1x5000xf32> -> vector<1x5000xf32>
    %get3A_128 = arith.constant 0 : index
    %get3A_129 = arith.constant 0 : index
    %get3A_130 = vector.load %arg7[%get3A_128, %get3A_129] : memref<1x5000xf32, #tpu.memory_space<vmem>>, vector<1x5000xf32>
    %add3A_131 = arith.addf %dot_general3A_127, %get3A_130 : vector<1x5000xf32>
    %reduce_max3A = arith.constant dense<0xFF800000> : vector<1xf32>
    %reduce_max3A_132 = vector.multi_reduction <maximumf>, %add3A_131, %reduce_max3A [1] : vector<1x5000xf32> to vector<1xf32>
    %broadcast_in_dim3A = vector.shape_cast %reduce_max3A_132 : vector<1xf32> to vector<1x1xf32>
    %sub3A = vector.broadcast %broadcast_in_dim3A : vector<1x1xf32> to vector<1x5000xf32>
    %sub3A_133 = arith.subf %add3A_131, %sub3A : vector<1x5000xf32>
    %exp3A = math.exp %sub3A_133 : vector<1x5000xf32>
    %reduce_sum3A_134 = arith.constant dense<0.000000e+00> : vector<1xf32>
    %reduce_sum3A_135 = vector.multi_reduction <add>, %exp3A, %reduce_sum3A_134 [1] : vector<1x5000xf32> to vector<1xf32>
    %broadcast_in_dim3A_136 = vector.shape_cast %reduce_sum3A_135 : vector<1xf32> to vector<1x1xf32>
    %log3A = math.log %broadcast_in_dim3A_136 : vector<1x1xf32>
    %sub3A_137 = vector.broadcast %broadcast_in_dim3A : vector<1x1xf32> to vector<1x5000xf32>
    %sub3A_138 = arith.subf %add3A_131, %sub3A_137 : vector<1x5000xf32>
    %sub3A_139 = vector.broadcast %log3A : vector<1x1xf32> to vector<1x5000xf32>
    %sub3A_140 = arith.subf %sub3A_138, %sub3A_139 : vector<1x5000xf32>
    %swap3A = arith.constant 0 : index
    %swap3A_141 = arith.constant 0 : index
    %swap3A_142 = vector.load %arg10[%swap3A, %swap3A_141] : memref<1x5000xf32, #tpu.memory_space<vmem>>, vector<1x5000xf32>
    tpu.vector_store %arg10[%swap3A, %swap3A_141], %sub3A_140 {strides = array<i32>} : memref<1x5000xf32, #tpu.memory_space<vmem>>, vector<1x5000xf32>,
    %get3A_143 = arith.constant 0 : index
    %get3A_144 = arith.constant 0 : index
    %get3A_145 = vector.load %arg8[%get3A_143, %get3A_144] : memref<2000x256xf32, #tpu.memory_space<vmem>>, vector<2000x256xf32>
    %dot_general3A_146 = arith.constant dense<0.000000e+00> : vector<1x2000xf32>
    %dot_general3A_147 = tpu.matmul %max3A_122, %get3A_145, %dot_general3A_146 {dimension_numbers = #tpu.dot_dimension_numbers<[1], [1], [0], [0], [0, 0, 1, 0], [], []>, transpose_lhs_hint = false} : vector<1x256xf32>, vector<2000x256xf32>, vector<1x2000xf32> -> vector<1x2000xf32>
    %get3A_148 = arith.constant 0 : index
    %get3A_149 = arith.constant 0 : index
    %get3A_150 = vector.load %arg9[%get3A_148, %get3A_149] : memref<1x2000xf32, #tpu.memory_space<vmem>>, vector<1x2000xf32>
    %add3A_151 = arith.addf %dot_general3A_147, %get3A_150 : vector<1x2000xf32>
    %reduce_max3A_152 = arith.constant dense<0xFF800000> : vector<1xf32>
    %reduce_max3A_153 = vector.multi_reduction <maximumf>, %add3A_151, %reduce_max3A_152 [1] : vector<1x2000xf32> to vector<1xf32>
    %broadcast_in_dim3A_154 = vector.shape_cast %reduce_max3A_153 : vector<1xf32> to vector<1x1xf32>
    %sub3A_155 = vector.broadcast %broadcast_in_dim3A_154 : vector<1x1xf32> to vector<1x2000xf32>
    %sub3A_156 = arith.subf %add3A_151, %sub3A_155 : vector<1x2000xf32>
    %exp3A_157 = math.exp %sub3A_156 : vector<1x2000xf32>
    %reduce_sum3A_158 = arith.constant dense<0.000000e+00> : vector<1xf32>
    %reduce_sum3A_159 = vector.multi_reduction <add>, %exp3A_157, %reduce_sum3A_158 [1] : vector<1x2000xf32> to vector<1xf32>
    %broadcast_in_dim3A_160 = vector.shape_cast %reduce_sum3A_159 : vector<1xf32> to vector<1x1xf32>
    %log3A_161 = math.log %broadcast_in_dim3A_160 : vector<1x1xf32>
    %sub3A_162 = vector.broadcast %broadcast_in_dim3A_154 : vector<1x1xf32> to vector<1x2000xf32>
    %sub3A_163 = arith.subf %add3A_151, %sub3A_162 : vector<1x2000xf32>
    %sub3A_164 = vector.broadcast %log3A_161 : vector<1x1xf32> to vector<1x2000xf32>
    %sub3A_165 = arith.subf %sub3A_163, %sub3A_164 : vector<1x2000xf32>
    %swap3A_166 = arith.constant 0 : index
    %swap3A_167 = arith.constant 0 : index
    %swap3A_168 = vector.load %arg11[%swap3A_166, %swap3A_167] : memref<1x2000xf32, #tpu.memory_space<vmem>>, vector<1x2000xf32>
    tpu.vector_store %arg11[%swap3A_166, %swap3A_167], %sub3A_165 {strides = array<i32>} : memref<1x2000xf32, #tpu.memory_space<vmem>>, vector<1x2000xf32>,
    return
  }
}

</mosaic_0001>

<sc_bundles>
// kernel: kernel.4.cloned.1.call-start
scs
__scs_entry_jumppad:
0x0: {  	(pc) =	sbr.rel $0x88, $3  }
0x1: {  	(tag) =	ssettag $0x0;
	lr =	simm.s32 $0x1  }
0x2: {  	[smem:$0x3F96] =	sst lr;
	_ =	strace $0xD0000000  }
0x3: {  	_ = 	snop  }
0x4: {  	_ = 	snop  }
0x5: {  	_ = 	snop  }
0x6: {  	_ = 	snop  }
0x7: {  	_ = 	snop  }
__scs_overlays_trampoline_lowered:
0x8: {  	[smem:$0x3FA5] =	sst s0  }
0x9: {  	[smem:$0x3FA6] =	sst s1  }
0xa: {  	[smem:$0x3FA7] =	sst s2  }
0xb: {  	[smem:$0x3FA8] =	sst s3  }
0xc: {  	[smem:$0x3FA9] =	sst s4  }
0xd: {  	[smem:$0x3FAA] =	sst s5  }
0xe: {  	[smem:$0x3FAB] =	sst s6  }
0xf: {  	[smem:$0x3FAC] =	sst s7  }
0x10: {  	[smem:$0x3FAD] =	sst s8  }
0x11: {  	[smem:$0x3FAE] =	sst s9;
	s0 =	simm.s32 @!p0 $0x0  }
0x12: {  	s1 =	sld [smem:$0x3F94];
	s0 =	simm.s32 @p0 $0x1  }
0x13: {  	[smem:$0x3FAF] =	sst s0;
	s0 =	simm.s32 @!p1 $0x0  }
0x14: {  	s2 =	sld [smem:$0x3F93];
	s0 =	simm.s32 @p1 $0x1  }
0x15: {  	[smem:$0x3FB0] =	sst s0;
	s0 =	simm.s32 @!p2 $0x0  }
0x16: {  	s3 =	sld [smem:$0x3FDB];
	s0 =	simm.s32 @p2 $0x1  }
0x17: {  	s4 =	simm.s32 $0x1BF5;
	[smem:$0x3FB2] =	sst s0  }
0x18: {  	s0 =	sld [smem:$0x3F95];
	_ =	swait.ge [sflag:s4], $0x0  }
0x19: {  	s7 =	sld [smem:$0x3F96]  }
0x1a: {  	s8 =	sadd.s32 $0xFFFFE003, lr  }
0x1b: {  	s9 =	sadd.s32 $0xFFFFFEF7, lr;
	s5 =	simm.s32 $0xFFFFFFFF;
	p2 =	slt.u32 s8, $0xFFFFF086  }
0x1c: {  	p1 =	slt.u32 s9, $0xF7A;
	s5 =	simm.s32 @!p2 $0x0  }
0x1d: {  	s5 =	simm.s32 @p1 $0x1;
	p0 =	seq.s32 s7, s2  }
0x1e: {  	s7 =	smul.u32 @!p0 $0xF7A, s2;
	p2 =	seq.s32 @!p0 s5, $0x0  }
0x1f: {  	s9 =	smul.u32 $0xF7A, s1;
	s8 =	simm.s32 @!p0 $0x1BF5;
	p2 =	por !p2, p0  }
0x20: {  	[sflag:s8] =	ssyncset.s32 @!p0 $0xFFFFF086;
	s6 =	sadd.s32 @!p0 s3, s7;
	s7 =	simm.s32 @!p0 $0x108  }
0x21: {  	s3 =	sadd.s32 s3, s9;
	s6 =	sadd.s32 @!p0 $0x88, s6;
	s7 =	simm.s32 @p2 $0x1082  }
0x22: {  	[simem:s7], [sflag:s8] =	dma.local @!p0 [hbm:s6], $0xF7A  }
0x23: {  	s9 =	sor.u32 $0xD0000000, s2;
	s6 =	simm.s32 $0x108;
	_ =	swait.ge @!p0 [sflag:s8], $0x0  }
0x24: {  	s3 =	sadd.s32 $0x88, s3;
	s6 =	simm.s32 @!p1 $0x1082;
	[sflag:s4] =	ssyncset.s32 $0xFFFFF086  }
0x25: {  	[simem:s6], [sflag:s4] =	dma.local [hbm:s3], $0xF7A  }
0x26: {  	[smem:$0x3F96] =	sst s1;
	(tag) =	ssettag s2;
	_ =	strace s9  }
0x27: {  	s1 =	sld [smem:$0x3FA6]  }
0x28: {  	s2 =	sld [smem:$0x3FA7]  }
0x29: {  	s4 =	sld [smem:$0x3FA9]  }
0x2a: {  	p0 =	seq.s32 s5, $0x0;
	s5 =	sld [smem:$0x3FAA]  }
0x2b: {  	s6 =	sld [smem:$0x3FAB]  }
0x2c: {  	s7 =	sld [smem:$0x3FAC]  }
0x2d: {  	s3 =	simm.s32 $0x108;
	s8 =	sld [smem:$0x3FAD]  }
0x2e: {  	s3 =	simm.s32 @!p0 $0x1082;
	s9 =	sld [smem:$0x3FAE]  }
0x2f: {  	lr =	sadd.s32 s0, s3;
	s0 =	sld [smem:$0x3FA5]  }
0x30: {  	s3 =	sld [smem:$0x3FA8]  }
0x31: {  	[smem:$0x3FB1] =	sst s10  }
0x32: {  	s10 =	sld [smem:$0x3FAF];
	_ =	sdelay $0x3  }
0x33: {  	p0 =	seq.s32 s10, $0x1;
	s10 =	sld [smem:$0x3FB1];
	_ =	sdelay $0x3  }
0x34: {  	[smem:$0x3FB1] =	sst s10  }
0x35: {  	s10 =	sld [smem:$0x3FB0];
	_ =	sdelay $0x3  }
0x36: {  	p1 =	seq.s32 s10, $0x1;
	s10 =	sld [smem:$0x3FB1];
	_ =	sdelay $0x3  }
0x37: {  	[smem:$0x3FB1] =	sst s10  }
0x38: {  	s10 =	sld [smem:$0x3FB2]  }
0x39: {  	_ = 	snop;
	(pc) =	sbr.ind lr, $3  }
0x3a: {  	_ = 	snop  }
0x3b: {  	_ = 	snop  }
0x3c: {  	p2 =	seq.s32 s10, $0x1;
	s10 =	sld [smem:$0x3FB1]  }
0x3d: {  	_ =	shalt  }
0x3e: {  	_ =	shalt  }
0x3f: {  	_ =	shalt  }
0x40: {  	_ =	shalt  }
0x41: {  	_ =	shalt  }
0x42: {  	_ =	shalt  }
0x43: {  	_ =	shalt  }
0x44: {  	_ =	shalt  }
0x45: {  	_ =	shalt  }
0x46: {  	_ =	shalt  }
0x47: {  	_ =	shalt  }
0x48: {  	_ =	shalt  }
0x49: {  	_ =	shalt  }
0x4a: {  	_ =	shalt  }
0x4b: {  	_ =	shalt  }
0x4c: {  	_ =	shalt  }
0x4d: {  	_ =	shalt  }
0x4e: {  	_ =	shalt  }
0x4f: {  	_ =	shalt  }
0x50: {  	_ =	shalt  }
0x51: {  	_ =	shalt  }
0x52: {  	_ =	shalt  }
0x53: {  	_ =	shalt  }
0x54: {  	_ =	shalt  }
0x55: {  	_ =	shalt  }
0x56: {  	_ =	shalt  }
0x57: {  	_ =	shalt  }
0x58: {  	_ =	shalt  }
0x59: {  	_ =	shalt  }
0x5a: {  	_ =	shalt  }
0x5b: {  	_ =	shalt  }
0x5c: {  	_ =	shalt  }
0x5d: {  	_ =	shalt  }
0x5e: {  	_ =	shalt  }
0x5f: {  	_ =	shalt  }
0x60: {  	_ =	shalt  }
0x61: {  	_ =	shalt  }
0x62: {  	_ =	shalt  }
0x63: {  	_ =	shalt  }
0x64: {  	_ =	shalt  }
0x65: {  	_ =	shalt  }
0x66: {  	_ =	shalt  }
0x67: {  	_ =	shalt  }
0x68: {  	_ =	shalt  }
0x69: {  	_ =	shalt  }
0x6a: {  	_ =	shalt  }
0x6b: {  	_ =	shalt  }
0x6c: {  	_ =	shalt  }
0x6d: {  	_ =	shalt  }
0x6e: {  	_ =	shalt  }
0x6f: {  	_ =	shalt  }
0x70: {  	_ =	shalt  }
0x71: {  	_ =	shalt  }
0x72: {  	_ =	shalt  }
0x73: {  	_ =	shalt  }
0x74: {  	_ =	shalt  }
0x75: {  	_ =	shalt  }
0x76: {  	_ =	shalt  }
0x77: {  	_ =	shalt  }
0x78: {  	_ =	shalt  }
0x79: {  	_ =	shalt  }
0x7a: {  	_ =	shalt  }
0x7b: {  	_ =	shalt  }
0x7c: {  	_ =	shalt  }
0x7d: {  	_ =	shalt  }
0x7e: {  	_ =	shalt  }
0x7f: {  	_ =	shalt  }
0x80: {  	_ =	shalt  }
0x81: {  	_ =	shalt  }
0x82: {  	_ =	shalt  }
0x83: {  	_ =	shalt  }
0x84: {  	_ =	shalt  }
0x85: {  	_ =	shalt  }
0x86: {  	_ =	shalt  }
0x87: {  	_ =	shalt  }
.Lfunc_end0:
.L_simem_size_0:
called_computation_lowered:
.L_overlay_start_0:
0x88: {  	s2 =	sld [smem:$0x3FD9]  }
0x89: {  	s3 =	sld [smem:$0x3FFE];
	_ =	sdelay $0x1  }
0x8a: {  	s1 =	srdreg.scid  }
0x8b: {  	s0 =	sand.u32 $0x1, s1  }
0x8c: {  	s17 =	sshll.u32 s0, $0xA;
	s2 =	sadd.s32 s3, s2  }
0x8d: {  	s2 =	sadd.s32 s2, s17  }
0x8e: {  	[smem:$0x3FBD] =	sst s2  }
0x8f: {  	_ = 	snop  }
0x90: {  	s2 =	sld [smem:$0x3FC9]  }
0x91: {  	s18 =	sld [smem:$0x3FC8]  }
0x92: {  	s4 =	sld [smem:$0x3FC7];
	(tm) =	ssettm $0x1  }
0x93: {  	s5 =	sld [smem:$0x3FFB];
	_ =	sdelay $0x3  }
0x94: {  	_ =	strace s5  }
0x95: {  	s5 =	sld [smem:$0x3FFC];
	_ =	sdelay $0x3  }
0x96: {  	_ =	strace s5  }
0x97: {  	s5 =	sld [smem:$0x3FFD];
	_ =	sdelay $0x3  }
0x98: {  	_ =	strace s5  }
0x99: {  	_ =	strace $0x8FFFFFFF  }
0x9a: {  	s19 =	sld [smem:$0x3FDB];
	_ =	sdelay $0x1  }
0x9b: {  	s6 =	simm.s32 $_scs_section_size  }
0x9c: {  	s7 =	simm.s32 $_size__tile_overlayer_lowered;
	s8 =	simm.s32 $_tile_overlayer_lowered  }
0x9d: {  	s22 =	simm.s32 $0x1BFF;
	s21 =	sshll.u32 s8, $0x1;
	s5 =	sadd.s32 s6, s19  }
0x9e: {  	s9 =	simm.s32 $0x0;
	s20 =	sshll.u32 s7, $0x1;
	s7 =	sadd.s32 s21, s5  }
0x9f: {  	[timem:s9], [sflag:s22] =	dma.local [hbm:s7], s20  }
0xa0: {  	_ =	swait.ge [sflag:s22], s20  }
0xa1: {  	s6 =	ssub.s32 $0x0, s20;
	[sflag:s22] =	ssyncset.done $0x0  }
0xa2: {  	[sflag:s22] =	ssyncadd.s32 s6;
	_ =	sdelay $0x1  }
0xa3: {  	s23 =	simm.s32 $0x1B8B  }
0xa4: {  	_ =	swait.ge [sflag:s23], $0x1  }
0xa5: {  	[sflag:s23] =	ssyncset.done $0x0  }
0xa6: {  	s25 =	simm.s32 $0x1B8E;
	s24 =	sld [smem:$0x3FFE];
	[sflag:s23] =	ssyncadd.s32 $0xFFFFFFFF  }
0xa7: {  	s26 =	simm.s32 $execute0_lowered;
	[smem:$0x3FD2] =	sst s25  }
0xa8: {  	s7 =	sshll.u32 s26, $0x1;
	_ =	strace $0x80000046;
	[dreg:$0x1] =	wrdreg $0xFFFFFFFF  }
0xa9: {  	s28 =	simm.s32 $_size_execute0_lowered;
	s5 =	sadd.s32 s5, s7;
	[dreg:$0x0] =	wrdreg $0x0  }
0xaa: {  	s7 =	sshll.u32 s28, $0x1;
	[dreg:$0x2] =	wrdreg s5  }
0xab: {  	[dreg:$0x3] =	wrdreg s7  }
0xac: {  	[dreg:$0x4] =	wrdreg $0xC0  }
0xad: {  	_ =	task [dreg:s9], $0x5FFFF  }
0xae: {  	[dreg:$0x1] =	wrdreg $0xFFFFFFFF  }
0xaf: {  	[dreg:$0x0] =	wrdreg $0x60  }
0xb0: {  	[dreg:$0x2] =	wrdreg s2  }
0xb1: {  	[dreg:$0x3] =	wrdreg s18  }
0xb2: {  	[dreg:$0x4] =	wrdreg s4  }
0xb3: {  	[dreg:$0x5] =	wrdreg s24  }
0xb4: {  	[dreg:$0x6] =	wrdreg $0x9  }
0xb5: {  	_ =	task.clear_ibuf [dreg:s9], $0x7FFFF;
	_ =	strace $0x90000046  }
0xb6: {  	s29 =	simm.s32 $0x9;
	_ =	strace $0x80000048  }
0xb7: {  	_ =	swait.ge [sflag:s29], $0x1  }
0xb8: {  	[sflag:s29] =	ssyncadd.s32 $0xFFFFFFFF  }
0xb9: {  	_ =	strace $0x90000048  }
0xba: {  	_ =	sfence  }
0xbb: {  	s30 =	sld [smem:$0x0];
	_ =	sdelay $0x2  }
0xbc: {  	s31 =	sshll.u32 s1, $0xD;
	s1 =	sshrl.u32 s1, $0x2  }
0xbd: {  	s3 =	sand.u32 $0x4000, s31;
	s1 =	sadd.s32 s1, s30  }
0xbe: {  	s0 =	sor.u32 s3, s0;
	s1 =	sshll.u32 s1, $0x11  }
0xbf: {  	s0 =	sor.u32 s1, s0  }
0xc0: {  	s0 =	sadd.s32 $0x8F2B, s0  }
0xc1: {  	[sflag:s0] =	ssyncadd.remote.s32 $0x1  }
0xc2: {  	_ =	sfence.sel $0xFFFF  }
0xc3: {  	[dreg:$0x0] =	wrdreg $0xFFFFFFFF;
	(pc) =	sbr.abs _section_cstart, $3  }
0xc4: {  	[dreg:$0x1] =	wrdreg $0xFFFFFFFF  }
0xc5: {  	_ =	task.clear_ibuf [dreg:s9], $0x2FFFF;
	_ =	strace $0x9FFFFFFF  }
0xc6: {  	(tm) =	ssettm $0x7FFFFFFF  }
0xc7: {  	_ =	shalt  }
tec
execute0_lowered:
.L_overlay_start_1:
0x0: {  	(tag) =	ssettag $0x1  }
0x1: {  	s1 =	rddreg [dreg:$0x0]  }
0x2: {  	s0 =	rddreg [dreg:$0x1]  }
0x3: {  	s3 =	srdreg.scid;
	s6 =	stileid.u32  }
0x4: {  	s2 =	rddreg [dreg:$0x2];
	s5 =	sand.u32 $0x1, s3;
	s6 =	sshll.u32 s6, $0x1  }
0x5: {  	s4 =	rddreg [dreg:$0x3];
	s3 =	simm.s32 $0x0;
	s6 =	sor.u32 s5, s6  }
0x6: {  	[smem:$0x7FF] =	sst s3;
	s5 =	ssub.s32 $0x2, s5;
	s7 =	smul.u32 $0x1388, s6  }
0x7: {  	_ =	strace $0x80000047;
	s6 =	sshll.u32 s6, $0x8;
	s17 =	sshrl.u32 s5, $0x1  }
0x8: {  	s16 =	sadd.s32 s6, s4;
	s17 =	ssub.s32 s5, s17;
	s8 =	sand.u32 $0x3FF80, s7  }
0x9: {  	s20 =	sshrl.u32 s7, $0x3;
	s6 =	sand.u32 $0x78, s7;
	s18 =	smin.u32 s8, $0x25C00  }
0xa: {  	s16 =	sadd.s32 $0x1E00, s16;
	s17 =	smax.u32 s17, $0x1;
	s19 =	sshrl.u32 s18, $0x2  }
0xb: {  	s4 =	ssub.s32 s7, s18;
	s7 =	sadd.s32 s2, s20;
	s0 =	sadd.s32 s0, s19  }
0xc: {  	s21 =	sshll.u32 s4, $0x1;
	s9 =	sadd.s32 $0x1390, s4;
	s10 =	sadd.s32 $0x13A0, s4  }
0xd: {  	s25 =	sadd.s32 $0x13B0, s4;
	s12 =	sadd.s32 $0x13C0, s4;
	s13 =	sadd.s32 $0x13D0, s4  }
0xe: {  	s31 =	sadd.s32 $0x13E0, s4;
	s14 =	sadd.s32 $0x13F0, s4;
	[dreg:$0x5] =	wrdreg s0  }
0xf: {  	s8 =	sand.u32 $0xFFFFFF00, s21;
	s22 =	sshll.u32 s9, $0x1;
	s23 =	sand.u32 $0x78, s9  }
0x10: {  	s24 =	sshll.u32 s10, $0x1;
	s10 =	sand.u32 $0x78, s10;
	s11 =	sshll.u32 s25, $0x1  }
0x11: {  	s2 =	sand.u32 $0x78, s25;
	s26 =	sshll.u32 s12, $0x1;
	s28 =	sand.u32 $0x78, s12  }
0x12: {  	s29 =	sand.u32 $0x78, s13;
	s30 =	sshll.u32 s13, $0x1;
	s15 =	sand.u32 $0x78, s31  }
0x13: {  	s13 =	sshll.u32 s31, $0x1;
	s18 =	sshll.u32 s14, $0x1;
	s20 =	sand.u32 $0x78, s14  }
0x14: {  	s21 =	simm.s32 $0x4780;
	s8 =	sor.u32 s6, s8;
	s0 =	sand.u32 $0xFFFFFF00, s22  }
0x15: {  	s11 =	sand.u32 $0xFFFFFF00, s11;
	s19 =	sand.u32 $0xFFFFFF00, s13;
	s18 =	sand.u32 $0xFFFFFF00, s18  }
.Ltmp0:
0x16: {  	s9 =	sor.u32 s23, s0;
	s0 =	sand.u32 $0xFFFFFF00, s24;
	(pc) =	sbr.rel .LBB2_1-.Ltmp0, $4  }
0x17: {  	s11 =	sor.u32 s2, s11;
	s2 =	sand.u32 $0xFFFFFF00, s30;
	s14 =	sor.u32 s15, s19  }
0x18: {  	s15 =	sor.u32 s20, s18;
	s19 =	simm.s32 $0x1;
	s20 =	simm.s32 $0x3F80  }
0x19: {  	v0 =	vimm.f32 $0.0e+00;
	vm0 =	vmmov $0xff;
	v1 =	vimm.s32 $0x1;
	s23 =	simm.s32 $0x2;
	s10 =	sor.u32 s10, s0;
	s0 =	sand.u32 $0xFFFFFF00, s26  }
0x1a: {  	v2 =	vimm.s32 $0x0;
	v3 =	vlaneseq.u32;
	vm1 =	vmmov $0xffff;
	s24 =	simm.s32 $0x0;
	s13 =	sor.u32 s29, s2;
	s12 =	sor.u32 s28, s0  }
.LBB2_73:
0x1b: {  	v4 =	vld [tilespmem:$0x5780]  }
0x1c: {  	v5 =	vld [tilespmem:$0x5800]  }
0x1d: {  	v6 =	vld [tilespmem:$0x5880]  }
0x1e: {  	v7 =	vld [tilespmem:$0x5900]  }
0x1f: {  	v8 =	vld [tilespmem:$0x5980]  }
0x20: {  	[tilespmem:$0x5200] =	vst v4  }
0x21: {  	[tilespmem:$0x5210] =	vst v5  }
0x22: {  	s24 =	sadd.s32 $0x1, s24;
	[tilespmem:$0x5220] =	vst v6  }
0x23: {  	p0 =	sne.s32 s24, s17;
	[tilespmem:$0x5230] =	vst v7  }
.Ltmp1:
0x24: {  	s0 =	simm.s32 $0x4F80;
	[tilespmem:$0x5240] =	vst v8;
	(pc) =	sbr.rel @!p0 .LBB2_74-.Ltmp1, $4  }
0x25: {  	[hbm4b:s16+s3] =	stream.linear.scatter [tilespmem:s0], [sflag:$0x2], $0x800, $0x38;
	[tilespmem:$0x5B80] =	vst v63  }
0x26: {  	_ =	swait.ge [sflag:s23], $0x800  }
0x27: {  	[sflag:s23] =	ssyncset.done $0x0  }
0x28: {  	[sflag:s23] =	ssyncadd.s32 $0xFFFFF800  }
.LBB2_1:
0x29: {  	s0 =	rddreg [dreg:$0x5];
	s31 =	sand.u32 $0x380, s3;
	s2 =	sand.u32 $0x400, s3  }
0x2a: {  	[tilespmem:s3], [sflag:$0x1] =	stream.linear.gather [hbm4b:s0+s3], $0x2A00, $0x38;
	[tilespmem:$0x5B80] =	vst v63  }
0x2b: {  	s25 =	sand.u32 $0x70, s3;
	s0 =	sor.u32 s31, s2  }
0x2c: {  	s30 =	simm.s32 $0x2B00;
	s0 =	sor.u32 s25, s0  }
0x2d: {  	[tilespmem:s30], [sflag:$0x1] =	stream.linear.gather [hbm4b:s7+s3], $0x1388, $0x38;
	[tilespmem:$0x5B80] =	vst v63  }
0x2e: {  	s2 =	simm.s32 $0x8;
	s25 =	simm.s32 $0x0;
	[tilespmem:s0+$0x4F80] =	vst v0;
	s0 =	simm.s32 $0x0  }
.LBB2_2:
0x2f: {  	s26 =	sand.u32 $0x380, s2;
	p0 =	sne.s32 s2, $0x3F8  }
.Ltmp2:
0x30: {  	s0 =	sadd.s32 $0x10, s0;
	s25 =	sadd.s32 $0x80, s25;
	(pc) =	sbr.rel @p0 .LBB2_2-.Ltmp2, $4  }
0x31: {  	s2 =	sadd.s32 $0x8, s2;
	s28 =	sand.u32 $0x400, s25  }
0x32: {  	s29 =	sand.u32 $0x70, s0;
	s26 =	sor.u32 s26, s28  }
0x33: {  	s26 =	sor.u32 s29, s26  }
0x34: {  	[tilespmem:s26+$0x4F80] =	vst v0  }
0x35: {  	[tilespmem:$0x5780] =	vst v0  }
0x36: {  	[tilespmem:$0x5800] =	vst v0  }
0x37: {  	[tilespmem:$0x5880] =	vst v0  }
0x38: {  	[tilespmem:$0x5900] =	vst v0  }
0x39: {  	[tilespmem:$0x5980] =	vst v0  }
0x3a: {  	[tilespmem:$0x5A00] =	vst v0  }
0x3b: {  	[tilespmem:$0x5A80] =	vst v0  }
0x3c: {  	[tilespmem:$0x5B00] =	vst v0  }
0x3d: {  	_ =	swait.ge [sflag:s19], $0x2A00  }
0x3e: {  	[sflag:s19] =	ssyncset.done $0x0  }
0x3f: {  	[sflag:s19] =	ssyncadd.s32 $0xFFFFD600  }
0x40: {  	_ =	swait.ge [sflag:s19], $0x1388  }
0x41: {  	[sflag:s19] =	ssyncset.done $0x0  }
0x42: {  	[sflag:s19] =	ssyncadd.s32 $0xFFFFEC78  }
0x43: {  	v4 =	vld [tilespmem:s8+$0x2780];
	_ =	sdelay $0x4  }
0x44: {  	v4 =	vnsel vm0, $0x1, v4  }
0x45: {  	[tilespmem:s8+$0x2780] =	vst v4  }
0x46: {  	[tilespmem:s9+$0x80] =	vst v1  }
0x47: {  	[tilespmem:s10+$0x80] =	vst v1  }
.Ltmp3:
0x48: {  	[tilespmem:s11+$0x80] =	vst v1;
	(pc) =	sbr.rel .LBB2_4-.Ltmp3, $4  }
0x49: {  	[tilespmem:s12+$0x80] =	vst v1  }
0x4a: {  	[tilespmem:s13+$0x80] =	vst v1  }
0x4b: {  	[tilespmem:s14+$0x80] =	vst v1  }
0x4c: {  	s25 =	simm.s32 $0x0;
	s26 =	simm.s32 $0x20;
	[tilespmem:s15+$0x80] =	vst v1  }
.LBB2_72:
0x4d: {  	s25 =	sadd.s32 $0x1, s25  }
0x4e: {  	p0 =	sne.s32 s25, $0xA  }
.Ltmp4:
0x4f: {  	_ = 	snop;
	(pc) =	sbr.rel @!p0 .LBB2_73-.Ltmp4, $2  }
0x50: {  	_ =	sdelay $0x2  }
0x51: {  	s26 =	sadd.s32 $0x20, s26  }
.LBB2_4:
0x52: {  	s0 =	sshll.u32 s25, $0x9  }
0x53: {  	s28 =	sadd.s32 s4, s0  }
0x54: {  	s0 =	sshll.u32 s28, $0x1;
	s2 =	sadd.s32 $0x10, s28  }
0x55: {  	s30 =	sadd.s32 $0x20, s28;
	s0 =	sand.u32 $0xFFFFFF00, s0;
	s18 =	sshll.u32 s2, $0x1  }
0x56: {  	s2 =	sand.u32 $0x78, s2;
	s29 =	sor.u32 s6, s0;
	s0 =	sand.u32 $0xFFFFFF00, s18  }
0x57: {  	s22 =	sshll.u32 s30, $0x1;
	v4 =	vld [tilespmem:s29+$0x80];
	s0 =	sor.u32 s2, s0  }
0x58: {  	s5 =	sadd.s32 $0x30, s28;
	s31 =	sand.u32 $0x78, s30;
	s2 =	sand.u32 $0xFFFFFF00, s22;
	v5 =	vld [tilespmem:s0+$0x80]  }
0x59: {  	s18 =	sshll.u32 s5, $0x1;
	s0 =	sor.u32 s31, s2  }
0x5a: {  	s22 =	sand.u32 $0x78, s5;
	s2 =	sand.u32 $0xFFFFFF00, s18;
	s31 =	sadd.s32 $0x40, s28;
	v6 =	vld [tilespmem:s0+$0x80]  }
0x5b: {  	s0 =	sor.u32 s22, s2;
	s5 =	sshll.u32 s31, $0x1  }
0x5c: {  	s18 =	sand.u32 $0x78, s31;
	s22 =	sadd.s32 $0x50, s28;
	v7 =	vld [tilespmem:s0+$0x80];
	s2 =	sand.u32 $0xFFFFFF00, s5  }
0x5d: {  	s31 =	sshll.u32 s22, $0x1;
	s0 =	sor.u32 s18, s2;
	vm2 =	vlt.s32 v4, v5  }
0x5e: {  	s5 =	sand.u32 $0x78, s22;
	s2 =	sand.u32 $0xFFFFFF00, s31;
	s18 =	sadd.s32 $0x60, s28;
	v4 =	vsel vm2, v4, v5;
	v5 =	vld [tilespmem:s0+$0x80]  }
0x5f: {  	s22 =	sshll.u32 s18, $0x1;
	s0 =	sor.u32 s5, s2;
	vm2 =	vlt.s32 v4, v6  }
0x60: {  	s31 =	sand.u32 $0x78, s18;
	s2 =	sand.u32 $0xFFFFFF00, s22;
	s5 =	sadd.s32 $0x70, s28;
	v46 =	vld [tilespmem:s0+$0x80];
	v4 =	vsel vm2, v4, v6  }
0x61: {  	s0 =	sor.u32 s31, s2;
	s18 =	sshll.u32 s5, $0x1;
	vm2 =	vlt.s32 v4, v7  }
0x62: {  	s22 =	sand.u32 $0x78, s5;
	v47 =	vld [tilespmem:s0+$0x80];
	s2 =	sand.u32 $0xFFFFFF00, s18;
	v4 =	vsel vm2, v4, v7  }
0x63: {  	s0 =	sor.u32 s22, s2;
	vm2 =	vlt.s32 v4, v5  }
0x64: {  	s30 =	sadd.s32 $0x90, s28;
	v4 =	vsel vm2, v4, v5;
	v5 =	vld [tilespmem:s0+$0x80]  }
0x65: {  	s31 =	sshll.u32 s30, $0x1;
	vm2 =	vlt.s32 v4, v46  }
0x66: {  	v48 =	vld [tilespmem:s29+$0x180];
	s5 =	sadd.s32 $0xA0, s28;
	s2 =	sand.u32 $0xFFFFFF00, s31;
	s0 =	sand.u32 $0x78, s30;
	v4 =	vsel vm2, v4, v46  }
0x67: {  	s18 =	sshll.u32 s5, $0x1;
	s0 =	sor.u32 s0, s2;
	vm2 =	vlt.s32 v4, v47  }
0x68: {  	s22 =	sand.u32 $0x78, s5;
	s31 =	sadd.s32 $0xB0, s28;
	s2 =	sand.u32 $0xFFFFFF00, s18;
	v49 =	vld [tilespmem:s0+$0x80];
	v4 =	vsel vm2, v4, v47  }
0x69: {  	s5 =	sshll.u32 s31, $0x1;
	s0 =	sor.u32 s22, s2;
	vm2 =	vlt.s32 v4, v5  }
0x6a: {  	s18 =	sand.u32 $0x78, s31;
	s2 =	sand.u32 $0xFFFFFF00, s5;
	s22 =	sadd.s32 $0xC0, s28;
	v4 =	vsel vm2, v4, v5;
	v5 =	vld [tilespmem:s0+$0x80]  }
0x6b: {  	s31 =	sshll.u32 s22, $0x1;
	s0 =	sor.u32 s18, s2;
	vm2 =	vlt.s32 v4, v48  }
0x6c: {  	s5 =	sand.u32 $0x78, s22;
	s2 =	sand.u32 $0xFFFFFF00, s31;
	s18 =	sadd.s32 $0xD0, s28;
	v50 =	vld [tilespmem:s0+$0x80];
	v4 =	vsel vm2, v4, v48  }
0x6d: {  	s0 =	sor.u32 s5, s2;
	s22 =	sshll.u32 s18, $0x1;
	vm2 =	vlt.s32 v4, v49  }
0x6e: {  	s31 =	sand.u32 $0x78, s18;
	s5 =	sadd.s32 $0xE0, s28;
	v51 =	vld [tilespmem:s0+$0x80];
	s2 =	sand.u32 $0xFFFFFF00, s22;
	v4 =	vsel vm2, v4, v49  }
0x6f: {  	s18 =	sshll.u32 s5, $0x1;
	s0 =	sor.u32 s31, s2;
	vm2 =	vlt.s32 v4, v5  }
0x70: {  	s22 =	sand.u32 $0x78, s5;
	s2 =	sand.u32 $0xFFFFFF00, s18;
	s31 =	sadd.s32 $0xF0, s28;
	v4 =	vsel vm2, v4, v5;
	v5 =	vld [tilespmem:s0+$0x80]  }
0x71: {  	s5 =	sshll.u32 s31, $0x1;
	s0 =	sor.u32 s22, s2;
	vm2 =	vlt.s32 v4, v50  }
0x72: {  	s18 =	sand.u32 $0x78, s31;
	s2 =	sand.u32 $0xFFFFFF00, s5;
	v52 =	vld [tilespmem:s0+$0x80];
	v4 =	vsel vm2, v4, v50  }
0x73: {  	s0 =	sor.u32 s18, s2;
	vm2 =	vlt.s32 v4, v51  }
0x74: {  	s22 =	sadd.s32 $0x110, s28;
	v53 =	vld [tilespmem:s0+$0x80];
	v4 =	vsel vm2, v4, v51  }
0x75: {  	s30 =	sshll.u32 s22, $0x1;
	vm2 =	vlt.s32 v4, v5  }
0x76: {  	s31 =	sadd.s32 $0x120, s28;
	s0 =	sand.u32 $0x78, s22;
	s2 =	sand.u32 $0xFFFFFF00, s30;
	v4 =	vsel vm2, v4, v5;
	v5 =	vld [tilespmem:s29+$0x280]  }
0x77: {  	s5 =	sshll.u32 s31, $0x1;
	s0 =	sor.u32 s0, s2;
	vm2 =	vlt.s32 v4, v52  }
0x78: {  	s18 =	sand.u32 $0x78, s31;
	s22 =	sadd.s32 $0x130, s28;
	s2 =	sand.u32 $0xFFFFFF00, s5;
	v54 =	vld [tilespmem:s0+$0x80];
	v4 =	vsel vm2, v4, v52  }
0x79: {  	s31 =	sshll.u32 s22, $0x1;
	s0 =	sor.u32 s18, s2;
	vm2 =	vlt.s32 v4, v53  }
0x7a: {  	s5 =	sand.u32 $0x78, s22;
	s2 =	sand.u32 $0xFFFFFF00, s31;
	s18 =	sadd.s32 $0x140, s28;
	v55 =	vld [tilespmem:s0+$0x80];
	v4 =	vsel vm2, v4, v53  }
0x7b: {  	s0 =	sor.u32 s5, s2;
	s22 =	sshll.u32 s18, $0x1;
	vm2 =	vlt.s32 v4, v5  }
0x7c: {  	s31 =	sand.u32 $0x78, s18;
	s5 =	sadd.s32 $0x150, s28;
	s2 =	sand.u32 $0xFFFFFF00, s22;
	v4 =	vsel vm2, v4, v5;
	v5 =	vld [tilespmem:s0+$0x80]  }
0x7d: {  	s18 =	sshll.u32 s5, $0x1;
	s0 =	sor.u32 s31, s2;
	vm2 =	vlt.s32 v4, v54  }
0x7e: {  	s22 =	sand.u32 $0x78, s5;
	s2 =	sand.u32 $0xFFFFFF00, s18;
	s31 =	sadd.s32 $0x160, s28;
	v56 =	vld [tilespmem:s0+$0x80];
	v4 =	vsel vm2, v4, v54  }
0x7f: {  	s0 =	sor.u32 s22, s2;
	s5 =	sshll.u32 s31, $0x1;
	vm2 =	vlt.s32 v4, v55  }
0x80: {  	s18 =	sand.u32 $0x78, s31;
	s22 =	sadd.s32 $0x170, s28;
	v57 =	vld [tilespmem:s0+$0x80];
	s2 =	sand.u32 $0xFFFFFF00, s5;
	v4 =	vsel vm2, v4, v55  }
0x81: {  	s31 =	sshll.u32 s22, $0x1;
	s0 =	sor.u32 s18, s2;
	vm2 =	vlt.s32 v4, v5  }
0x82: {  	s5 =	sand.u32 $0x78, s22;
	s2 =	sand.u32 $0xFFFFFF00, s31;
	v8 =	vld [tilespmem:s0+$0x80];
	v4 =	vsel vm2, v4, v5  }
0x83: {  	s0 =	sor.u32 s5, s2;
	vm2 =	vlt.s32 v4, v56  }
0x84: {  	s18 =	sadd.s32 $0x190, s28;
	v5 =	vld [tilespmem:s0+$0x80];
	v4 =	vsel vm2, v4, v56  }
0x85: {  	s22 =	sshll.u32 s18, $0x1;
	vm2 =	vlt.s32 v4, v57  }
0x86: {  	v58 =	vld [tilespmem:s29+$0x380];
	s30 =	sadd.s32 $0x1A0, s28;
	s2 =	sand.u32 $0xFFFFFF00, s22;
	s0 =	sand.u32 $0x78, s18;
	v4 =	vsel vm2, v4, v57  }
0x87: {  	s31 =	sshll.u32 s30, $0x1;
	s0 =	sor.u32 s0, s2;
	vm2 =	vlt.s32 v4, v8  }
0x88: {  	s5 =	sand.u32 $0x78, s30;
	s18 =	sadd.s32 $0x1B0, s28;
	s2 =	sand.u32 $0xFFFFFF00, s31;
	v59 =	vld [tilespmem:s0+$0x80];
	v4 =	vsel vm2, v4, v8  }
0x89: {  	s22 =	sshll.u32 s18, $0x1;
	s0 =	sor.u32 s5, s2;
	vm2 =	vlt.s32 v4, v5  }
0x8a: {  	s30 =	sand.u32 $0x78, s18;
	s31 =	sadd.s32 $0x1C0, s28;
	s2 =	sand.u32 $0xFFFFFF00, s22;
	v4 =	vsel vm2, v4, v5;
	v5 =	vld [tilespmem:s0+$0x80]  }
0x8b: {  	s5 =	sshll.u32 s31, $0x1;
	s0 =	sor.u32 s30, s2;
	vm2 =	vlt.s32 v4, v58  }
0x8c: {  	s18 =	sand.u32 $0x78, s31;
	s22 =	sadd.s32 $0x1D0, s28;
	s2 =	sand.u32 $0xFFFFFF00, s5;
	v60 =	vld [tilespmem:s0+$0x80];
	v4 =	vsel vm2, v4, v58  }
0x8d: {  	s30 =	sshll.u32 s22, $0x1;
	s0 =	sor.u32 s18, s2;
	vm2 =	vlt.s32 v4, v59  }
0x8e: {  	s31 =	sand.u32 $0x78, s22;
	s5 =	sadd.s32 $0x1E0, s28;
	s2 =	sand.u32 $0xFFFFFF00, s30;
	v61 =	vld [tilespmem:s0+$0x80];
	v4 =	vsel vm2, v4, v59  }
0x8f: {  	s18 =	sshll.u32 s5, $0x1;
	s0 =	sor.u32 s31, s2;
	vm2 =	vlt.s32 v4, v5  }
0x90: {  	s28 =	sadd.s32 $0x1F0, s28;
	s22 =	sand.u32 $0x78, s5;
	s2 =	sand.u32 $0xFFFFFF00, s18;
	v4 =	vsel vm2, v4, v5;
	v5 =	vld [tilespmem:s0+$0x80]  }
0x91: {  	s29 =	sshll.u32 s28, $0x1;
	s0 =	sor.u32 s22, s2;
	vm2 =	vlt.s32 v4, v60  }
0x92: {  	s30 =	sand.u32 $0x78, s28;
	s2 =	sand.u32 $0xFFFFFF00, s29;
	v62 =	vld [tilespmem:s0+$0x80];
	v4 =	vsel vm2, v4, v60  }
0x93: {  	s0 =	sor.u32 s30, s2;
	vm2 =	vlt.s32 v4, v61  }
0x94: {  	v63 =	vld [tilespmem:s0+$0x80];
	v4 =	vsel vm2, v4, v61  }
0x95: {  	vm2 =	vlt.s32 v4, v5  }
0x96: {  	v4 =	vsel vm2, v4, v5  }
0x97: {  	vm2 =	vlt.s32 v4, v62  }
0x98: {  	v4 =	vsel vm2, v4, v62  }
0x99: {  	vm2 =	vlt.s32 v4, v63  }
0x9a: {  	v4 =	vsel vm2, v4, v63  }
0x9b: {  	vm2 =	veq.s32 v4, $0x0  }
0x9c: {  	v4 =	vsel vm2, $0x1, v2  }
0x9d: {  	(xrf0) =	vadd.scan.msk.s32 $0xffff, v4;
	_ =	sdelay $0x5  }
0x9e: {  	v4, _, _ =	vpop (xrf0)  }
0x9f: {  	(v2sf) =	vpush v4, $0xF;
	_ =	sdelay $0xe  }
0xa0: {  	s31 =	spop (v2sf)  }
0xa1: {  	p0 =	slt.s32 s31, $0x1  }
.Ltmp5:
0xa2: {  	_ = 	snop;
	(pc) =	sbr.rel @p0 .LBB2_72-.Ltmp5, $1  }
0xa3: {  	_ =	sdelay $0x3  }
.Ltmp6:
0xa4: {  	(pc) =	sbr.rel .LBB2_6-.Ltmp6, $2  }
0xa5: {  	_ =	sdelay $0x2  }
0xa6: {  	s28 =	sshll.u32 s25, $0x5  }
.LBB2_71:
0xa7: {  	s28 =	sadd.s32 $0x1, s28  }
0xa8: {  	p0 =	sne.s32 s28, s26  }
.Ltmp7:
0xa9: {  	_ = 	snop;
	(pc) =	sbr.rel @!p0 .LBB2_72-.Ltmp7, $1  }
0xaa: {  	_ =	sdelay $0x3  }
.LBB2_6:
0xab: {  	s29 =	sshll.u32 s28, $0x4  }
0xac: {  	s0 =	sadd.s32 s4, s29  }
0xad: {  	s2 =	sshll.u32 s0, $0x1  }
0xae: {  	s0 =	sand.u32 $0x78, s0;
	s2 =	sand.u32 $0xFFFFFF00, s2  }
0xaf: {  	s0 =	sor.u32 s0, s2  }
0xb0: {  	v4 =	vld [tilespmem:s0+$0x80];
	_ =	sdelay $0x4  }
0xb1: {  	vm2 =	veq.s32 v4, $0x0  }
0xb2: {  	v4 =	vsel vm2, $0x1, v2  }
0xb3: {  	(xrf0) =	vadd.scan.msk.s32 $0xffff, v4;
	_ =	sdelay $0x5  }
0xb4: {  	v5, _, _ =	vpop (xrf0)  }
0xb5: {  	(v2sf) =	vpush v5, $0xF;
	_ =	sdelay $0xe  }
0xb6: {  	s31 =	spop (v2sf)  }
0xb7: {  	p0 =	slt.s32 s31, $0x1  }
.Ltmp8:
0xb8: {  	_ = 	snop;
	(pc) =	sbr.rel @p0 .LBB2_71-.Ltmp8, $1  }
0xb9: {  	_ =	sdelay $0x3  }
0xba: {  	v5 =	vld [tilespmem:s0+$0x0];
	_ =	sdelay $0x4  }
0xbb: {  	v5 =	vnsel vm2, $0x0, v5  }
0xbc: {  	v6 =	vshll.u32 v5, $0x1  }
0xbd: {  	v7 =	vand.u32 $0x7, v5;
	v6 =	vand.u32 $0xFFFFFFF0, v6  }
0xbe: {  	v8 =	vshrl.u32 v3, $0x3;
	v6 =	vor.u32 v7, v6;
	v7 =	vand.u32 $0x7, v3  }
0xbf: {  	v8 =	vmul.u32 $0x8, v8;
	v7 =	vperm.xlane v6, v7  }
0xc0: {  	v9 =	vor.u32 $0x8, v3  }
0xc1: {  	v6 =	vperm.xlane v6, v9;
	v7 =	vadd.s32 v8, v7;
	_ =	sdelay $0x1  }
0xc2: {  	v6 =	vadd.s32 v8, v6;
	_ =	sdelay $0x1  }
0xc3: {  	v60 =	vld [tilespmem:s29+$0x2B00];
	[tilespmem:$0x3F00] =	vst v5  }
0xc4: {  	[tilespmem:s20], [sflag:$0x1] =	stream.indirect_vreg.gather [hbm4b:s1+s3], $0x80, v7, vm1, $0xb8;
	[tilespmem:$0x5B80] =	vst v63  }
0xc5: {  	_ = 	snop  }
0xc6: {  	[tilespmem:s21], [sflag:$0x1] =	stream.indirect_vreg.gather [hbm4b:s1+s3], $0x80, v6, vm1, $0xb8;
	[tilespmem:$0x5B80] =	vst v63  }
0xc7: {  	v5 =	vld [tilespmem:$0x5780]  }
0xc8: {  	v6 =	vld [tilespmem:$0x5800]  }
0xc9: {  	v7 =	vld [tilespmem:$0x5880]  }
0xca: {  	v61 =	vsel vm2, $0x3F800000, v0;
	vm3 =	veq.s32 v60, $0x0;
	v10 =	vld [tilespmem:$0x5900]  }
0xcb: {  	v11 =	vnsel vm3, $0x0, v61;
	vm3 =	veq.s32 v60, $0x1;
	v12 =	vld [tilespmem:$0x5980]  }
0xcc: {  	v62 =	vnsel vm3, $0x0, v61;
	vm3 =	veq.s32 v60, $0x2;
	v5 =	vadd.f32 v5, v11  }
0xcd: {  	v63 =	vnsel vm3, $0x0, v61;
	vm3 =	veq.s32 v60, $0x3;
	v6 =	vadd.f32 v6, v62  }
0xce: {  	[tilespmem:$0x5780] =	vst v5;
	v5 =	vadd.f32 v7, v63;
	v7 =	vnsel vm3, $0x0, v61;
	vm3 =	veq.s32 v60, $0x4  }
0xcf: {  	[tilespmem:$0x5800] =	vst v6;
	v9 =	vnsel vm3, $0x0, v61;
	v6 =	vadd.f32 v10, v7  }
0xd0: {  	[tilespmem:$0x5880] =	vst v5;
	v5 =	vadd.f32 v12, v9  }
0xd1: {  	[tilespmem:$0x5900] =	vst v6  }
0xd2: {  	[tilespmem:$0x5980] =	vst v5  }
0xd3: {  	_ =	swait.ge [sflag:s19], $0x1000  }
0xd4: {  	(v2sf) =	vpush v4, $0x0;
	_ =	sdelay $0xe  }
0xd5: {  	s31 =	spop (v2sf)  }
0xd6: {  	p0 =	seq.s32 s31, $0x0  }
.Ltmp9:
0xd7: {  	_ = 	snop;
	(pc) =	sbr.rel @p0 .LBB2_11-.Ltmp9, $3  }
0xd8: {  	_ =	sdelay $0x1  }
0xd9: {  	[sflag:s19] =	ssyncset.done $0x0  }
0xda: {  	v5 =	vnsel vm2, $0x7, v60;
	[sflag:s19] =	ssyncadd.s32 $0xFFFFF000  }
0xdb: {  	(v2sf) =	vpush v5, $0x0;
	_ =	sdelay $0xd  }
0xdc: {  	s29 =	simm.s32 $0x0  }
0xdd: {  	s30 =	sand.u32 $0x70, s29;
	s0 =	spop (v2sf)  }
0xde: {  	s29 =	sand.u32 $0x400, s29;
	s2 =	sshll.u32 s0, $0x8;
	s0 =	sshll.u32 s0, $0x7  }
0xdf: {  	s18 =	sor.u32 s30, s29;
	s2 =	sand.u32 $0xFFFFF800, s2;
	s0 =	sand.u32 $0x380, s0  }
0xe0: {  	v6 =	vld [tilespmem:s18+$0x3F80];
	s0 =	sor.u32 s0, s2  }
0xe1: {  	s2 =	simm.s32 $0x10;
	s31 =	sadd.s32 $0x4F80, s0;
	s0 =	simm.s32 $0x80  }
.LBB2_9:
0xe2: {  	s18 =	sand.u32 $0x70, s2  }
0xe3: {  	s22 =	sadd.s32 s29, s31;
	s29 =	sand.u32 $0x400, s0;
	p0 =	sne.s32 s2, $0xF0  }
.Ltmp10:
0xe4: {  	s2 =	sadd.s32 $0x10, s2;
	s22 =	sadd.s32 s30, s22;
	(pc) =	sbr.rel @p0 .LBB2_9-.Ltmp10, $3  }
0xe5: {  	s5 =	sor.u32 s18, s29;
	s30 =	smov.u32 s18;
	[tilespmem:s22+$0x0] =	vst.add.f32.msk $0xffff, v6  }
0xe6: {  	v6 =	vld [tilespmem:s5+$0x3F80];
	_ =	sdelay $0x1  }
0xe7: {  	s0 =	sadd.s32 $0x80, s0  }
0xe8: {  	s0 =	sadd.s32 s29, s31  }
0xe9: {  	s0 =	sadd.s32 s30, s0  }
0xea: {  	[tilespmem:s0+$0x0] =	vst.add.f32.msk $0xffff, v6  }
.LBB2_11:
0xeb: {  	(v2sf) =	vpush v4, $0x1;
	_ =	sdelay $0xe  }
0xec: {  	s0 =	spop (v2sf)  }
0xed: {  	p0 =	seq.s32 s0, $0x0  }
.Ltmp11:
0xee: {  	_ = 	snop;
	(pc) =	sbr.rel @p0 .LBB2_15-.Ltmp11, $1  }
0xef: {  	_ =	sdelay $0x3  }
0xf0: {  	(v2sf) =	vpush v5, $0x1;
	_ =	sdelay $0xd  }
0xf1: {  	s5 =	simm.s32 $0x0  }
0xf2: {  	s30 =	sand.u32 $0x70, s5;
	s0 =	spop (v2sf)  }
0xf3: {  	s29 =	sand.u32 $0x400, s5;
	s2 =	sshll.u32 s0, $0x8;
	s0 =	sshll.u32 s0, $0x7  }
0xf4: {  	s5 =	sor.u32 s30, s29;
	s2 =	sand.u32 $0xFFFFF800, s2;
	s0 =	sand.u32 $0x380, s0  }
0xf5: {  	v6 =	vld [tilespmem:s5+$0x4000];
	s0 =	sor.u32 s0, s2  }
0xf6: {  	s2 =	simm.s32 $0x10;
	s31 =	sadd.s32 $0x4F80, s0;
	s0 =	simm.s32 $0x80  }
.LBB2_13:
0xf7: {  	s5 =	sand.u32 $0x70, s2  }
0xf8: {  	s18 =	sadd.s32 s29, s31;
	s29 =	sand.u32 $0x400, s0;
	p0 =	sne.s32 s2, $0xF0  }
.Ltmp12:
0xf9: {  	s2 =	sadd.s32 $0x10, s2;
	s18 =	sadd.s32 s30, s18;
	(pc) =	sbr.rel @p0 .LBB2_13-.Ltmp12, $3  }
0xfa: {  	s22 =	sor.u32 s5, s29;
	s30 =	smov.u32 s5;
	[tilespmem:s18+$0x0] =	vst.add.f32.msk $0xffff, v6  }
0xfb: {  	v6 =	vld [tilespmem:s22+$0x4000];
	_ =	sdelay $0x1  }
0xfc: {  	s0 =	sadd.s32 $0x80, s0  }
0xfd: {  	s0 =	sadd.s32 s29, s31  }
0xfe: {  	s0 =	sadd.s32 s30, s0  }
0xff: {  	[tilespmem:s0+$0x0] =	vst.add.f32.msk $0xffff, v6  }
.LBB2_15:
0x100: {  	(v2sf) =	vpush v4, $0x2;
	_ =	sdelay $0xe  }
0x101: {  	s0 =	spop (v2sf)  }
0x102: {  	p0 =	seq.s32 s0, $0x0  }
.Ltmp13:
0x103: {  	_ = 	snop;
	(pc) =	sbr.rel @p0 .LBB2_19-.Ltmp13, $1  }
0x104: {  	_ =	sdelay $0x3  }
0x105: {  	(v2sf) =	vpush v5, $0x2;
	_ =	sdelay $0xd  }
0x106: {  	s5 =	simm.s32 $0x0  }
0x107: {  	s30 =	sand.u32 $0x70, s5;
	s0 =	spop (v2sf)  }
0x108: {  	s29 =	sand.u32 $0x400, s5;
	s2 =	sshll.u32 s0, $0x8;
	s0 =	sshll.u32 s0, $0x7  }
0x109: {  	s5 =	sor.u32 s30, s29;
	s2 =	sand.u32 $0xFFFFF800, s2;
	s0 =	sand.u32 $0x380, s0  }
0x10a: {  	v6 =	vld [tilespmem:s5+$0x4080];
	s0 =	sor.u32 s0, s2  }
0x10b: {  	s2 =	simm.s32 $0x10;
	s31 =	sadd.s32 $0x4F80, s0;
	s0 =	simm.s32 $0x80  }
.LBB2_17:
0x10c: {  	s5 =	sand.u32 $0x70, s2  }
0x10d: {  	s18 =	sadd.s32 s29, s31;
	s29 =	sand.u32 $0x400, s0;
	p0 =	sne.s32 s2, $0xF0  }
.Ltmp14:
0x10e: {  	s2 =	sadd.s32 $0x10, s2;
	s18 =	sadd.s32 s30, s18;
	(pc) =	sbr.rel @p0 .LBB2_17-.Ltmp14, $3  }
0x10f: {  	s22 =	sor.u32 s5, s29;
	s30 =	smov.u32 s5;
	[tilespmem:s18+$0x0] =	vst.add.f32.msk $0xffff, v6  }
0x110: {  	v6 =	vld [tilespmem:s22+$0x4080];
	_ =	sdelay $0x1  }
0x111: {  	s0 =	sadd.s32 $0x80, s0  }
0x112: {  	s0 =	sadd.s32 s29, s31  }
0x113: {  	s0 =	sadd.s32 s30, s0  }
0x114: {  	[tilespmem:s0+$0x0] =	vst.add.f32.msk $0xffff, v6  }
.LBB2_19:
0x115: {  	(v2sf) =	vpush v4, $0x3;
	_ =	sdelay $0xe  }
0x116: {  	s0 =	spop (v2sf)  }
0x117: {  	p0 =	seq.s32 s0, $0x0  }
.Ltmp15:
0x118: {  	_ = 	snop;
	(pc) =	sbr.rel @p0 .LBB2_23-.Ltmp15, $1  }
0x119: {  	_ =	sdelay $0x3  }
0x11a: {  	(v2sf) =	vpush v5, $0x3;
	_ =	sdelay $0xd  }
0x11b: {  	s5 =	simm.s32 $0x0  }
0x11c: {  	s30 =	sand.u32 $0x70, s5;
	s0 =	spop (v2sf)  }
0x11d: {  	s29 =	sand.u32 $0x400, s5;
	s2 =	sshll.u32 s0, $0x8;
	s0 =	sshll.u32 s0, $0x7  }
0x11e: {  	s5 =	sor.u32 s30, s29;
	s2 =	sand.u32 $0xFFFFF800, s2;
	s0 =	sand.u32 $0x380, s0  }
0x11f: {  	v6 =	vld [tilespmem:s5+$0x4100];
	s0 =	sor.u32 s0, s2  }
0x120: {  	s2 =	simm.s32 $0x10;
	s31 =	sadd.s32 $0x4F80, s0;
	s0 =	simm.s32 $0x80  }
.LBB2_21:
0x121: {  	s5 =	sand.u32 $0x70, s2  }
0x122: {  	s18 =	sadd.s32 s29, s31;
	s29 =	sand.u32 $0x400, s0;
	p0 =	sne.s32 s2, $0xF0  }
.Ltmp16:
0x123: {  	s2 =	sadd.s32 $0x10, s2;
	s18 =	sadd.s32 s30, s18;
	(pc) =	sbr.rel @p0 .LBB2_21-.Ltmp16, $3  }
0x124: {  	s22 =	sor.u32 s5, s29;
	s30 =	smov.u32 s5;
	[tilespmem:s18+$0x0] =	vst.add.f32.msk $0xffff, v6  }
0x125: {  	v6 =	vld [tilespmem:s22+$0x4100];
	_ =	sdelay $0x1  }
0x126: {  	s0 =	sadd.s32 $0x80, s0  }
0x127: {  	s0 =	sadd.s32 s29, s31  }
0x128: {  	s0 =	sadd.s32 s30, s0  }
0x129: {  	[tilespmem:s0+$0x0] =	vst.add.f32.msk $0xffff, v6  }
.LBB2_23:
0x12a: {  	(v2sf) =	vpush v4, $0x4;
	_ =	sdelay $0xe  }
0x12b: {  	s0 =	spop (v2sf)  }
0x12c: {  	p0 =	seq.s32 s0, $0x0  }
.Ltmp17:
0x12d: {  	_ = 	snop;
	(pc) =	sbr.rel @p0 .LBB2_27-.Ltmp17, $1  }
0x12e: {  	_ =	sdelay $0x3  }
0x12f: {  	(v2sf) =	vpush v5, $0x4;
	_ =	sdelay $0xd  }
0x130: {  	s5 =	simm.s32 $0x0  }
0x131: {  	s30 =	sand.u32 $0x70, s5;
	s0 =	spop (v2sf)  }
0x132: {  	s29 =	sand.u32 $0x400, s5;
	s2 =	sshll.u32 s0, $0x8;
	s0 =	sshll.u32 s0, $0x7  }
0x133: {  	s5 =	sor.u32 s30, s29;
	s2 =	sand.u32 $0xFFFFF800, s2;
	s0 =	sand.u32 $0x380, s0  }
0x134: {  	v6 =	vld [tilespmem:s5+$0x4180];
	s0 =	sor.u32 s0, s2  }
0x135: {  	s2 =	simm.s32 $0x10;
	s31 =	sadd.s32 $0x4F80, s0;
	s0 =	simm.s32 $0x80  }
.LBB2_25:
0x136: {  	s5 =	sand.u32 $0x70, s2  }
0x137: {  	s18 =	sadd.s32 s29, s31;
	s29 =	sand.u32 $0x400, s0;
	p0 =	sne.s32 s2, $0xF0  }
.Ltmp18:
0x138: {  	s2 =	sadd.s32 $0x10, s2;
	s18 =	sadd.s32 s30, s18;
	(pc) =	sbr.rel @p0 .LBB2_25-.Ltmp18, $3  }
0x139: {  	s22 =	sor.u32 s5, s29;
	s30 =	smov.u32 s5;
	[tilespmem:s18+$0x0] =	vst.add.f32.msk $0xffff, v6  }
0x13a: {  	v6 =	vld [tilespmem:s22+$0x4180];
	_ =	sdelay $0x1  }
0x13b: {  	s0 =	sadd.s32 $0x80, s0  }
0x13c: {  	s0 =	sadd.s32 s29, s31  }
0x13d: {  	s0 =	sadd.s32 s30, s0  }
0x13e: {  	[tilespmem:s0+$0x0] =	vst.add.f32.msk $0xffff, v6  }
.LBB2_27:
0x13f: {  	(v2sf) =	vpush v4, $0x5;
	_ =	sdelay $0xe  }
0x140: {  	s0 =	spop (v2sf)  }
0x141: {  	p0 =	seq.s32 s0, $0x0  }
.Ltmp19:
0x142: {  	_ = 	snop;
	(pc) =	sbr.rel @p0 .LBB2_31-.Ltmp19, $1  }
0x143: {  	_ =	sdelay $0x3  }
0x144: {  	(v2sf) =	vpush v5, $0x5;
	_ =	sdelay $0xd  }
0x145: {  	s5 =	simm.s32 $0x0  }
0x146: {  	s30 =	sand.u32 $0x70, s5;
	s0 =	spop (v2sf)  }
0x147: {  	s29 =	sand.u32 $0x400, s5;
	s2 =	sshll.u32 s0, $0x8;
	s0 =	sshll.u32 s0, $0x7  }
0x148: {  	s5 =	sor.u32 s30, s29;
	s2 =	sand.u32 $0xFFFFF800, s2;
	s0 =	sand.u32 $0x380, s0  }
0x149: {  	v6 =	vld [tilespmem:s5+$0x4200];
	s0 =	sor.u32 s0, s2  }
0x14a: {  	s2 =	simm.s32 $0x10;
	s31 =	sadd.s32 $0x4F80, s0;
	s0 =	simm.s32 $0x80  }
.LBB2_29:
0x14b: {  	s5 =	sand.u32 $0x70, s2  }
0x14c: {  	s18 =	sadd.s32 s29, s31;
	s29 =	sand.u32 $0x400, s0;
	p0 =	sne.s32 s2, $0xF0  }
.Ltmp20:
0x14d: {  	s2 =	sadd.s32 $0x10, s2;
	s18 =	sadd.s32 s30, s18;
	(pc) =	sbr.rel @p0 .LBB2_29-.Ltmp20, $3  }
0x14e: {  	s22 =	sor.u32 s5, s29;
	s30 =	smov.u32 s5;
	[tilespmem:s18+$0x0] =	vst.add.f32.msk $0xffff, v6  }
0x14f: {  	v6 =	vld [tilespmem:s22+$0x4200];
	_ =	sdelay $0x1  }
0x150: {  	s0 =	sadd.s32 $0x80, s0  }
0x151: {  	s0 =	sadd.s32 s29, s31  }
0x152: {  	s0 =	sadd.s32 s30, s0  }
0x153: {  	[tilespmem:s0+$0x0] =	vst.add.f32.msk $0xffff, v6  }
.LBB2_31:
0x154: {  	(v2sf) =	vpush v4, $0x6;
	_ =	sdelay $0xe  }
0x155: {  	s0 =	spop (v2sf)  }
0x156: {  	p0 =	seq.s32 s0, $0x0  }
.Ltmp21:
0x157: {  	_ = 	snop;
	(pc) =	sbr.rel @p0 .LBB2_35-.Ltmp21, $1  }
0x158: {  	_ =	sdelay $0x3  }
0x159: {  	(v2sf) =	vpush v5, $0x6;
	_ =	sdelay $0xd  }
0x15a: {  	s5 =	simm.s32 $0x0  }
0x15b: {  	s30 =	sand.u32 $0x70, s5;
	s0 =	spop (v2sf)  }
0x15c: {  	s29 =	sand.u32 $0x400, s5;
	s2 =	sshll.u32 s0, $0x8;
	s0 =	sshll.u32 s0, $0x7  }
0x15d: {  	s5 =	sor.u32 s30, s29;
	s2 =	sand.u32 $0xFFFFF800, s2;
	s0 =	sand.u32 $0x380, s0  }
0x15e: {  	v6 =	vld [tilespmem:s5+$0x4280];
	s0 =	sor.u32 s0, s2  }
0x15f: {  	s2 =	simm.s32 $0x10;
	s31 =	sadd.s32 $0x4F80, s0;
	s0 =	simm.s32 $0x80  }
.LBB2_33:
0x160: {  	s5 =	sand.u32 $0x70, s2  }
0x161: {  	s18 =	sadd.s32 s29, s31;
	s29 =	sand.u32 $0x400, s0;
	p0 =	sne.s32 s2, $0xF0  }
.Ltmp22:
0x162: {  	s2 =	sadd.s32 $0x10, s2;
	s18 =	sadd.s32 s30, s18;
	(pc) =	sbr.rel @p0 .LBB2_33-.Ltmp22, $3  }
0x163: {  	s22 =	sor.u32 s5, s29;
	s30 =	smov.u32 s5;
	[tilespmem:s18+$0x0] =	vst.add.f32.msk $0xffff, v6  }
0x164: {  	v6 =	vld [tilespmem:s22+$0x4280];
	_ =	sdelay $0x1  }
0x165: {  	s0 =	sadd.s32 $0x80, s0  }
0x166: {  	s0 =	sadd.s32 s29, s31  }
0x167: {  	s0 =	sadd.s32 s30, s0  }
0x168: {  	[tilespmem:s0+$0x0] =	vst.add.f32.msk $0xffff, v6  }
.LBB2_35:
0x169: {  	(v2sf) =	vpush v4, $0x7;
	_ =	sdelay $0xe  }
0x16a: {  	s0 =	spop (v2sf)  }
0x16b: {  	p0 =	seq.s32 s0, $0x0  }
.Ltmp23:
0x16c: {  	_ = 	snop;
	(pc) =	sbr.rel @p0 .LBB2_39-.Ltmp23, $1  }
0x16d: {  	_ =	sdelay $0x3  }
0x16e: {  	(v2sf) =	vpush v5, $0x7;
	_ =	sdelay $0xe  }
0x16f: {  	s29 =	simm.s32 $0x0;
	s0 =	spop (v2sf)  }
0x170: {  	s18 =	sor.u32 s29, s29;
	s2 =	sshll.u32 s0, $0x8;
	s0 =	sshll.u32 s0, $0x7  }
0x171: {  	s22 =	sor.u32 $0x380, s18;
	s2 =	sand.u32 $0xFFFFF800, s2;
	s0 =	sand.u32 $0x380, s0  }
0x172: {  	s31 =	simm.s32 $0x10;
	v6 =	vld [tilespmem:s22+$0x3F80];
	s0 =	sor.u32 s0, s2  }
0x173: {  	s2 =	simm.s32 $0x80;
	s30 =	sadd.s32 $0x4F80, s0;
	s0 =	sand.u32 $0x400, s29  }
.LBB2_37:
0x174: {  	s5 =	sor.u32 s2, s31;
	s18 =	sand.u32 $0x70, s29  }
0x175: {  	s0 =	sadd.s32 s0, s30;
	s29 =	smov.u32 s31;
	p0 =	sne.s32 s31, $0xF0  }
.Ltmp24:
0x176: {  	s31 =	sadd.s32 $0x10, s31;
	s0 =	sadd.s32 s18, s0;
	(pc) =	sbr.rel @p0 .LBB2_37-.Ltmp24, $3  }
0x177: {  	s5 =	sor.u32 $0x380, s5;
	[tilespmem:s0+$0x0] =	vst.add.f32.msk $0xffff, v6  }
0x178: {  	v6 =	vld [tilespmem:s5+$0x3F80];
	_ =	sdelay $0x1  }
0x179: {  	s0 =	sand.u32 $0x400, s2;
	s2 =	sadd.s32 $0x80, s2  }
0x17a: {  	s2 =	sand.u32 $0x70, s29;
	s0 =	sadd.s32 s0, s30  }
0x17b: {  	s0 =	sadd.s32 s2, s0  }
0x17c: {  	[tilespmem:s0+$0x0] =	vst.add.f32.msk $0xffff, v6  }
.LBB2_39:
0x17d: {  	(v2sf) =	vpush v4, $0x8;
	_ =	sdelay $0xe  }
0x17e: {  	s0 =	spop (v2sf)  }
0x17f: {  	p0 =	seq.s32 s0, $0x0  }
.Ltmp25:
0x180: {  	_ = 	snop;
	(pc) =	sbr.rel @p0 .LBB2_43-.Ltmp25, $1  }
0x181: {  	_ =	sdelay $0x3  }
0x182: {  	(v2sf) =	vpush v5, $0x8;
	_ =	sdelay $0xd  }
0x183: {  	s5 =	simm.s32 $0x0  }
0x184: {  	s30 =	sand.u32 $0x70, s5;
	s0 =	spop (v2sf)  }
0x185: {  	s29 =	sand.u32 $0x400, s5;
	s2 =	sshll.u32 s0, $0x8;
	s0 =	sshll.u32 s0, $0x7  }
0x186: {  	s5 =	sor.u32 s30, s29;
	s2 =	sand.u32 $0xFFFFF800, s2;
	s0 =	sand.u32 $0x380, s0  }
0x187: {  	v6 =	vld [tilespmem:s5+$0x4780];
	s0 =	sor.u32 s0, s2  }
0x188: {  	s2 =	simm.s32 $0x10;
	s31 =	sadd.s32 $0x4F80, s0;
	s0 =	simm.s32 $0x80  }
.LBB2_41:
0x189: {  	s5 =	sand.u32 $0x70, s2  }
0x18a: {  	s18 =	sadd.s32 s29, s31;
	s29 =	sand.u32 $0x400, s0;
	p0 =	sne.s32 s2, $0xF0  }
.Ltmp26:
0x18b: {  	s2 =	sadd.s32 $0x10, s2;
	s18 =	sadd.s32 s30, s18;
	(pc) =	sbr.rel @p0 .LBB2_41-.Ltmp26, $3  }
0x18c: {  	s22 =	sor.u32 s5, s29;
	s30 =	smov.u32 s5;
	[tilespmem:s18+$0x0] =	vst.add.f32.msk $0xffff, v6  }
0x18d: {  	v6 =	vld [tilespmem:s22+$0x4780];
	_ =	sdelay $0x1  }
0x18e: {  	s0 =	sadd.s32 $0x80, s0  }
0x18f: {  	s0 =	sadd.s32 s29, s31  }
0x190: {  	s0 =	sadd.s32 s30, s0  }
0x191: {  	[tilespmem:s0+$0x0] =	vst.add.f32.msk $0xffff, v6  }
.LBB2_43:
0x192: {  	(v2sf) =	vpush v4, $0x9;
	_ =	sdelay $0xe  }
0x193: {  	s0 =	spop (v2sf)  }
0x194: {  	p0 =	seq.s32 s0, $0x0  }
.Ltmp27:
0x195: {  	_ = 	snop;
	(pc) =	sbr.rel @p0 .LBB2_47-.Ltmp27, $1  }
0x196: {  	_ =	sdelay $0x3  }
0x197: {  	(v2sf) =	vpush v5, $0x9;
	_ =	sdelay $0xd  }
0x198: {  	s5 =	simm.s32 $0x0  }
0x199: {  	s30 =	sand.u32 $0x70, s5;
	s0 =	spop (v2sf)  }
0x19a: {  	s29 =	sand.u32 $0x400, s5;
	s2 =	sshll.u32 s0, $0x8;
	s0 =	sshll.u32 s0, $0x7  }
0x19b: {  	s5 =	sor.u32 s30, s29;
	s2 =	sand.u32 $0xFFFFF800, s2;
	s0 =	sand.u32 $0x380, s0  }
0x19c: {  	v6 =	vld [tilespmem:s5+$0x4800];
	s0 =	sor.u32 s0, s2  }
0x19d: {  	s2 =	simm.s32 $0x10;
	s31 =	sadd.s32 $0x4F80, s0;
	s0 =	simm.s32 $0x80  }
.LBB2_45:
0x19e: {  	s5 =	sand.u32 $0x70, s2  }
0x19f: {  	s18 =	sadd.s32 s29, s31;
	s29 =	sand.u32 $0x400, s0;
	p0 =	sne.s32 s2, $0xF0  }
.Ltmp28:
0x1a0: {  	s2 =	sadd.s32 $0x10, s2;
	s18 =	sadd.s32 s30, s18;
	(pc) =	sbr.rel @p0 .LBB2_45-.Ltmp28, $3  }
0x1a1: {  	s22 =	sor.u32 s5, s29;
	s30 =	smov.u32 s5;
	[tilespmem:s18+$0x0] =	vst.add.f32.msk $0xffff, v6  }
0x1a2: {  	v6 =	vld [tilespmem:s22+$0x4800];
	_ =	sdelay $0x1  }
0x1a3: {  	s0 =	sadd.s32 $0x80, s0  }
0x1a4: {  	s0 =	sadd.s32 s29, s31  }
0x1a5: {  	s0 =	sadd.s32 s30, s0  }
0x1a6: {  	[tilespmem:s0+$0x0] =	vst.add.f32.msk $0xffff, v6  }
.LBB2_47:
0x1a7: {  	(v2sf) =	vpush v4, $0xA;
	_ =	sdelay $0xe  }
0x1a8: {  	s0 =	spop (v2sf)  }
0x1a9: {  	p0 =	seq.s32 s0, $0x0  }
.Ltmp29:
0x1aa: {  	_ = 	snop;
	(pc) =	sbr.rel @p0 .LBB2_51-.Ltmp29, $1  }
0x1ab: {  	_ =	sdelay $0x3  }
0x1ac: {  	(v2sf) =	vpush v5, $0xA;
	_ =	sdelay $0xd  }
0x1ad: {  	s5 =	simm.s32 $0x0  }
0x1ae: {  	s30 =	sand.u32 $0x70, s5;
	s0 =	spop (v2sf)  }
0x1af: {  	s29 =	sand.u32 $0x400, s5;
	s2 =	sshll.u32 s0, $0x8;
	s0 =	sshll.u32 s0, $0x7  }
0x1b0: {  	s5 =	sor.u32 s30, s29;
	s2 =	sand.u32 $0xFFFFF800, s2;
	s0 =	sand.u32 $0x380, s0  }
0x1b1: {  	v6 =	vld [tilespmem:s5+$0x4880];
	s0 =	sor.u32 s0, s2  }
0x1b2: {  	s2 =	simm.s32 $0x10;
	s31 =	sadd.s32 $0x4F80, s0;
	s0 =	simm.s32 $0x80  }
.LBB2_49:
0x1b3: {  	s5 =	sand.u32 $0x70, s2  }
0x1b4: {  	s18 =	sadd.s32 s29, s31;
	s29 =	sand.u32 $0x400, s0;
	p0 =	sne.s32 s2, $0xF0  }
.Ltmp30:
0x1b5: {  	s2 =	sadd.s32 $0x10, s2;
	s18 =	sadd.s32 s30, s18;
	(pc) =	sbr.rel @p0 .LBB2_49-.Ltmp30, $3  }
0x1b6: {  	s22 =	sor.u32 s5, s29;
	s30 =	smov.u32 s5;
	[tilespmem:s18+$0x0] =	vst.add.f32.msk $0xffff, v6  }
0x1b7: {  	v6 =	vld [tilespmem:s22+$0x4880];
	_ =	sdelay $0x1  }
0x1b8: {  	s0 =	sadd.s32 $0x80, s0  }
0x1b9: {  	s0 =	sadd.s32 s29, s31  }
0x1ba: {  	s0 =	sadd.s32 s30, s0  }
0x1bb: {  	[tilespmem:s0+$0x0] =	vst.add.f32.msk $0xffff, v6  }
.LBB2_51:
0x1bc: {  	(v2sf) =	vpush v4, $0xB;
	_ =	sdelay $0xe  }
0x1bd: {  	s0 =	spop (v2sf)  }
0x1be: {  	p0 =	seq.s32 s0, $0x0  }
.Ltmp31:
0x1bf: {  	_ = 	snop;
	(pc) =	sbr.rel @p0 .LBB2_55-.Ltmp31, $1  }
0x1c0: {  	_ =	sdelay $0x3  }
0x1c1: {  	(v2sf) =	vpush v5, $0xB;
	_ =	sdelay $0xd  }
0x1c2: {  	s5 =	simm.s32 $0x0  }
0x1c3: {  	s30 =	sand.u32 $0x70, s5;
	s0 =	spop (v2sf)  }
0x1c4: {  	s29 =	sand.u32 $0x400, s5;
	s2 =	sshll.u32 s0, $0x8;
	s0 =	sshll.u32 s0, $0x7  }
0x1c5: {  	s5 =	sor.u32 s30, s29;
	s2 =	sand.u32 $0xFFFFF800, s2;
	s0 =	sand.u32 $0x380, s0  }
0x1c6: {  	v6 =	vld [tilespmem:s5+$0x4900];
	s0 =	sor.u32 s0, s2  }
0x1c7: {  	s2 =	simm.s32 $0x10;
	s31 =	sadd.s32 $0x4F80, s0;
	s0 =	simm.s32 $0x80  }
.LBB2_53:
0x1c8: {  	s5 =	sand.u32 $0x70, s2  }
0x1c9: {  	s18 =	sadd.s32 s29, s31;
	s29 =	sand.u32 $0x400, s0;
	p0 =	sne.s32 s2, $0xF0  }
.Ltmp32:
0x1ca: {  	s2 =	sadd.s32 $0x10, s2;
	s18 =	sadd.s32 s30, s18;
	(pc) =	sbr.rel @p0 .LBB2_53-.Ltmp32, $3  }
0x1cb: {  	s22 =	sor.u32 s5, s29;
	s30 =	smov.u32 s5;
	[tilespmem:s18+$0x0] =	vst.add.f32.msk $0xffff, v6  }
0x1cc: {  	v6 =	vld [tilespmem:s22+$0x4900];
	_ =	sdelay $0x1  }
0x1cd: {  	s0 =	sadd.s32 $0x80, s0  }
0x1ce: {  	s0 =	sadd.s32 s29, s31  }
0x1cf: {  	s0 =	sadd.s32 s30, s0  }
0x1d0: {  	[tilespmem:s0+$0x0] =	vst.add.f32.msk $0xffff, v6  }
.LBB2_55:
0x1d1: {  	(v2sf) =	vpush v4, $0xC;
	_ =	sdelay $0xe  }
0x1d2: {  	s0 =	spop (v2sf)  }
0x1d3: {  	p0 =	seq.s32 s0, $0x0  }
.Ltmp33:
0x1d4: {  	_ = 	snop;
	(pc) =	sbr.rel @p0 .LBB2_59-.Ltmp33, $1  }
0x1d5: {  	_ =	sdelay $0x3  }
0x1d6: {  	(v2sf) =	vpush v5, $0xC;
	_ =	sdelay $0xd  }
0x1d7: {  	s5 =	simm.s32 $0x0  }
0x1d8: {  	s30 =	sand.u32 $0x70, s5;
	s0 =	spop (v2sf)  }
0x1d9: {  	s29 =	sand.u32 $0x400, s5;
	s2 =	sshll.u32 s0, $0x8;
	s0 =	sshll.u32 s0, $0x7  }
0x1da: {  	s5 =	sor.u32 s30, s29;
	s2 =	sand.u32 $0xFFFFF800, s2;
	s0 =	sand.u32 $0x380, s0  }
0x1db: {  	v6 =	vld [tilespmem:s5+$0x4980];
	s0 =	sor.u32 s0, s2  }
0x1dc: {  	s2 =	simm.s32 $0x10;
	s31 =	sadd.s32 $0x4F80, s0;
	s0 =	simm.s32 $0x80  }
.LBB2_57:
0x1dd: {  	s5 =	sand.u32 $0x70, s2  }
0x1de: {  	s18 =	sadd.s32 s29, s31;
	s29 =	sand.u32 $0x400, s0;
	p0 =	sne.s32 s2, $0xF0  }
.Ltmp34:
0x1df: {  	s2 =	sadd.s32 $0x10, s2;
	s18 =	sadd.s32 s30, s18;
	(pc) =	sbr.rel @p0 .LBB2_57-.Ltmp34, $3  }
0x1e0: {  	s22 =	sor.u32 s5, s29;
	s30 =	smov.u32 s5;
	[tilespmem:s18+$0x0] =	vst.add.f32.msk $0xffff, v6  }
0x1e1: {  	v6 =	vld [tilespmem:s22+$0x4980];
	_ =	sdelay $0x1  }
0x1e2: {  	s0 =	sadd.s32 $0x80, s0  }
0x1e3: {  	s0 =	sadd.s32 s29, s31  }
0x1e4: {  	s0 =	sadd.s32 s30, s0  }
0x1e5: {  	[tilespmem:s0+$0x0] =	vst.add.f32.msk $0xffff, v6  }
.LBB2_59:
0x1e6: {  	(v2sf) =	vpush v4, $0xD;
	_ =	sdelay $0xe  }
0x1e7: {  	s0 =	spop (v2sf)  }
0x1e8: {  	p0 =	seq.s32 s0, $0x0  }
.Ltmp35:
0x1e9: {  	_ = 	snop;
	(pc) =	sbr.rel @p0 .LBB2_63-.Ltmp35, $1  }
0x1ea: {  	_ =	sdelay $0x3  }
0x1eb: {  	(v2sf) =	vpush v5, $0xD;
	_ =	sdelay $0xd  }
0x1ec: {  	s5 =	simm.s32 $0x0  }
0x1ed: {  	s30 =	sand.u32 $0x70, s5;
	s0 =	spop (v2sf)  }
0x1ee: {  	s29 =	sand.u32 $0x400, s5;
	s2 =	sshll.u32 s0, $0x8;
	s0 =	sshll.u32 s0, $0x7  }
0x1ef: {  	s5 =	sor.u32 s30, s29;
	s2 =	sand.u32 $0xFFFFF800, s2;
	s0 =	sand.u32 $0x380, s0  }
0x1f0: {  	v6 =	vld [tilespmem:s5+$0x4A00];
	s0 =	sor.u32 s0, s2  }
0x1f1: {  	s2 =	simm.s32 $0x10;
	s31 =	sadd.s32 $0x4F80, s0;
	s0 =	simm.s32 $0x80  }
.LBB2_61:
0x1f2: {  	s5 =	sand.u32 $0x70, s2  }
0x1f3: {  	s18 =	sadd.s32 s29, s31;
	s29 =	sand.u32 $0x400, s0;
	p0 =	sne.s32 s2, $0xF0  }
.Ltmp36:
0x1f4: {  	s2 =	sadd.s32 $0x10, s2;
	s18 =	sadd.s32 s30, s18;
	(pc) =	sbr.rel @p0 .LBB2_61-.Ltmp36, $3  }
0x1f5: {  	s22 =	sor.u32 s5, s29;
	s30 =	smov.u32 s5;
	[tilespmem:s18+$0x0] =	vst.add.f32.msk $0xffff, v6  }
0x1f6: {  	v6 =	vld [tilespmem:s22+$0x4A00];
	_ =	sdelay $0x1  }
0x1f7: {  	s0 =	sadd.s32 $0x80, s0  }
0x1f8: {  	s0 =	sadd.s32 s29, s31  }
0x1f9: {  	s0 =	sadd.s32 s30, s0  }
0x1fa: {  	[tilespmem:s0+$0x0] =	vst.add.f32.msk $0xffff, v6  }
.LBB2_63:
0x1fb: {  	(v2sf) =	vpush v4, $0xE;
	_ =	sdelay $0xe  }
0x1fc: {  	s0 =	spop (v2sf)  }
0x1fd: {  	p0 =	seq.s32 s0, $0x0  }
.Ltmp37:
0x1fe: {  	_ = 	snop;
	(pc) =	sbr.rel @p0 .LBB2_67-.Ltmp37, $1  }
0x1ff: {  	_ =	sdelay $0x3  }
0x200: {  	(v2sf) =	vpush v5, $0xE;
	_ =	sdelay $0xd  }
0x201: {  	s5 =	simm.s32 $0x0  }
0x202: {  	s30 =	sand.u32 $0x70, s5;
	s0 =	spop (v2sf)  }
0x203: {  	s29 =	sand.u32 $0x400, s5;
	s2 =	sshll.u32 s0, $0x8;
	s0 =	sshll.u32 s0, $0x7  }
0x204: {  	s5 =	sor.u32 s30, s29;
	s2 =	sand.u32 $0xFFFFF800, s2;
	s0 =	sand.u32 $0x380, s0  }
0x205: {  	v6 =	vld [tilespmem:s5+$0x4A80];
	s0 =	sor.u32 s0, s2  }
0x206: {  	s2 =	simm.s32 $0x10;
	s31 =	sadd.s32 $0x4F80, s0;
	s0 =	simm.s32 $0x80  }
.LBB2_65:
0x207: {  	s5 =	sand.u32 $0x70, s2  }
0x208: {  	s18 =	sadd.s32 s29, s31;
	s29 =	sand.u32 $0x400, s0;
	p0 =	sne.s32 s2, $0xF0  }
.Ltmp38:
0x209: {  	s2 =	sadd.s32 $0x10, s2;
	s18 =	sadd.s32 s30, s18;
	(pc) =	sbr.rel @p0 .LBB2_65-.Ltmp38, $3  }
0x20a: {  	s22 =	sor.u32 s5, s29;
	s30 =	smov.u32 s5;
	[tilespmem:s18+$0x0] =	vst.add.f32.msk $0xffff, v6  }
0x20b: {  	v6 =	vld [tilespmem:s22+$0x4A80];
	_ =	sdelay $0x1  }
0x20c: {  	s0 =	sadd.s32 $0x80, s0  }
0x20d: {  	s0 =	sadd.s32 s29, s31  }
0x20e: {  	s0 =	sadd.s32 s30, s0  }
0x20f: {  	[tilespmem:s0+$0x0] =	vst.add.f32.msk $0xffff, v6  }
.LBB2_67:
0x210: {  	(v2sf) =	vpush v4, $0xF;
	_ =	sdelay $0xe  }
0x211: {  	s0 =	spop (v2sf)  }
0x212: {  	p0 =	seq.s32 s0, $0x0  }
.Ltmp39:
0x213: {  	_ = 	snop;
	(pc) =	sbr.rel @p0 .LBB2_71-.Ltmp39, $1  }
0x214: {  	_ =	sdelay $0x3  }
0x215: {  	(v2sf) =	vpush v5, $0xF;
	_ =	sdelay $0xd  }
0x216: {  	s5 =	simm.s32 $0x0  }
0x217: {  	s30 =	sand.u32 $0x70, s5;
	s0 =	spop (v2sf)  }
0x218: {  	s29 =	sand.u32 $0x400, s5;
	s2 =	sshll.u32 s0, $0x8;
	s0 =	sshll.u32 s0, $0x7  }
0x219: {  	s5 =	sor.u32 s30, s29;
	s2 =	sand.u32 $0xFFFFF800, s2;
	s0 =	sand.u32 $0x380, s0  }
0x21a: {  	v4 =	vld [tilespmem:s5+$0x4B00];
	s0 =	sor.u32 s0, s2  }
0x21b: {  	s2 =	simm.s32 $0x10;
	s31 =	sadd.s32 $0x4F80, s0;
	s0 =	simm.s32 $0x80  }
.LBB2_69:
0x21c: {  	s5 =	sand.u32 $0x70, s2  }
0x21d: {  	s18 =	sadd.s32 s29, s31;
	s29 =	sand.u32 $0x400, s0;
	p0 =	sne.s32 s2, $0xF0  }
.Ltmp40:
0x21e: {  	s2 =	sadd.s32 $0x10, s2;
	s18 =	sadd.s32 s30, s18;
	(pc) =	sbr.rel @p0 .LBB2_69-.Ltmp40, $3  }
0x21f: {  	s22 =	sor.u32 s5, s29;
	s30 =	smov.u32 s5;
	[tilespmem:s18+$0x0] =	vst.add.f32.msk $0xffff, v4  }
0x220: {  	v4 =	vld [tilespmem:s22+$0x4B00];
	_ =	sdelay $0x1  }
0x221: {  	s0 =	sadd.s32 $0x80, s0  }
.Ltmp41:
0x222: {  	(pc) =	sbr.rel .LBB2_71-.Ltmp41, $4  }
0x223: {  	_ = 	snop  }
0x224: {  	s0 =	sadd.s32 s29, s31  }
0x225: {  	s0 =	sadd.s32 s30, s0  }
0x226: {  	[tilespmem:s0+$0x0] =	vst.add.f32.msk $0xffff, v4  }
.LBB2_74:
0x227: {  	_ =	sfence.sel $0x180000  }
0x228: {  	[bflag:$0x0] =	sbarrier.arrive $0xFFFF  }
0x229: {  	_ =	strace $0x90000047  }
0x22a: {  	s0 =	stileid.u32;
	[bflag:$0x2] =	sbarrier.arrive $0xFFFF  }
0x22b: {  	p0 =	sne.s32 s0, $0x0;
	s0 =	rddreg [dreg:$0x4]  }
0x22c: {  	s0 =	sadd.s32 @!p0 $0x100000, s0  }
0x22d: {  	[sflag:s0] =	ssyncadd.tile.s32 @!p0 $0x1;
	_ =	shalt  }
.Lfunc_end2:
_tile_overlayer_lowered:
.L_overlay_start_2:
0x22e: {  	(tag) =	ssettag $0x2  }
0x22f: {  	s0 =	rddreg [dreg:$0x0];
	s2 =	stileid.u32  }
0x230: {  	s1 =	rddreg [dreg:$0x1];
	p0 =	sne.s32 s2, $0x0  }
0x231: {  	s3 =	rddreg [dreg:$0x2];
	[bflag:$0x3] =	sbarrier.arrive $0xFFFF;
	s2 =	simm.s32 @!p0 $0x1C02  }
0x232: {  	[timem:s3], [sflag:s2] =	dma.local @!p0 [hbm:s0], s1  }
0x233: {  	s0 =	simm.s32 @!p0 $0x2  }
0x234: {  	_ =	swait.ge @!p0 [sflag:s0], s1  }
0x235: {  	s1 =	ssub.s32 @!p0 $0x0, s1;
	[sflag:s0] =	ssyncset.done @!p0 $0x0  }
0x236: {  	[sflag:s0] =	ssyncadd.s32 @!p0 s1  }
0x237: {  	[bflag:$0x3] =	sbarrier.arrive $0xFFFF  }
0x238: {  	_ =	shalt  }

</sc_bundles>
